<compile_context>
chip_gen: v7x
topology: tpu7x:2x2x1
jax: 0.10.2.dev20260603
libtpu: 0.0.44.dev20260713+nightly
codegen_flags: <defaults>
</compile_context>

<pallas_src>
import functools

import jax
import jax.numpy as jnp
from jax import lax
from jax.experimental import pallas as pl
from jax.experimental.pallas import tpu as pltpu
from jax.experimental.pallas import tpu_sc as plsc

N = 10000
E = 320000
D = 128
DH = D // 2
NC = 2
NS = 16
EPT = E // NS
C = 128
NBLK = E // C
NCH = NBLK // NS
U = 80
NU = N // U
DEGW = 16
NB = 3


def _sc_aggregate(ftab, eidx):
    mesh = plsc.VectorSubcoreMesh(core_axis_name="c", subcore_axis_name="s")

    @functools.partial(
        pl.kernel,
        out_type=(
            jax.ShapeDtypeStruct((N, D), jnp.float32),
            jax.ShapeDtypeStruct((NC, N, DEGW), jnp.float32),
        ),
        mesh=mesh,
        compiler_params=pltpu.CompilerParams(use_tc_tiling_on_sc=False),
        scratch_types=[
            [pltpu.VMEM((C, DH), jnp.float32) for _ in range(NB)],
            pltpu.VMEM((NCH + 1, 2, C), jnp.int32),
            pltpu.VMEM((C, DEGW), jnp.float32),
            [pltpu.SemaphoreType.DMA for _ in range(NB)],
            [pltpu.SemaphoreType.DMA for _ in range(NB)],
            pltpu.SemaphoreType.DMA,
            pltpu.VMEM_SHARED((N, DH), jnp.float32),
            pltpu.VMEM_SHARED((N, DEGW), jnp.float32),
        ],
    )
    def sc_agg(ftab_hbm, eidx_hbm, part_hbm, degw_hbm,
               rows, idx_v, ones_v, sem_g, sem_s, sem_d, acc, degs):
        c = lax.axis_index("c")
        s = lax.axis_index("s")
        zero16 = jnp.zeros((16,), jnp.float32)
        one16 = jnp.ones((16,), jnp.float32)

        def zr(i, carry):
            for k in range(DH // 16):
                rows[0][i, pl.ds(k * 16, 16)] = zero16
            ones_v[i, :] = zero16
            return carry
        lax.fori_loop(0, C, zr, 0)

        for k in range(pl.cdiv(NU, NS)):
            u = s + k * NS

            @pl.when(u < NU)
            def _():
                pltpu.async_copy(rows[0].at[pl.ds(0, U)],
                                 acc.at[pl.ds(u * U, U)], sem_g[0])
                pltpu.async_copy(ones_v.at[pl.ds(0, U)],
                                 degs.at[pl.ds(u * U, U)], sem_g[1])
        for k in range(pl.cdiv(NU, NS)):
            u = s + k * NS

            @pl.when(u < NU)
            def _():
                pltpu.make_async_copy(rows[0].at[pl.ds(0, U)],
                                      acc.at[pl.ds(u * U, U)],
                                      sem_g[0]).wait()
                pltpu.make_async_copy(ones_v.at[pl.ds(0, U)],
                                      degs.at[pl.ds(u * U, U)],
                                      sem_g[1]).wait()

        def so(i, carry):
            ones_v[i, :] = one16
            return carry
        lax.fori_loop(0, C, so, 0)

        off = s * NCH + jnp.minimum(s, NBLK - NCH * NS)
        pltpu.sync_copy(eidx_hbm.at[pl.ds(off, NCH)],
                        idx_v.at[pl.ds(0, NCH)])

        @pl.when(s < NBLK - NCH * NS)
        def _():
            pltpu.sync_copy(eidx_hbm.at[pl.ds(off + NCH, 1)],
                            idx_v.at[pl.ds(NCH, 1)])

        def tx(i, carry):
            for k in range(C // 16):
                v = idx_v[i, 0, pl.ds(k * 16, 16)]
                idx_v[i, 0, pl.ds(k * 16, 16)] = v + v + c
            return carry
        lax.fori_loop(0, NCH + 1, tx, 0)

        plsc.subcore_barrier()

        def fire(jj, b):
            pltpu.async_copy(ftab_hbm.at[idx_v.at[jj, 0]], rows[b],
                             sem_g[b])

        def wait_g(b):
            pltpu.make_async_copy(
                ftab_hbm.at[pl.ds(0, C)], rows[b], sem_g[b]).wait()

        def wait_s(b):
            pltpu.make_async_copy(
                rows[b], acc.at[pl.ds(0, C)], sem_s[b]).wait()

        fire(0, 0)
        fire(1, 1)

        def chunk(jj, b):
            wait_g(b)
            pltpu.async_copy(rows[b], acc.at[idx_v.at[jj, 1]], sem_s[b],
                             add=True)
            @pl.when((jj + c) % 2 == 0)
            def _():
                pltpu.async_copy(ones_v, degs.at[idx_v.at[jj, 1]], sem_d,
                                 add=True)

            bb = (b + 2) % NB
            more = (jj + 2 < NCH) | ((jj + 2 == NCH)
                                     & (s < NBLK - NCH * NS))

            @pl.when(more)
            def _():
                @pl.when(jj >= NB - 2)
                def _():
                    wait_s(bb)
                fire(jj + 2, bb)

        def outer(i, carry):
            for u in range(NB):
                chunk(i * NB + u, u)
            return carry
        lax.fori_loop(0, NCH // NB, outer, 0)
        for jj in range(NCH - NCH % NB, NCH):
            chunk(jj, jj % NB)

        @pl.when(s < NBLK - NCH * NS)
        def _():
            chunk(NCH, NCH % NB)

        for b in range(NB):
            wait_s(b)

        def wait_d(n, carry):
            pltpu.make_async_copy(
                ones_v, degs.at[pl.ds(0, C)], sem_d).wait()
            return carry

        @pl.when(c == 0)
        def _():
            lax.fori_loop(0, (NCH + 1) // 2, wait_d, 0)

        @pl.when((c == 0) & (s < NBLK - NCH * NS))
        def _():
            wait_d(0, 0)

        @pl.when(c == 1)
        def _():
            lax.fori_loop(0, NCH // 2 + NCH % 2, wait_d, 0)

        plsc.subcore_barrier()

        for k in range(pl.cdiv(NU, NS)):
            u = s + k * NS

            @pl.when(u < NU)
            def _():
                pltpu.async_copy(acc.at[pl.ds(u * U, U)],
                                 part_hbm.at[pl.ds(u * U, U),
                                             pl.ds(c * DH, DH)],
                                 sem_g[0])
                pltpu.async_copy(degs.at[pl.ds(u * U, U)],
                                 degw_hbm.at[c, pl.ds(u * U, U)],
                                 sem_g[1])
        for k in range(pl.cdiv(NU, NS)):
            u = s + k * NS

            @pl.when(u < NU)
            def _():
                pltpu.make_async_copy(acc.at[pl.ds(u * U, U)],
                                      part_hbm.at[pl.ds(u * U, U),
                                                  pl.ds(c * DH, DH)],
                                      sem_g[0]).wait()
                pltpu.make_async_copy(degs.at[pl.ds(u * U, U)],
                                      degw_hbm.at[c, pl.ds(u * U, U)],
                                      sem_g[1]).wait()

    return sc_agg(ftab, eidx)


def _tc_combine(feat, part, degw, wn_t, ws_t, b2):
    R = 2000

    def body(f_ref, p_ref, d_ref, wn_ref, ws_ref, b_ref, o_ref):
        x = f_ref[...]
        deg = d_ref[0, :, 0:1] + d_ref[1, :, 0:1]
        scale = 1.0 / jnp.maximum(deg, 1.0)
        hn = jnp.dot(p_ref[...] * scale, wn_ref[...],
                     preferred_element_type=jnp.float32)
        hs = jnp.dot(x, ws_ref[...], preferred_element_type=jnp.float32)
        o_ref[...] = hs + b_ref[...] + hn

    return pl.pallas_call(
        body,
        grid=(N // R,),
        in_specs=[
            pl.BlockSpec((R, D), lambda i: (i, 0)),
            pl.BlockSpec((R, D), lambda i: (i, 0)),
            pl.BlockSpec((NC, R, DEGW), lambda i: (0, i, 0)),
            pl.BlockSpec((D, D), lambda i: (0, 0)),
            pl.BlockSpec((D, D), lambda i: (0, 0)),
            pl.BlockSpec((1, D), lambda i: (0, 0)),
        ],
        out_specs=pl.BlockSpec((R, D), lambda i: (i, 0)),
        out_shape=jax.ShapeDtypeStruct((N, D), jnp.float32),
    )(feat, part, degw, wn_t, ws_t, b2)


def kernel(feat, edge_index, W_neigh, W_self, b_self):
    eidx = edge_index.astype(jnp.int32).reshape(2, NBLK, C)
    eidx = eidx.transpose(1, 0, 2)
    ftab = feat.reshape(N * NC, DH)
    part, degw = _sc_aggregate(ftab, eidx)
    return _tc_combine(feat, part, degw, W_neigh.T, W_self.T,
                       b_self.reshape(1, D))

# --- scband reference (transcript-rebuilt; emitter-appended) ---
"""Pipeline reference for scband-sageconv-83099027243350 (READ-ONLY COPY).

The authoritative reference and input builder live on the scoring server;
editing this copy changes nothing except your own understanding.
"""

import jax, jax.numpy as jnp
import numpy as np

N_NODES = 10000
N_EDGES = 320000
D_IN = 128
D_OUT = 128

def setup_inputs(seed: int = 0) -> dict:
    key = jax.random.key(seed)
    k1, k2, k3, k4, k5 = jax.random.split(key, 5)
    feat = jax.random.normal(k1, (N_NODES, D_IN), dtype=jnp.float32)
    edge_index = jax.random.randint(k2, (2, N_EDGES), 0, N_NODES, dtype=jnp.int64)
    # fc_neigh: Linear(in_feats, out_feats, bias=False), xavier_uniform with relu gain
    gain = float(np.sqrt(2.0))
    bnd_n = gain * float(np.sqrt(6.0 / (D_IN + D_OUT)))
    W_neigh = jax.random.uniform(k3, (D_OUT, D_IN), minval=-bnd_n, maxval=bnd_n, dtype=jnp.float32)
    # fc_self: Linear(in_feats, out_feats, bias=True), xavier_uniform weight
    W_self = jax.random.uniform(k4, (D_OUT, D_IN), minval=-bnd_n, maxval=bnd_n, dtype=jnp.float32)
    b_self = jnp.zeros((D_OUT,), dtype=jnp.float32)
    return {"feat": feat, "edge_index": edge_index, "W_neigh": W_neigh, "W_self": W_self, "b_self": b_self}

def reference(feat, edge_index, W_neigh, W_self, b_self):
    # SAGEConv, aggregator_type='mean', feat_drop=0 (identity at inference)
    # lin_before_mp = (in_feats > out_feats) = (128 > 128) = False
    src = edge_index[0]
    dst = edge_index[1]
    n = feat.shape[0]
    h_self = feat
    # message: copy_u('h','m'); reduce: mean('m','neigh') over in-edges of dst
    msg = jnp.take(feat, src, axis=0)
    seg_sum = jax.ops.segment_sum(msg, dst, num_segments=n)
    deg = jax.ops.segment_sum(jnp.ones((src.shape[0],), dtype=feat.dtype), dst, num_segments=n)
    h_neigh = seg_sum / jnp.maximum(deg, 1.0)[:, None]  # zero in-degree -> 0 (DGL mean semantics)
    # fc_neigh applied after message passing (lin_before_mp False)
    h_neigh = h_neigh @ W_neigh.T
    rst = (h_self @ W_self.T + b_self) + h_neigh
    return rst

if __name__ == "__main__":
    import jax
    _d = setup_inputs()
    print(jax.jit(kernel)(*tuple(_d.values())))

</pallas_src>

<mosaic_0001>
#map = affine_map<(d0, d1) -> (0, 0)>
#map1 = affine_map<(d0, d1) -> (0, 0, 0)>
module attributes {stable_mosaic.version = 14 : i64} {
  func.func @sc_agg(%arg0: i32, %arg1: i32, %arg2: memref<20000x64xf32, #tpu.memory_space<hbm>>, %arg3: memref<2500x2x128xi32, #tpu.memory_space<hbm>>, %arg4: memref<10000x128xf32, #tpu.memory_space<hbm>>, %arg5: memref<2x10000x16xf32, #tpu.memory_space<hbm>>, %arg6: memref<128x64xf32, #tpu.memory_space<vmem>>, %arg7: memref<128x64xf32, #tpu.memory_space<vmem>>, %arg8: memref<128x64xf32, #tpu.memory_space<vmem>>, %arg9: memref<157x2x128xi32, #tpu.memory_space<vmem>>, %arg10: memref<128x16xf32, #tpu.memory_space<vmem>>, %arg11: memref<!tpu.dma_semaphore, #tpu.memory_space<semaphore_mem>>, %arg12: memref<!tpu.dma_semaphore, #tpu.memory_space<semaphore_mem>>, %arg13: memref<!tpu.dma_semaphore, #tpu.memory_space<semaphore_mem>>, %arg14: memref<!tpu.dma_semaphore, #tpu.memory_space<semaphore_mem>>, %arg15: memref<!tpu.dma_semaphore, #tpu.memory_space<semaphore_mem>>, %arg16: memref<!tpu.dma_semaphore, #tpu.memory_space<semaphore_mem>>, %arg17: memref<!tpu.dma_semaphore, #tpu.memory_space<semaphore_mem>>, %arg18: memref<10000x64xf32, #tpu.memory_space<vmem_shared>>, %arg19: memref<10000x16xf32, #tpu.memory_space<vmem_shared>>) attributes {dimension_semantics = [#tpu.dimension_semantics<core_parallel>, #tpu.dimension_semantics<subcore_parallel>], iteration_bounds = array<i64: 2, 16>, scalar_prefetch = 0 : i64, scratch_operands = 14 : i64, tpu.core_type = #tpu.core_type<sc_vector_subcore>, window_params = [{transform_indices = #map}, {transform_indices = #map1}, {transform_indices = #map}, {transform_indices = #map1}]} {
    %broadcast_in_dim3A = arith.constant 0.000000e+00 : f32
    %broadcast_in_dim3A_0 = vector.broadcast %broadcast_in_dim3A : f32 to vector<16xf32>
    %broadcast_in_dim3A_1 = arith.constant 1.000000e+00 : f32
    %broadcast_in_dim3A_2 = vector.broadcast %broadcast_in_dim3A_1 : f32 to vector<16xf32>
    %scan3A = arith.constant 0 : i32
    %scan3A_3 = arith.constant 0 : i32
    %scan3A_4 = arith.constant 128 : i32
    %scan3A_5 = arith.addi %scan3A_3, %scan3A_4 : i32
    %scan3A_6 = arith.constant 1 : i32
    scf.for %scan3A_308 = %scan3A_3 to %scan3A_5 step %scan3A_6  : i32 {
      %swap3A = arith.index_cast %scan3A_308 : i32 to index
      %swap3A_309 = arith.constant 0 : index
      %swap3A_310 = tpu.vector_load %arg6[%swap3A, %swap3A_309] {strides = array<i32>} : memref<128x64xf32, #tpu.memory_space<vmem>>, vector<1x16xf32>,
      %swap3A_311 = vector.shape_cast %swap3A_310 : vector<1x16xf32> to vector<16xf32>
      %swap3A_312 = vector.shape_cast %broadcast_in_dim3A_0 : vector<16xf32> to vector<1x16xf32>
      tpu.vector_store %arg6[%swap3A, %swap3A_309], %swap3A_312 {strides = array<i32>} : memref<128x64xf32, #tpu.memory_space<vmem>>, vector<1x16xf32>,
      %swap3A_313 = arith.index_cast %scan3A_308 : i32 to index
      %swap3A_314 = arith.constant 16 : index
      %swap3A_315 = tpu.vector_load %arg6[%swap3A_313, %swap3A_314] {strides = array<i32>} : memref<128x64xf32, #tpu.memory_space<vmem>>, vector<1x16xf32>,
      %swap3A_316 = vector.shape_cast %swap3A_315 : vector<1x16xf32> to vector<16xf32>
      %swap3A_317 = vector.shape_cast %broadcast_in_dim3A_0 : vector<16xf32> to vector<1x16xf32>
      tpu.vector_store %arg6[%swap3A_313, %swap3A_314], %swap3A_317 {strides = array<i32>} : memref<128x64xf32, #tpu.memory_space<vmem>>, vector<1x16xf32>,
      %swap3A_318 = arith.index_cast %scan3A_308 : i32 to index
      %swap3A_319 = arith.constant 32 : index
      %swap3A_320 = tpu.vector_load %arg6[%swap3A_318, %swap3A_319] {strides = array<i32>} : memref<128x64xf32, #tpu.memory_space<vmem>>, vector<1x16xf32>,
      %swap3A_321 = vector.shape_cast %swap3A_320 : vector<1x16xf32> to vector<16xf32>
      %swap3A_322 = vector.shape_cast %broadcast_in_dim3A_0 : vector<16xf32> to vector<1x16xf32>
      tpu.vector_store %arg6[%swap3A_318, %swap3A_319], %swap3A_322 {strides = array<i32>} : memref<128x64xf32, #tpu.memory_space<vmem>>, vector<1x16xf32>,
      %swap3A_323 = arith.index_cast %scan3A_308 : i32 to index
      %swap3A_324 = arith.constant 48 : index
      %swap3A_325 = tpu.vector_load %arg6[%swap3A_323, %swap3A_324] {strides = array<i32>} : memref<128x64xf32, #tpu.memory_space<vmem>>, vector<1x16xf32>,
      %swap3A_326 = vector.shape_cast %swap3A_325 : vector<1x16xf32> to vector<16xf32>
      %swap3A_327 = vector.shape_cast %broadcast_in_dim3A_0 : vector<16xf32> to vector<1x16xf32>
      tpu.vector_store %arg6[%swap3A_323, %swap3A_324], %swap3A_327 {strides = array<i32>} : memref<128x64xf32, #tpu.memory_space<vmem>>, vector<1x16xf32>,
      %swap3A_328 = arith.index_cast %scan3A_308 : i32 to index
      %swap3A_329 = arith.constant 0 : index
      %swap3A_330 = tpu.vector_load %arg10[%swap3A_328, %swap3A_329] {strides = array<i32>} : memref<128x16xf32, #tpu.memory_space<vmem>>, vector<1x16xf32>,
      %swap3A_331 = vector.shape_cast %swap3A_330 : vector<1x16xf32> to vector<16xf32>
      %swap3A_332 = vector.shape_cast %broadcast_in_dim3A_0 : vector<16xf32> to vector<1x16xf32>
      tpu.vector_store %arg10[%swap3A_328, %swap3A_329], %swap3A_332 {strides = array<i32>} : memref<128x16xf32, #tpu.memory_space<vmem>>, vector<1x16xf32>,
    }
    %scan3A_7 = arith.constant 128 : i32
    %add3A = arith.constant 0 : i32
    %add3A_8 = arith.addi %arg1, %add3A : i32
    %lt3A = arith.constant 125 : i32
    %lt3A_9 = arith.cmpi slt, %add3A_8, %lt3A : i32
    %convert_element_type3A = arith.extui %lt3A_9 : i1 to i32
    %cond3A = arith.constant 0 : i32
    %cond3A_10 = arith.cmpi ne, %convert_element_type3A, %cond3A : i32
    scf.if %cond3A_10 {
      %mul3A_308 = arith.constant 80 : i32
      %mul3A_309 = arith.muli %add3A_8, %mul3A_308 : i32
      %dma_start3A_310 = arith.constant 0 : i32
      %dma_start3A_311 = arith.constant 0 : i32
      %dma_start3A_312 = tpu.memref_slice %arg6[%dma_start3A_310, %dma_start3A_311] : memref<128x64xf32, #tpu.memory_space<vmem>> -> memref<80x64xf32, #tpu.memory_space<vmem>>
      %dma_start3A_313 = arith.constant 0 : i32
      %dma_start3A_314 = tpu.memref_slice %arg18[%mul3A_309, %dma_start3A_313] : memref<10000x64xf32, #tpu.memory_space<vmem_shared>> -> memref<80x64xf32, #tpu.memory_space<vmem_shared>>
      %dma_start3A_315 = arith.constant 0 : i32
      %dma_start3A_316 = tpu.memref_slice %arg18[%mul3A_309, %dma_start3A_315] : memref<10000x64xf32, #tpu.memory_space<vmem_shared>> -> memref<80x64xf32, #tpu.memory_space<vmem_shared>>
      %dma_start3A_317 = arith.constant 0 : i32
      %dma_start3A_318 = arith.constant 0 : i32
      %dma_start3A_319 = tpu.memref_slice %arg6[%dma_start3A_317, %dma_start3A_318] : memref<128x64xf32, #tpu.memory_space<vmem>> -> memref<80x64xf32, #tpu.memory_space<vmem>>
      tpu.enqueue_dma source(%dma_start3A_319 : memref<80x64xf32, #tpu.memory_space<vmem>>) target(%dma_start3A_316 : memref<80x64xf32, #tpu.memory_space<vmem_shared>>) target_semaphore(%arg11 : memref<!tpu.dma_semaphore, #tpu.memory_space<semaphore_mem>>)
      %mul3A_320 = arith.constant 80 : i32
      %mul3A_321 = arith.muli %add3A_8, %mul3A_320 : i32
      %dma_start3A_322 = arith.constant 0 : i32
      %dma_start3A_323 = arith.constant 0 : i32
      %dma_start3A_324 = tpu.memref_slice %arg10[%dma_start3A_322, %dma_start3A_323] : memref<128x16xf32, #tpu.memory_space<vmem>> -> memref<80x16xf32, #tpu.memory_space<vmem>>
      %dma_start3A_325 = arith.constant 0 : i32
      %dma_start3A_326 = tpu.memref_slice %arg19[%mul3A_321, %dma_start3A_325] : memref<10000x16xf32, #tpu.memory_space<vmem_shared>> -> memref<80x16xf32, #tpu.memory_space<vmem_shared>>
      %dma_start3A_327 = arith.constant 0 : i32
      %dma_start3A_328 = tpu.memref_slice %arg19[%mul3A_321, %dma_start3A_327] : memref<10000x16xf32, #tpu.memory_space<vmem_shared>> -> memref<80x16xf32, #tpu.memory_space<vmem_shared>>
      %dma_start3A_329 = arith.constant 0 : i32
      %dma_start3A_330 = arith.constant 0 : i32
      %dma_start3A_331 = tpu.memref_slice %arg10[%dma_start3A_329, %dma_start3A_330] : memref<128x16xf32, #tpu.memory_space<vmem>> -> memref<80x16xf32, #tpu.memory_space<vmem>>
      tpu.enqueue_dma source(%dma_start3A_331 : memref<80x16xf32, #tpu.memory_space<vmem>>) target(%dma_start3A_328 : memref<80x16xf32, #tpu.memory_space<vmem_shared>>) target_semaphore(%arg12 : memref<!tpu.dma_semaphore, #tpu.memory_space<semaphore_mem>>)
    } else {
    }
    %add3A_11 = arith.constant 16 : i32
    %add3A_12 = arith.addi %arg1, %add3A_11 : i32
    %lt3A_13 = arith.constant 125 : i32
    %lt3A_14 = arith.cmpi slt, %add3A_12, %lt3A_13 : i32
    %convert_element_type3A_15 = arith.extui %lt3A_14 : i1 to i32
    %cond3A_16 = arith.constant 0 : i32
    %cond3A_17 = arith.cmpi ne, %convert_element_type3A_15, %cond3A_16 : i32
    scf.if %cond3A_17 {
      %mul3A_308 = arith.constant 80 : i32
      %mul3A_309 = arith.muli %add3A_12, %mul3A_308 : i32
      %dma_start3A_310 = arith.constant 0 : i32
      %dma_start3A_311 = arith.constant 0 : i32
      %dma_start3A_312 = tpu.memref_slice %arg6[%dma_start3A_310, %dma_start3A_311] : memref<128x64xf32, #tpu.memory_space<vmem>> -> memref<80x64xf32, #tpu.memory_space<vmem>>
      %dma_start3A_313 = arith.constant 0 : i32
      %dma_start3A_314 = tpu.memref_slice %arg18[%mul3A_309, %dma_start3A_313] : memref<10000x64xf32, #tpu.memory_space<vmem_shared>> -> memref<80x64xf32, #tpu.memory_space<vmem_shared>>
      %dma_start3A_315 = arith.constant 0 : i32
      %dma_start3A_316 = tpu.memref_slice %arg18[%mul3A_309, %dma_start3A_315] : memref<10000x64xf32, #tpu.memory_space<vmem_shared>> -> memref<80x64xf32, #tpu.memory_space<vmem_shared>>
      %dma_start3A_317 = arith.constant 0 : i32
      %dma_start3A_318 = arith.constant 0 : i32
      %dma_start3A_319 = tpu.memref_slice %arg6[%dma_start3A_317, %dma_start3A_318] : memref<128x64xf32, #tpu.memory_space<vmem>> -> memref<80x64xf32, #tpu.memory_space<vmem>>
      tpu.enqueue_dma source(%dma_start3A_319 : memref<80x64xf32, #tpu.memory_space<vmem>>) target(%dma_start3A_316 : memref<80x64xf32, #tpu.memory_space<vmem_shared>>) target_semaphore(%arg11 : memref<!tpu.dma_semaphore, #tpu.memory_space<semaphore_mem>>)
      %mul3A_320 = arith.constant 80 : i32
      %mul3A_321 = arith.muli %add3A_12, %mul3A_320 : i32
      %dma_start3A_322 = arith.constant 0 : i32
      %dma_start3A_323 = arith.constant 0 : i32
      %dma_start3A_324 = tpu.memref_slice %arg10[%dma_start3A_322, %dma_start3A_323] : memref<128x16xf32, #tpu.memory_space<vmem>> -> memref<80x16xf32, #tpu.memory_space<vmem>>
      %dma_start3A_325 = arith.constant 0 : i32
      %dma_start3A_326 = tpu.memref_slice %arg19[%mul3A_321, %dma_start3A_325] : memref<10000x16xf32, #tpu.memory_space<vmem_shared>> -> memref<80x16xf32, #tpu.memory_space<vmem_shared>>
      %dma_start3A_327 = arith.constant 0 : i32
      %dma_start3A_328 = tpu.memref_slice %arg19[%mul3A_321, %dma_start3A_327] : memref<10000x16xf32, #tpu.memory_space<vmem_shared>> -> memref<80x16xf32, #tpu.memory_space<vmem_shared>>
      %dma_start3A_329 = arith.constant 0 : i32
      %dma_start3A_330 = arith.constant 0 : i32
      %dma_start3A_331 = tpu.memref_slice %arg10[%dma_start3A_329, %dma_start3A_330] : memref<128x16xf32, #tpu.memory_space<vmem>> -> memref<80x16xf32, #tpu.memory_space<vmem>>
      tpu.enqueue_dma source(%dma_start3A_331 : memref<80x16xf32, #tpu.memory_space<vmem>>) target(%dma_start3A_328 : memref<80x16xf32, #tpu.memory_space<vmem_shared>>) target_semaphore(%arg12 : memref<!tpu.dma_semaphore, #tpu.memory_space<semaphore_mem>>)
    } else {
    }
    %add3A_18 = arith.constant 32 : i32
    %add3A_19 = arith.addi %arg1, %add3A_18 : i32
    %lt3A_20 = arith.constant 125 : i32
    %lt3A_21 = arith.cmpi slt, %add3A_19, %lt3A_20 : i32
    %convert_element_type3A_22 = arith.extui %lt3A_21 : i1 to i32
    %cond3A_23 = arith.constant 0 : i32
    %cond3A_24 = arith.cmpi ne, %convert_element_type3A_22, %cond3A_23 : i32
    scf.if %cond3A_24 {
      %mul3A_308 = arith.constant 80 : i32
      %mul3A_309 = arith.muli %add3A_19, %mul3A_308 : i32
      %dma_start3A_310 = arith.constant 0 : i32
      %dma_start3A_311 = arith.constant 0 : i32
      %dma_start3A_312 = tpu.memref_slice %arg6[%dma_start3A_310, %dma_start3A_311] : memref<128x64xf32, #tpu.memory_space<vmem>> -> memref<80x64xf32, #tpu.memory_space<vmem>>
      %dma_start3A_313 = arith.constant 0 : i32
      %dma_start3A_314 = tpu.memref_slice %arg18[%mul3A_309, %dma_start3A_313] : memref<10000x64xf32, #tpu.memory_space<vmem_shared>> -> memref<80x64xf32, #tpu.memory_space<vmem_shared>>
      %dma_start3A_315 = arith.constant 0 : i32
      %dma_start3A_316 = tpu.memref_slice %arg18[%mul3A_309, %dma_start3A_315] : memref<10000x64xf32, #tpu.memory_space<vmem_shared>> -> memref<80x64xf32, #tpu.memory_space<vmem_shared>>
      %dma_start3A_317 = arith.constant 0 : i32
      %dma_start3A_318 = arith.constant 0 : i32
      %dma_start3A_319 = tpu.memref_slice %arg6[%dma_start3A_317, %dma_start3A_318] : memref<128x64xf32, #tpu.memory_space<vmem>> -> memref<80x64xf32, #tpu.memory_space<vmem>>
      tpu.enqueue_dma source(%dma_start3A_319 : memref<80x64xf32, #tpu.memory_space<vmem>>) target(%dma_start3A_316 : memref<80x64xf32, #tpu.memory_space<vmem_shared>>) target_semaphore(%arg11 : memref<!tpu.dma_semaphore, #tpu.memory_space<semaphore_mem>>)
      %mul3A_320 = arith.constant 80 : i32
      %mul3A_321 = arith.muli %add3A_19, %mul3A_320 : i32
      %dma_start3A_322 = arith.constant 0 : i32
      %dma_start3A_323 = arith.constant 0 : i32
      %dma_start3A_324 = tpu.memref_slice %arg10[%dma_start3A_322, %dma_start3A_323] : memref<128x16xf32, #tpu.memory_space<vmem>> -> memref<80x16xf32, #tpu.memory_space<vmem>>
      %dma_start3A_325 = arith.constant 0 : i32
      %dma_start3A_326 = tpu.memref_slice %arg19[%mul3A_321, %dma_start3A_325] : memref<10000x16xf32, #tpu.memory_space<vmem_shared>> -> memref<80x16xf32, #tpu.memory_space<vmem_shared>>
      %dma_start3A_327 = arith.constant 0 : i32
      %dma_start3A_328 = tpu.memref_slice %arg19[%mul3A_321, %dma_start3A_327] : memref<10000x16xf32, #tpu.memory_space<vmem_shared>> -> memref<80x16xf32, #tpu.memory_space<vmem_shared>>
      %dma_start3A_329 = arith.constant 0 : i32
      %dma_start3A_330 = arith.constant 0 : i32
      %dma_start3A_331 = tpu.memref_slice %arg10[%dma_start3A_329, %dma_start3A_330] : memref<128x16xf32, #tpu.memory_space<vmem>> -> memref<80x16xf32, #tpu.memory_space<vmem>>
      tpu.enqueue_dma source(%dma_start3A_331 : memref<80x16xf32, #tpu.memory_space<vmem>>) target(%dma_start3A_328 : memref<80x16xf32, #tpu.memory_space<vmem_shared>>) target_semaphore(%arg12 : memref<!tpu.dma_semaphore, #tpu.memory_space<semaphore_mem>>)
    } else {
    }
    %add3A_25 = arith.constant 48 : i32
    %add3A_26 = arith.addi %arg1, %add3A_25 : i32
    %lt3A_27 = arith.constant 125 : i32
    %lt3A_28 = arith.cmpi slt, %add3A_26, %lt3A_27 : i32
    %convert_element_type3A_29 = arith.extui %lt3A_28 : i1 to i32
    %cond3A_30 = arith.constant 0 : i32
    %cond3A_31 = arith.cmpi ne, %convert_element_type3A_29, %cond3A_30 : i32
    scf.if %cond3A_31 {
      %mul3A_308 = arith.constant 80 : i32
      %mul3A_309 = arith.muli %add3A_26, %mul3A_308 : i32
      %dma_start3A_310 = arith.constant 0 : i32
      %dma_start3A_311 = arith.constant 0 : i32
      %dma_start3A_312 = tpu.memref_slice %arg6[%dma_start3A_310, %dma_start3A_311] : memref<128x64xf32, #tpu.memory_space<vmem>> -> memref<80x64xf32, #tpu.memory_space<vmem>>
      %dma_start3A_313 = arith.constant 0 : i32
      %dma_start3A_314 = tpu.memref_slice %arg18[%mul3A_309, %dma_start3A_313] : memref<10000x64xf32, #tpu.memory_space<vmem_shared>> -> memref<80x64xf32, #tpu.memory_space<vmem_shared>>
      %dma_start3A_315 = arith.constant 0 : i32
      %dma_start3A_316 = tpu.memref_slice %arg18[%mul3A_309, %dma_start3A_315] : memref<10000x64xf32, #tpu.memory_space<vmem_shared>> -> memref<80x64xf32, #tpu.memory_space<vmem_shared>>
      %dma_start3A_317 = arith.constant 0 : i32
      %dma_start3A_318 = arith.constant 0 : i32
      %dma_start3A_319 = tpu.memref_slice %arg6[%dma_start3A_317, %dma_start3A_318] : memref<128x64xf32, #tpu.memory_space<vmem>> -> memref<80x64xf32, #tpu.memory_space<vmem>>
      tpu.enqueue_dma source(%dma_start3A_319 : memref<80x64xf32, #tpu.memory_space<vmem>>) target(%dma_start3A_316 : memref<80x64xf32, #tpu.memory_space<vmem_shared>>) target_semaphore(%arg11 : memref<!tpu.dma_semaphore, #tpu.memory_space<semaphore_mem>>)
      %mul3A_320 = arith.constant 80 : i32
      %mul3A_321 = arith.muli %add3A_26, %mul3A_320 : i32
      %dma_start3A_322 = arith.constant 0 : i32
      %dma_start3A_323 = arith.constant 0 : i32
      %dma_start3A_324 = tpu.memref_slice %arg10[%dma_start3A_322, %dma_start3A_323] : memref<128x16xf32, #tpu.memory_space<vmem>> -> memref<80x16xf32, #tpu.memory_space<vmem>>
      %dma_start3A_325 = arith.constant 0 : i32
      %dma_start3A_326 = tpu.memref_slice %arg19[%mul3A_321, %dma_start3A_325] : memref<10000x16xf32, #tpu.memory_space<vmem_shared>> -> memref<80x16xf32, #tpu.memory_space<vmem_shared>>
      %dma_start3A_327 = arith.constant 0 : i32
      %dma_start3A_328 = tpu.memref_slice %arg19[%mul3A_321, %dma_start3A_327] : memref<10000x16xf32, #tpu.memory_space<vmem_shared>> -> memref<80x16xf32, #tpu.memory_space<vmem_shared>>
      %dma_start3A_329 = arith.constant 0 : i32
      %dma_start3A_330 = arith.constant 0 : i32
      %dma_start3A_331 = tpu.memref_slice %arg10[%dma_start3A_329, %dma_start3A_330] : memref<128x16xf32, #tpu.memory_space<vmem>> -> memref<80x16xf32, #tpu.memory_space<vmem>>
      tpu.enqueue_dma source(%dma_start3A_331 : memref<80x16xf32, #tpu.memory_space<vmem>>) target(%dma_start3A_328 : memref<80x16xf32, #tpu.memory_space<vmem_shared>>) target_semaphore(%arg12 : memref<!tpu.dma_semaphore, #tpu.memory_space<semaphore_mem>>)
    } else {
    }
    %add3A_32 = arith.constant 64 : i32
    %add3A_33 = arith.addi %arg1, %add3A_32 : i32
    %lt3A_34 = arith.constant 125 : i32
    %lt3A_35 = arith.cmpi slt, %add3A_33, %lt3A_34 : i32
    %convert_element_type3A_36 = arith.extui %lt3A_35 : i1 to i32
    %cond3A_37 = arith.constant 0 : i32
    %cond3A_38 = arith.cmpi ne, %convert_element_type3A_36, %cond3A_37 : i32
    scf.if %cond3A_38 {
      %mul3A_308 = arith.constant 80 : i32
      %mul3A_309 = arith.muli %add3A_33, %mul3A_308 : i32
      %dma_start3A_310 = arith.constant 0 : i32
      %dma_start3A_311 = arith.constant 0 : i32
      %dma_start3A_312 = tpu.memref_slice %arg6[%dma_start3A_310, %dma_start3A_311] : memref<128x64xf32, #tpu.memory_space<vmem>> -> memref<80x64xf32, #tpu.memory_space<vmem>>
      %dma_start3A_313 = arith.constant 0 : i32
      %dma_start3A_314 = tpu.memref_slice %arg18[%mul3A_309, %dma_start3A_313] : memref<10000x64xf32, #tpu.memory_space<vmem_shared>> -> memref<80x64xf32, #tpu.memory_space<vmem_shared>>
      %dma_start3A_315 = arith.constant 0 : i32
      %dma_start3A_316 = tpu.memref_slice %arg18[%mul3A_309, %dma_start3A_315] : memref<10000x64xf32, #tpu.memory_space<vmem_shared>> -> memref<80x64xf32, #tpu.memory_space<vmem_shared>>
      %dma_start3A_317 = arith.constant 0 : i32
      %dma_start3A_318 = arith.constant 0 : i32
      %dma_start3A_319 = tpu.memref_slice %arg6[%dma_start3A_317, %dma_start3A_318] : memref<128x64xf32, #tpu.memory_space<vmem>> -> memref<80x64xf32, #tpu.memory_space<vmem>>
      tpu.enqueue_dma source(%dma_start3A_319 : memref<80x64xf32, #tpu.memory_space<vmem>>) target(%dma_start3A_316 : memref<80x64xf32, #tpu.memory_space<vmem_shared>>) target_semaphore(%arg11 : memref<!tpu.dma_semaphore, #tpu.memory_space<semaphore_mem>>)
      %mul3A_320 = arith.constant 80 : i32
      %mul3A_321 = arith.muli %add3A_33, %mul3A_320 : i32
      %dma_start3A_322 = arith.constant 0 : i32
      %dma_start3A_323 = arith.constant 0 : i32
      %dma_start3A_324 = tpu.memref_slice %arg10[%dma_start3A_322, %dma_start3A_323] : memref<128x16xf32, #tpu.memory_space<vmem>> -> memref<80x16xf32, #tpu.memory_space<vmem>>
      %dma_start3A_325 = arith.constant 0 : i32
      %dma_start3A_326 = tpu.memref_slice %arg19[%mul3A_321, %dma_start3A_325] : memref<10000x16xf32, #tpu.memory_space<vmem_shared>> -> memref<80x16xf32, #tpu.memory_space<vmem_shared>>
      %dma_start3A_327 = arith.constant 0 : i32
      %dma_start3A_328 = tpu.memref_slice %arg19[%mul3A_321, %dma_start3A_327] : memref<10000x16xf32, #tpu.memory_space<vmem_shared>> -> memref<80x16xf32, #tpu.memory_space<vmem_shared>>
      %dma_start3A_329 = arith.constant 0 : i32
      %dma_start3A_330 = arith.constant 0 : i32
      %dma_start3A_331 = tpu.memref_slice %arg10[%dma_start3A_329, %dma_start3A_330] : memref<128x16xf32, #tpu.memory_space<vmem>> -> memref<80x16xf32, #tpu.memory_space<vmem>>
      tpu.enqueue_dma source(%dma_start3A_331 : memref<80x16xf32, #tpu.memory_space<vmem>>) target(%dma_start3A_328 : memref<80x16xf32, #tpu.memory_space<vmem_shared>>) target_semaphore(%arg12 : memref<!tpu.dma_semaphore, #tpu.memory_space<semaphore_mem>>)
    } else {
    }
    %add3A_39 = arith.constant 80 : i32
    %add3A_40 = arith.addi %arg1, %add3A_39 : i32
    %lt3A_41 = arith.constant 125 : i32
    %lt3A_42 = arith.cmpi slt, %add3A_40, %lt3A_41 : i32
    %convert_element_type3A_43 = arith.extui %lt3A_42 : i1 to i32
    %cond3A_44 = arith.constant 0 : i32
    %cond3A_45 = arith.cmpi ne, %convert_element_type3A_43, %cond3A_44 : i32
    scf.if %cond3A_45 {
      %mul3A_308 = arith.constant 80 : i32
      %mul3A_309 = arith.muli %add3A_40, %mul3A_308 : i32
      %dma_start3A_310 = arith.constant 0 : i32
      %dma_start3A_311 = arith.constant 0 : i32
      %dma_start3A_312 = tpu.memref_slice %arg6[%dma_start3A_310, %dma_start3A_311] : memref<128x64xf32, #tpu.memory_space<vmem>> -> memref<80x64xf32, #tpu.memory_space<vmem>>
      %dma_start3A_313 = arith.constant 0 : i32
      %dma_start3A_314 = tpu.memref_slice %arg18[%mul3A_309, %dma_start3A_313] : memref<10000x64xf32, #tpu.memory_space<vmem_shared>> -> memref<80x64xf32, #tpu.memory_space<vmem_shared>>
      %dma_start3A_315 = arith.constant 0 : i32
      %dma_start3A_316 = tpu.memref_slice %arg18[%mul3A_309, %dma_start3A_315] : memref<10000x64xf32, #tpu.memory_space<vmem_shared>> -> memref<80x64xf32, #tpu.memory_space<vmem_shared>>
      %dma_start3A_317 = arith.constant 0 : i32
      %dma_start3A_318 = arith.constant 0 : i32
      %dma_start3A_319 = tpu.memref_slice %arg6[%dma_start3A_317, %dma_start3A_318] : memref<128x64xf32, #tpu.memory_space<vmem>> -> memref<80x64xf32, #tpu.memory_space<vmem>>
      tpu.enqueue_dma source(%dma_start3A_319 : memref<80x64xf32, #tpu.memory_space<vmem>>) target(%dma_start3A_316 : memref<80x64xf32, #tpu.memory_space<vmem_shared>>) target_semaphore(%arg11 : memref<!tpu.dma_semaphore, #tpu.memory_space<semaphore_mem>>)
      %mul3A_320 = arith.constant 80 : i32
      %mul3A_321 = arith.muli %add3A_40, %mul3A_320 : i32
      %dma_start3A_322 = arith.constant 0 : i32
      %dma_start3A_323 = arith.constant 0 : i32
      %dma_start3A_324 = tpu.memref_slice %arg10[%dma_start3A_322, %dma_start3A_323] : memref<128x16xf32, #tpu.memory_space<vmem>> -> memref<80x16xf32, #tpu.memory_space<vmem>>
      %dma_start3A_325 = arith.constant 0 : i32
      %dma_start3A_326 = tpu.memref_slice %arg19[%mul3A_321, %dma_start3A_325] : memref<10000x16xf32, #tpu.memory_space<vmem_shared>> -> memref<80x16xf32, #tpu.memory_space<vmem_shared>>
      %dma_start3A_327 = arith.constant 0 : i32
      %dma_start3A_328 = tpu.memref_slice %arg19[%mul3A_321, %dma_start3A_327] : memref<10000x16xf32, #tpu.memory_space<vmem_shared>> -> memref<80x16xf32, #tpu.memory_space<vmem_shared>>
      %dma_start3A_329 = arith.constant 0 : i32
      %dma_start3A_330 = arith.constant 0 : i32
      %dma_start3A_331 = tpu.memref_slice %arg10[%dma_start3A_329, %dma_start3A_330] : memref<128x16xf32, #tpu.memory_space<vmem>> -> memref<80x16xf32, #tpu.memory_space<vmem>>
      tpu.enqueue_dma source(%dma_start3A_331 : memref<80x16xf32, #tpu.memory_space<vmem>>) target(%dma_start3A_328 : memref<80x16xf32, #tpu.memory_space<vmem_shared>>) target_semaphore(%arg12 : memref<!tpu.dma_semaphore, #tpu.memory_space<semaphore_mem>>)
    } else {
    }
    %add3A_46 = arith.constant 96 : i32
    %add3A_47 = arith.addi %arg1, %add3A_46 : i32
    %lt3A_48 = arith.constant 125 : i32
    %lt3A_49 = arith.cmpi slt, %add3A_47, %lt3A_48 : i32
    %convert_element_type3A_50 = arith.extui %lt3A_49 : i1 to i32
    %cond3A_51 = arith.constant 0 : i32
    %cond3A_52 = arith.cmpi ne, %convert_element_type3A_50, %cond3A_51 : i32
    scf.if %cond3A_52 {
      %mul3A_308 = arith.constant 80 : i32
      %mul3A_309 = arith.muli %add3A_47, %mul3A_308 : i32
      %dma_start3A_310 = arith.constant 0 : i32
      %dma_start3A_311 = arith.constant 0 : i32
      %dma_start3A_312 = tpu.memref_slice %arg6[%dma_start3A_310, %dma_start3A_311] : memref<128x64xf32, #tpu.memory_space<vmem>> -> memref<80x64xf32, #tpu.memory_space<vmem>>
      %dma_start3A_313 = arith.constant 0 : i32
      %dma_start3A_314 = tpu.memref_slice %arg18[%mul3A_309, %dma_start3A_313] : memref<10000x64xf32, #tpu.memory_space<vmem_shared>> -> memref<80x64xf32, #tpu.memory_space<vmem_shared>>
      %dma_start3A_315 = arith.constant 0 : i32
      %dma_start3A_316 = tpu.memref_slice %arg18[%mul3A_309, %dma_start3A_315] : memref<10000x64xf32, #tpu.memory_space<vmem_shared>> -> memref<80x64xf32, #tpu.memory_space<vmem_shared>>
      %dma_start3A_317 = arith.constant 0 : i32
      %dma_start3A_318 = arith.constant 0 : i32
      %dma_start3A_319 = tpu.memref_slice %arg6[%dma_start3A_317, %dma_start3A_318] : memref<128x64xf32, #tpu.memory_space<vmem>> -> memref<80x64xf32, #tpu.memory_space<vmem>>
      tpu.enqueue_dma source(%dma_start3A_319 : memref<80x64xf32, #tpu.memory_space<vmem>>) target(%dma_start3A_316 : memref<80x64xf32, #tpu.memory_space<vmem_shared>>) target_semaphore(%arg11 : memref<!tpu.dma_semaphore, #tpu.memory_space<semaphore_mem>>)
      %mul3A_320 = arith.constant 80 : i32
      %mul3A_321 = arith.muli %add3A_47, %mul3A_320 : i32
      %dma_start3A_322 = arith.constant 0 : i32
      %dma_start3A_323 = arith.constant 0 : i32
      %dma_start3A_324 = tpu.memref_slice %arg10[%dma_start3A_322, %dma_start3A_323] : memref<128x16xf32, #tpu.memory_space<vmem>> -> memref<80x16xf32, #tpu.memory_space<vmem>>
      %dma_start3A_325 = arith.constant 0 : i32
      %dma_start3A_326 = tpu.memref_slice %arg19[%mul3A_321, %dma_start3A_325] : memref<10000x16xf32, #tpu.memory_space<vmem_shared>> -> memref<80x16xf32, #tpu.memory_space<vmem_shared>>
      %dma_start3A_327 = arith.constant 0 : i32
      %dma_start3A_328 = tpu.memref_slice %arg19[%mul3A_321, %dma_start3A_327] : memref<10000x16xf32, #tpu.memory_space<vmem_shared>> -> memref<80x16xf32, #tpu.memory_space<vmem_shared>>
      %dma_start3A_329 = arith.constant 0 : i32
      %dma_start3A_330 = arith.constant 0 : i32
      %dma_start3A_331 = tpu.memref_slice %arg10[%dma_start3A_329, %dma_start3A_330] : memref<128x16xf32, #tpu.memory_space<vmem>> -> memref<80x16xf32, #tpu.memory_space<vmem>>
      tpu.enqueue_dma source(%dma_start3A_331 : memref<80x16xf32, #tpu.memory_space<vmem>>) target(%dma_start3A_328 : memref<80x16xf32, #tpu.memory_space<vmem_shared>>) target_semaphore(%arg12 : memref<!tpu.dma_semaphore, #tpu.memory_space<semaphore_mem>>)
    } else {
    }
    %add3A_53 = arith.constant 112 : i32
    %add3A_54 = arith.addi %arg1, %add3A_53 : i32
    %lt3A_55 = arith.constant 125 : i32
    %lt3A_56 = arith.cmpi slt, %add3A_54, %lt3A_55 : i32
    %convert_element_type3A_57 = arith.extui %lt3A_56 : i1 to i32
    %cond3A_58 = arith.constant 0 : i32
    %cond3A_59 = arith.cmpi ne, %convert_element_type3A_57, %cond3A_58 : i32
    scf.if %cond3A_59 {
      %mul3A_308 = arith.constant 80 : i32
      %mul3A_309 = arith.muli %add3A_54, %mul3A_308 : i32
      %dma_start3A_310 = arith.constant 0 : i32
      %dma_start3A_311 = arith.constant 0 : i32
      %dma_start3A_312 = tpu.memref_slice %arg6[%dma_start3A_310, %dma_start3A_311] : memref<128x64xf32, #tpu.memory_space<vmem>> -> memref<80x64xf32, #tpu.memory_space<vmem>>
      %dma_start3A_313 = arith.constant 0 : i32
      %dma_start3A_314 = tpu.memref_slice %arg18[%mul3A_309, %dma_start3A_313] : memref<10000x64xf32, #tpu.memory_space<vmem_shared>> -> memref<80x64xf32, #tpu.memory_space<vmem_shared>>
      %dma_start3A_315 = arith.constant 0 : i32
      %dma_start3A_316 = tpu.memref_slice %arg18[%mul3A_309, %dma_start3A_315] : memref<10000x64xf32, #tpu.memory_space<vmem_shared>> -> memref<80x64xf32, #tpu.memory_space<vmem_shared>>
      %dma_start3A_317 = arith.constant 0 : i32
      %dma_start3A_318 = arith.constant 0 : i32
      %dma_start3A_319 = tpu.memref_slice %arg6[%dma_start3A_317, %dma_start3A_318] : memref<128x64xf32, #tpu.memory_space<vmem>> -> memref<80x64xf32, #tpu.memory_space<vmem>>
      tpu.enqueue_dma source(%dma_start3A_319 : memref<80x64xf32, #tpu.memory_space<vmem>>) target(%dma_start3A_316 : memref<80x64xf32, #tpu.memory_space<vmem_shared>>) target_semaphore(%arg11 : memref<!tpu.dma_semaphore, #tpu.memory_space<semaphore_mem>>)
      %mul3A_320 = arith.constant 80 : i32
      %mul3A_321 = arith.muli %add3A_54, %mul3A_320 : i32
      %dma_start3A_322 = arith.constant 0 : i32
      %dma_start3A_323 = arith.constant 0 : i32
      %dma_start3A_324 = tpu.memref_slice %arg10[%dma_start3A_322, %dma_start3A_323] : memref<128x16xf32, #tpu.memory_space<vmem>> -> memref<80x16xf32, #tpu.memory_space<vmem>>
      %dma_start3A_325 = arith.constant 0 : i32
      %dma_start3A_326 = tpu.memref_slice %arg19[%mul3A_321, %dma_start3A_325] : memref<10000x16xf32, #tpu.memory_space<vmem_shared>> -> memref<80x16xf32, #tpu.memory_space<vmem_shared>>
      %dma_start3A_327 = arith.constant 0 : i32
      %dma_start3A_328 = tpu.memref_slice %arg19[%mul3A_321, %dma_start3A_327] : memref<10000x16xf32, #tpu.memory_space<vmem_shared>> -> memref<80x16xf32, #tpu.memory_space<vmem_shared>>
      %dma_start3A_329 = arith.constant 0 : i32
      %dma_start3A_330 = arith.constant 0 : i32
      %dma_start3A_331 = tpu.memref_slice %arg10[%dma_start3A_329, %dma_start3A_330] : memref<128x16xf32, #tpu.memory_space<vmem>> -> memref<80x16xf32, #tpu.memory_space<vmem>>
      tpu.enqueue_dma source(%dma_start3A_331 : memref<80x16xf32, #tpu.memory_space<vmem>>) target(%dma_start3A_328 : memref<80x16xf32, #tpu.memory_space<vmem_shared>>) target_semaphore(%arg12 : memref<!tpu.dma_semaphore, #tpu.memory_space<semaphore_mem>>)
    } else {
    }
    %add3A_60 = arith.constant 0 : i32
    %add3A_61 = arith.addi %arg1, %add3A_60 : i32
    %lt3A_62 = arith.constant 125 : i32
    %lt3A_63 = arith.cmpi slt, %add3A_61, %lt3A_62 : i32
    %convert_element_type3A_64 = arith.extui %lt3A_63 : i1 to i32
    %cond3A_65 = arith.constant 0 : i32
    %cond3A_66 = arith.cmpi ne, %convert_element_type3A_64, %cond3A_65 : i32
    scf.if %cond3A_66 {
      %mul3A_308 = arith.constant 80 : i32
      %mul3A_309 = arith.muli %add3A_61, %mul3A_308 : i32
      %dma_wait3A_310 = arith.constant 0 : i32
      %dma_wait3A_311 = arith.constant 0 : i32
      %dma_wait3A_312 = tpu.memref_slice %arg6[%dma_wait3A_310, %dma_wait3A_311] : memref<128x64xf32, #tpu.memory_space<vmem>> -> memref<80x64xf32, #tpu.memory_space<vmem>>
      %dma_wait3A_313 = arith.constant 0 : i32
      %dma_wait3A_314 = tpu.memref_slice %arg18[%mul3A_309, %dma_wait3A_313] : memref<10000x64xf32, #tpu.memory_space<vmem_shared>> -> memref<80x64xf32, #tpu.memory_space<vmem_shared>>
      %dma_wait3A_315 = arith.constant 0 : i32
      %dma_wait3A_316 = tpu.memref_slice %arg18[%mul3A_309, %dma_wait3A_315] : memref<10000x64xf32, #tpu.memory_space<vmem_shared>> -> memref<80x64xf32, #tpu.memory_space<vmem_shared>>
      %dma_wait3A_317 = arith.constant 0 : i32
      %dma_wait3A_318 = arith.constant 0 : i32
      %dma_wait3A_319 = tpu.memref_slice %arg6[%dma_wait3A_317, %dma_wait3A_318] : memref<128x64xf32, #tpu.memory_space<vmem>> -> memref<80x64xf32, #tpu.memory_space<vmem>>
      tpu.wait_dma2 semaphore(%arg11 : memref<!tpu.dma_semaphore, #tpu.memory_space<semaphore_mem>>) src(%dma_wait3A_319 : memref<80x64xf32, #tpu.memory_space<vmem>>) dst(%dma_wait3A_316 : memref<80x64xf32, #tpu.memory_space<vmem_shared>>)
      %mul3A_320 = arith.constant 80 : i32
      %mul3A_321 = arith.muli %add3A_61, %mul3A_320 : i32
      %dma_wait3A_322 = arith.constant 0 : i32
      %dma_wait3A_323 = arith.constant 0 : i32
      %dma_wait3A_324 = tpu.memref_slice %arg10[%dma_wait3A_322, %dma_wait3A_323] : memref<128x16xf32, #tpu.memory_space<vmem>> -> memref<80x16xf32, #tpu.memory_space<vmem>>
      %dma_wait3A_325 = arith.constant 0 : i32
      %dma_wait3A_326 = tpu.memref_slice %arg19[%mul3A_321, %dma_wait3A_325] : memref<10000x16xf32, #tpu.memory_space<vmem_shared>> -> memref<80x16xf32, #tpu.memory_space<vmem_shared>>
      %dma_wait3A_327 = arith.constant 0 : i32
      %dma_wait3A_328 = tpu.memref_slice %arg19[%mul3A_321, %dma_wait3A_327] : memref<10000x16xf32, #tpu.memory_space<vmem_shared>> -> memref<80x16xf32, #tpu.memory_space<vmem_shared>>
      %dma_wait3A_329 = arith.constant 0 : i32
      %dma_wait3A_330 = arith.constant 0 : i32
      %dma_wait3A_331 = tpu.memref_slice %arg10[%dma_wait3A_329, %dma_wait3A_330] : memref<128x16xf32, #tpu.memory_space<vmem>> -> memref<80x16xf32, #tpu.memory_space<vmem>>
      tpu.wait_dma2 semaphore(%arg12 : memref<!tpu.dma_semaphore, #tpu.memory_space<semaphore_mem>>) src(%dma_wait3A_331 : memref<80x16xf32, #tpu.memory_space<vmem>>) dst(%dma_wait3A_328 : memref<80x16xf32, #tpu.memory_space<vmem_shared>>)
    } else {
    }
    %add3A_67 = arith.constant 16 : i32
    %add3A_68 = arith.addi %arg1, %add3A_67 : i32
    %lt3A_69 = arith.constant 125 : i32
    %lt3A_70 = arith.cmpi slt, %add3A_68, %lt3A_69 : i32
    %convert_element_type3A_71 = arith.extui %lt3A_70 : i1 to i32
    %cond3A_72 = arith.constant 0 : i32
    %cond3A_73 = arith.cmpi ne, %convert_element_type3A_71, %cond3A_72 : i32
    scf.if %cond3A_73 {
      %mul3A_308 = arith.constant 80 : i32
      %mul3A_309 = arith.muli %add3A_68, %mul3A_308 : i32
      %dma_wait3A_310 = arith.constant 0 : i32
      %dma_wait3A_311 = arith.constant 0 : i32
      %dma_wait3A_312 = tpu.memref_slice %arg6[%dma_wait3A_310, %dma_wait3A_311] : memref<128x64xf32, #tpu.memory_space<vmem>> -> memref<80x64xf32, #tpu.memory_space<vmem>>
      %dma_wait3A_313 = arith.constant 0 : i32
      %dma_wait3A_314 = tpu.memref_slice %arg18[%mul3A_309, %dma_wait3A_313] : memref<10000x64xf32, #tpu.memory_space<vmem_shared>> -> memref<80x64xf32, #tpu.memory_space<vmem_shared>>
      %dma_wait3A_315 = arith.constant 0 : i32
      %dma_wait3A_316 = tpu.memref_slice %arg18[%mul3A_309, %dma_wait3A_315] : memref<10000x64xf32, #tpu.memory_space<vmem_shared>> -> memref<80x64xf32, #tpu.memory_space<vmem_shared>>
      %dma_wait3A_317 = arith.constant 0 : i32
      %dma_wait3A_318 = arith.constant 0 : i32
      %dma_wait3A_319 = tpu.memref_slice %arg6[%dma_wait3A_317, %dma_wait3A_318] : memref<128x64xf32, #tpu.memory_space<vmem>> -> memref<80x64xf32, #tpu.memory_space<vmem>>
      tpu.wait_dma2 semaphore(%arg11 : memref<!tpu.dma_semaphore, #tpu.memory_space<semaphore_mem>>) src(%dma_wait3A_319 : memref<80x64xf32, #tpu.memory_space<vmem>>) dst(%dma_wait3A_316 : memref<80x64xf32, #tpu.memory_space<vmem_shared>>)
      %mul3A_320 = arith.constant 80 : i32
      %mul3A_321 = arith.muli %add3A_68, %mul3A_320 : i32
      %dma_wait3A_322 = arith.constant 0 : i32
      %dma_wait3A_323 = arith.constant 0 : i32
      %dma_wait3A_324 = tpu.memref_slice %arg10[%dma_wait3A_322, %dma_wait3A_323] : memref<128x16xf32, #tpu.memory_space<vmem>> -> memref<80x16xf32, #tpu.memory_space<vmem>>
      %dma_wait3A_325 = arith.constant 0 : i32
      %dma_wait3A_326 = tpu.memref_slice %arg19[%mul3A_321, %dma_wait3A_325] : memref<10000x16xf32, #tpu.memory_space<vmem_shared>> -> memref<80x16xf32, #tpu.memory_space<vmem_shared>>
      %dma_wait3A_327 = arith.constant 0 : i32
      %dma_wait3A_328 = tpu.memref_slice %arg19[%mul3A_321, %dma_wait3A_327] : memref<10000x16xf32, #tpu.memory_space<vmem_shared>> -> memref<80x16xf32, #tpu.memory_space<vmem_shared>>
      %dma_wait3A_329 = arith.constant 0 : i32
      %dma_wait3A_330 = arith.constant 0 : i32
      %dma_wait3A_331 = tpu.memref_slice %arg10[%dma_wait3A_329, %dma_wait3A_330] : memref<128x16xf32, #tpu.memory_space<vmem>> -> memref<80x16xf32, #tpu.memory_space<vmem>>
      tpu.wait_dma2 semaphore(%arg12 : memref<!tpu.dma_semaphore, #tpu.memory_space<semaphore_mem>>) src(%dma_wait3A_331 : memref<80x16xf32, #tpu.memory_space<vmem>>) dst(%dma_wait3A_328 : memref<80x16xf32, #tpu.memory_space<vmem_shared>>)
    } else {
    }
    %add3A_74 = arith.constant 32 : i32
    %add3A_75 = arith.addi %arg1, %add3A_74 : i32
    %lt3A_76 = arith.constant 125 : i32
    %lt3A_77 = arith.cmpi slt, %add3A_75, %lt3A_76 : i32
    %convert_element_type3A_78 = arith.extui %lt3A_77 : i1 to i32
    %cond3A_79 = arith.constant 0 : i32
    %cond3A_80 = arith.cmpi ne, %convert_element_type3A_78, %cond3A_79 : i32
    scf.if %cond3A_80 {
      %mul3A_308 = arith.constant 80 : i32
      %mul3A_309 = arith.muli %add3A_75, %mul3A_308 : i32
      %dma_wait3A_310 = arith.constant 0 : i32
      %dma_wait3A_311 = arith.constant 0 : i32
      %dma_wait3A_312 = tpu.memref_slice %arg6[%dma_wait3A_310, %dma_wait3A_311] : memref<128x64xf32, #tpu.memory_space<vmem>> -> memref<80x64xf32, #tpu.memory_space<vmem>>
      %dma_wait3A_313 = arith.constant 0 : i32
      %dma_wait3A_314 = tpu.memref_slice %arg18[%mul3A_309, %dma_wait3A_313] : memref<10000x64xf32, #tpu.memory_space<vmem_shared>> -> memref<80x64xf32, #tpu.memory_space<vmem_shared>>
      %dma_wait3A_315 = arith.constant 0 : i32
      %dma_wait3A_316 = tpu.memref_slice %arg18[%mul3A_309, %dma_wait3A_315] : memref<10000x64xf32, #tpu.memory_space<vmem_shared>> -> memref<80x64xf32, #tpu.memory_space<vmem_shared>>
      %dma_wait3A_317 = arith.constant 0 : i32
      %dma_wait3A_318 = arith.constant 0 : i32
      %dma_wait3A_319 = tpu.memref_slice %arg6[%dma_wait3A_317, %dma_wait3A_318] : memref<128x64xf32, #tpu.memory_space<vmem>> -> memref<80x64xf32, #tpu.memory_space<vmem>>
      tpu.wait_dma2 semaphore(%arg11 : memref<!tpu.dma_semaphore, #tpu.memory_space<semaphore_mem>>) src(%dma_wait3A_319 : memref<80x64xf32, #tpu.memory_space<vmem>>) dst(%dma_wait3A_316 : memref<80x64xf32, #tpu.memory_space<vmem_shared>>)
      %mul3A_320 = arith.constant 80 : i32
      %mul3A_321 = arith.muli %add3A_75, %mul3A_320 : i32
      %dma_wait3A_322 = arith.constant 0 : i32
      %dma_wait3A_323 = arith.constant 0 : i32
      %dma_wait3A_324 = tpu.memref_slice %arg10[%dma_wait3A_322, %dma_wait3A_323] : memref<128x16xf32, #tpu.memory_space<vmem>> -> memref<80x16xf32, #tpu.memory_space<vmem>>
      %dma_wait3A_325 = arith.constant 0 : i32
      %dma_wait3A_326 = tpu.memref_slice %arg19[%mul3A_321, %dma_wait3A_325] : memref<10000x16xf32, #tpu.memory_space<vmem_shared>> -> memref<80x16xf32, #tpu.memory_space<vmem_shared>>
      %dma_wait3A_327 = arith.constant 0 : i32
      %dma_wait3A_328 = tpu.memref_slice %arg19[%mul3A_321, %dma_wait3A_327] : memref<10000x16xf32, #tpu.memory_space<vmem_shared>> -> memref<80x16xf32, #tpu.memory_space<vmem_shared>>
      %dma_wait3A_329 = arith.constant 0 : i32
      %dma_wait3A_330 = arith.constant 0 : i32
      %dma_wait3A_331 = tpu.memref_slice %arg10[%dma_wait3A_329, %dma_wait3A_330] : memref<128x16xf32, #tpu.memory_space<vmem>> -> memref<80x16xf32, #tpu.memory_space<vmem>>
      tpu.wait_dma2 semaphore(%arg12 : memref<!tpu.dma_semaphore, #tpu.memory_space<semaphore_mem>>) src(%dma_wait3A_331 : memref<80x16xf32, #tpu.memory_space<vmem>>) dst(%dma_wait3A_328 : memref<80x16xf32, #tpu.memory_space<vmem_shared>>)
    } else {
    }
    %add3A_81 = arith.constant 48 : i32
    %add3A_82 = arith.addi %arg1, %add3A_81 : i32
    %lt3A_83 = arith.constant 125 : i32
    %lt3A_84 = arith.cmpi slt, %add3A_82, %lt3A_83 : i32
    %convert_element_type3A_85 = arith.extui %lt3A_84 : i1 to i32
    %cond3A_86 = arith.constant 0 : i32
    %cond3A_87 = arith.cmpi ne, %convert_element_type3A_85, %cond3A_86 : i32
    scf.if %cond3A_87 {
      %mul3A_308 = arith.constant 80 : i32
      %mul3A_309 = arith.muli %add3A_82, %mul3A_308 : i32
      %dma_wait3A_310 = arith.constant 0 : i32
      %dma_wait3A_311 = arith.constant 0 : i32
      %dma_wait3A_312 = tpu.memref_slice %arg6[%dma_wait3A_310, %dma_wait3A_311] : memref<128x64xf32, #tpu.memory_space<vmem>> -> memref<80x64xf32, #tpu.memory_space<vmem>>
      %dma_wait3A_313 = arith.constant 0 : i32
      %dma_wait3A_314 = tpu.memref_slice %arg18[%mul3A_309, %dma_wait3A_313] : memref<10000x64xf32, #tpu.memory_space<vmem_shared>> -> memref<80x64xf32, #tpu.memory_space<vmem_shared>>
      %dma_wait3A_315 = arith.constant 0 : i32
      %dma_wait3A_316 = tpu.memref_slice %arg18[%mul3A_309, %dma_wait3A_315] : memref<10000x64xf32, #tpu.memory_space<vmem_shared>> -> memref<80x64xf32, #tpu.memory_space<vmem_shared>>
      %dma_wait3A_317 = arith.constant 0 : i32
      %dma_wait3A_318 = arith.constant 0 : i32
      %dma_wait3A_319 = tpu.memref_slice %arg6[%dma_wait3A_317, %dma_wait3A_318] : memref<128x64xf32, #tpu.memory_space<vmem>> -> memref<80x64xf32, #tpu.memory_space<vmem>>
      tpu.wait_dma2 semaphore(%arg11 : memref<!tpu.dma_semaphore, #tpu.memory_space<semaphore_mem>>) src(%dma_wait3A_319 : memref<80x64xf32, #tpu.memory_space<vmem>>) dst(%dma_wait3A_316 : memref<80x64xf32, #tpu.memory_space<vmem_shared>>)
      %mul3A_320 = arith.constant 80 : i32
      %mul3A_321 = arith.muli %add3A_82, %mul3A_320 : i32
      %dma_wait3A_322 = arith.constant 0 : i32
      %dma_wait3A_323 = arith.constant 0 : i32
      %dma_wait3A_324 = tpu.memref_slice %arg10[%dma_wait3A_322, %dma_wait3A_323] : memref<128x16xf32, #tpu.memory_space<vmem>> -> memref<80x16xf32, #tpu.memory_space<vmem>>
      %dma_wait3A_325 = arith.constant 0 : i32
      %dma_wait3A_326 = tpu.memref_slice %arg19[%mul3A_321, %dma_wait3A_325] : memref<10000x16xf32, #tpu.memory_space<vmem_shared>> -> memref<80x16xf32, #tpu.memory_space<vmem_shared>>
      %dma_wait3A_327 = arith.constant 0 : i32
      %dma_wait3A_328 = tpu.memref_slice %arg19[%mul3A_321, %dma_wait3A_327] : memref<10000x16xf32, #tpu.memory_space<vmem_shared>> -> memref<80x16xf32, #tpu.memory_space<vmem_shared>>
      %dma_wait3A_329 = arith.constant 0 : i32
      %dma_wait3A_330 = arith.constant 0 : i32
      %dma_wait3A_331 = tpu.memref_slice %arg10[%dma_wait3A_329, %dma_wait3A_330] : memref<128x16xf32, #tpu.memory_space<vmem>> -> memref<80x16xf32, #tpu.memory_space<vmem>>
      tpu.wait_dma2 semaphore(%arg12 : memref<!tpu.dma_semaphore, #tpu.memory_space<semaphore_mem>>) src(%dma_wait3A_331 : memref<80x16xf32, #tpu.memory_space<vmem>>) dst(%dma_wait3A_328 : memref<80x16xf32, #tpu.memory_space<vmem_shared>>)
    } else {
    }
    %add3A_88 = arith.constant 64 : i32
    %add3A_89 = arith.addi %arg1, %add3A_88 : i32
    %lt3A_90 = arith.constant 125 : i32
    %lt3A_91 = arith.cmpi slt, %add3A_89, %lt3A_90 : i32
    %convert_element_type3A_92 = arith.extui %lt3A_91 : i1 to i32
    %cond3A_93 = arith.constant 0 : i32
    %cond3A_94 = arith.cmpi ne, %convert_element_type3A_92, %cond3A_93 : i32
    scf.if %cond3A_94 {
      %mul3A_308 = arith.constant 80 : i32
      %mul3A_309 = arith.muli %add3A_89, %mul3A_308 : i32
      %dma_wait3A_310 = arith.constant 0 : i32
      %dma_wait3A_311 = arith.constant 0 : i32
      %dma_wait3A_312 = tpu.memref_slice %arg6[%dma_wait3A_310, %dma_wait3A_311] : memref<128x64xf32, #tpu.memory_space<vmem>> -> memref<80x64xf32, #tpu.memory_space<vmem>>
      %dma_wait3A_313 = arith.constant 0 : i32
      %dma_wait3A_314 = tpu.memref_slice %arg18[%mul3A_309, %dma_wait3A_313] : memref<10000x64xf32, #tpu.memory_space<vmem_shared>> -> memref<80x64xf32, #tpu.memory_space<vmem_shared>>
      %dma_wait3A_315 = arith.constant 0 : i32
      %dma_wait3A_316 = tpu.memref_slice %arg18[%mul3A_309, %dma_wait3A_315] : memref<10000x64xf32, #tpu.memory_space<vmem_shared>> -> memref<80x64xf32, #tpu.memory_space<vmem_shared>>
      %dma_wait3A_317 = arith.constant 0 : i32
      %dma_wait3A_318 = arith.constant 0 : i32
      %dma_wait3A_319 = tpu.memref_slice %arg6[%dma_wait3A_317, %dma_wait3A_318] : memref<128x64xf32, #tpu.memory_space<vmem>> -> memref<80x64xf32, #tpu.memory_space<vmem>>
      tpu.wait_dma2 semaphore(%arg11 : memref<!tpu.dma_semaphore, #tpu.memory_space<semaphore_mem>>) src(%dma_wait3A_319 : memref<80x64xf32, #tpu.memory_space<vmem>>) dst(%dma_wait3A_316 : memref<80x64xf32, #tpu.memory_space<vmem_shared>>)
      %mul3A_320 = arith.constant 80 : i32
      %mul3A_321 = arith.muli %add3A_89, %mul3A_320 : i32
      %dma_wait3A_322 = arith.constant 0 : i32
      %dma_wait3A_323 = arith.constant 0 : i32
      %dma_wait3A_324 = tpu.memref_slice %arg10[%dma_wait3A_322, %dma_wait3A_323] : memref<128x16xf32, #tpu.memory_space<vmem>> -> memref<80x16xf32, #tpu.memory_space<vmem>>
      %dma_wait3A_325 = arith.constant 0 : i32
      %dma_wait3A_326 = tpu.memref_slice %arg19[%mul3A_321, %dma_wait3A_325] : memref<10000x16xf32, #tpu.memory_space<vmem_shared>> -> memref<80x16xf32, #tpu.memory_space<vmem_shared>>
      %dma_wait3A_327 = arith.constant 0 : i32
      %dma_wait3A_328 = tpu.memref_slice %arg19[%mul3A_321, %dma_wait3A_327] : memref<10000x16xf32, #tpu.memory_space<vmem_shared>> -> memref<80x16xf32, #tpu.memory_space<vmem_shared>>
      %dma_wait3A_329 = arith.constant 0 : i32
      %dma_wait3A_330 = arith.constant 0 : i32
      %dma_wait3A_331 = tpu.memref_slice %arg10[%dma_wait3A_329, %dma_wait3A_330] : memref<128x16xf32, #tpu.memory_space<vmem>> -> memref<80x16xf32, #tpu.memory_space<vmem>>
      tpu.wait_dma2 semaphore(%arg12 : memref<!tpu.dma_semaphore, #tpu.memory_space<semaphore_mem>>) src(%dma_wait3A_331 : memref<80x16xf32, #tpu.memory_space<vmem>>) dst(%dma_wait3A_328 : memref<80x16xf32, #tpu.memory_space<vmem_shared>>)
    } else {
    }
    %add3A_95 = arith.constant 80 : i32
    %add3A_96 = arith.addi %arg1, %add3A_95 : i32
    %lt3A_97 = arith.constant 125 : i32
    %lt3A_98 = arith.cmpi slt, %add3A_96, %lt3A_97 : i32
    %convert_element_type3A_99 = arith.extui %lt3A_98 : i1 to i32
    %cond3A_100 = arith.constant 0 : i32
    %cond3A_101 = arith.cmpi ne, %convert_element_type3A_99, %cond3A_100 : i32
    scf.if %cond3A_101 {
      %mul3A_308 = arith.constant 80 : i32
      %mul3A_309 = arith.muli %add3A_96, %mul3A_308 : i32
      %dma_wait3A_310 = arith.constant 0 : i32
      %dma_wait3A_311 = arith.constant 0 : i32
      %dma_wait3A_312 = tpu.memref_slice %arg6[%dma_wait3A_310, %dma_wait3A_311] : memref<128x64xf32, #tpu.memory_space<vmem>> -> memref<80x64xf32, #tpu.memory_space<vmem>>
      %dma_wait3A_313 = arith.constant 0 : i32
      %dma_wait3A_314 = tpu.memref_slice %arg18[%mul3A_309, %dma_wait3A_313] : memref<10000x64xf32, #tpu.memory_space<vmem_shared>> -> memref<80x64xf32, #tpu.memory_space<vmem_shared>>
      %dma_wait3A_315 = arith.constant 0 : i32
      %dma_wait3A_316 = tpu.memref_slice %arg18[%mul3A_309, %dma_wait3A_315] : memref<10000x64xf32, #tpu.memory_space<vmem_shared>> -> memref<80x64xf32, #tpu.memory_space<vmem_shared>>
      %dma_wait3A_317 = arith.constant 0 : i32
      %dma_wait3A_318 = arith.constant 0 : i32
      %dma_wait3A_319 = tpu.memref_slice %arg6[%dma_wait3A_317, %dma_wait3A_318] : memref<128x64xf32, #tpu.memory_space<vmem>> -> memref<80x64xf32, #tpu.memory_space<vmem>>
      tpu.wait_dma2 semaphore(%arg11 : memref<!tpu.dma_semaphore, #tpu.memory_space<semaphore_mem>>) src(%dma_wait3A_319 : memref<80x64xf32, #tpu.memory_space<vmem>>) dst(%dma_wait3A_316 : memref<80x64xf32, #tpu.memory_space<vmem_shared>>)
      %mul3A_320 = arith.constant 80 : i32
      %mul3A_321 = arith.muli %add3A_96, %mul3A_320 : i32
      %dma_wait3A_322 = arith.constant 0 : i32
      %dma_wait3A_323 = arith.constant 0 : i32
      %dma_wait3A_324 = tpu.memref_slice %arg10[%dma_wait3A_322, %dma_wait3A_323] : memref<128x16xf32, #tpu.memory_space<vmem>> -> memref<80x16xf32, #tpu.memory_space<vmem>>
      %dma_wait3A_325 = arith.constant 0 : i32
      %dma_wait3A_326 = tpu.memref_slice %arg19[%mul3A_321, %dma_wait3A_325] : memref<10000x16xf32, #tpu.memory_space<vmem_shared>> -> memref<80x16xf32, #tpu.memory_space<vmem_shared>>
      %dma_wait3A_327 = arith.constant 0 : i32
      %dma_wait3A_328 = tpu.memref_slice %arg19[%mul3A_321, %dma_wait3A_327] : memref<10000x16xf32, #tpu.memory_space<vmem_shared>> -> memref<80x16xf32, #tpu.memory_space<vmem_shared>>
      %dma_wait3A_329 = arith.constant 0 : i32
      %dma_wait3A_330 = arith.constant 0 : i32
      %dma_wait3A_331 = tpu.memref_slice %arg10[%dma_wait3A_329, %dma_wait3A_330] : memref<128x16xf32, #tpu.memory_space<vmem>> -> memref<80x16xf32, #tpu.memory_space<vmem>>
      tpu.wait_dma2 semaphore(%arg12 : memref<!tpu.dma_semaphore, #tpu.memory_space<semaphore_mem>>) src(%dma_wait3A_331 : memref<80x16xf32, #tpu.memory_space<vmem>>) dst(%dma_wait3A_328 : memref<80x16xf32, #tpu.memory_space<vmem_shared>>)
    } else {
    }
    %add3A_102 = arith.constant 96 : i32
    %add3A_103 = arith.addi %arg1, %add3A_102 : i32
    %lt3A_104 = arith.constant 125 : i32
    %lt3A_105 = arith.cmpi slt, %add3A_103, %lt3A_104 : i32
    %convert_element_type3A_106 = arith.extui %lt3A_105 : i1 to i32
    %cond3A_107 = arith.constant 0 : i32
    %cond3A_108 = arith.cmpi ne, %convert_element_type3A_106, %cond3A_107 : i32
    scf.if %cond3A_108 {
      %mul3A_308 = arith.constant 80 : i32
      %mul3A_309 = arith.muli %add3A_103, %mul3A_308 : i32
      %dma_wait3A_310 = arith.constant 0 : i32
      %dma_wait3A_311 = arith.constant 0 : i32
      %dma_wait3A_312 = tpu.memref_slice %arg6[%dma_wait3A_310, %dma_wait3A_311] : memref<128x64xf32, #tpu.memory_space<vmem>> -> memref<80x64xf32, #tpu.memory_space<vmem>>
      %dma_wait3A_313 = arith.constant 0 : i32
      %dma_wait3A_314 = tpu.memref_slice %arg18[%mul3A_309, %dma_wait3A_313] : memref<10000x64xf32, #tpu.memory_space<vmem_shared>> -> memref<80x64xf32, #tpu.memory_space<vmem_shared>>
      %dma_wait3A_315 = arith.constant 0 : i32
      %dma_wait3A_316 = tpu.memref_slice %arg18[%mul3A_309, %dma_wait3A_315] : memref<10000x64xf32, #tpu.memory_space<vmem_shared>> -> memref<80x64xf32, #tpu.memory_space<vmem_shared>>
      %dma_wait3A_317 = arith.constant 0 : i32
      %dma_wait3A_318 = arith.constant 0 : i32
      %dma_wait3A_319 = tpu.memref_slice %arg6[%dma_wait3A_317, %dma_wait3A_318] : memref<128x64xf32, #tpu.memory_space<vmem>> -> memref<80x64xf32, #tpu.memory_space<vmem>>
      tpu.wait_dma2 semaphore(%arg11 : memref<!tpu.dma_semaphore, #tpu.memory_space<semaphore_mem>>) src(%dma_wait3A_319 : memref<80x64xf32, #tpu.memory_space<vmem>>) dst(%dma_wait3A_316 : memref<80x64xf32, #tpu.memory_space<vmem_shared>>)
      %mul3A_320 = arith.constant 80 : i32
      %mul3A_321 = arith.muli %add3A_103, %mul3A_320 : i32
      %dma_wait3A_322 = arith.constant 0 : i32
      %dma_wait3A_323 = arith.constant 0 : i32
      %dma_wait3A_324 = tpu.memref_slice %arg10[%dma_wait3A_322, %dma_wait3A_323] : memref<128x16xf32, #tpu.memory_space<vmem>> -> memref<80x16xf32, #tpu.memory_space<vmem>>
      %dma_wait3A_325 = arith.constant 0 : i32
      %dma_wait3A_326 = tpu.memref_slice %arg19[%mul3A_321, %dma_wait3A_325] : memref<10000x16xf32, #tpu.memory_space<vmem_shared>> -> memref<80x16xf32, #tpu.memory_space<vmem_shared>>
      %dma_wait3A_327 = arith.constant 0 : i32
      %dma_wait3A_328 = tpu.memref_slice %arg19[%mul3A_321, %dma_wait3A_327] : memref<10000x16xf32, #tpu.memory_space<vmem_shared>> -> memref<80x16xf32, #tpu.memory_space<vmem_shared>>
      %dma_wait3A_329 = arith.constant 0 : i32
      %dma_wait3A_330 = arith.constant 0 : i32
      %dma_wait3A_331 = tpu.memref_slice %arg10[%dma_wait3A_329, %dma_wait3A_330] : memref<128x16xf32, #tpu.memory_space<vmem>> -> memref<80x16xf32, #tpu.memory_space<vmem>>
      tpu.wait_dma2 semaphore(%arg12 : memref<!tpu.dma_semaphore, #tpu.memory_space<semaphore_mem>>) src(%dma_wait3A_331 : memref<80x16xf32, #tpu.memory_space<vmem>>) dst(%dma_wait3A_328 : memref<80x16xf32, #tpu.memory_space<vmem_shared>>)
    } else {
    }
    %add3A_109 = arith.constant 112 : i32
    %add3A_110 = arith.addi %arg1, %add3A_109 : i32
    %lt3A_111 = arith.constant 125 : i32
    %lt3A_112 = arith.cmpi slt, %add3A_110, %lt3A_111 : i32
    %convert_element_type3A_113 = arith.extui %lt3A_112 : i1 to i32
    %cond3A_114 = arith.constant 0 : i32
    %cond3A_115 = arith.cmpi ne, %convert_element_type3A_113, %cond3A_114 : i32
    scf.if %cond3A_115 {
      %mul3A_308 = arith.constant 80 : i32
      %mul3A_309 = arith.muli %add3A_110, %mul3A_308 : i32
      %dma_wait3A_310 = arith.constant 0 : i32
      %dma_wait3A_311 = arith.constant 0 : i32
      %dma_wait3A_312 = tpu.memref_slice %arg6[%dma_wait3A_310, %dma_wait3A_311] : memref<128x64xf32, #tpu.memory_space<vmem>> -> memref<80x64xf32, #tpu.memory_space<vmem>>
      %dma_wait3A_313 = arith.constant 0 : i32
      %dma_wait3A_314 = tpu.memref_slice %arg18[%mul3A_309, %dma_wait3A_313] : memref<10000x64xf32, #tpu.memory_space<vmem_shared>> -> memref<80x64xf32, #tpu.memory_space<vmem_shared>>
      %dma_wait3A_315 = arith.constant 0 : i32
      %dma_wait3A_316 = tpu.memref_slice %arg18[%mul3A_309, %dma_wait3A_315] : memref<10000x64xf32, #tpu.memory_space<vmem_shared>> -> memref<80x64xf32, #tpu.memory_space<vmem_shared>>
      %dma_wait3A_317 = arith.constant 0 : i32
      %dma_wait3A_318 = arith.constant 0 : i32
      %dma_wait3A_319 = tpu.memref_slice %arg6[%dma_wait3A_317, %dma_wait3A_318] : memref<128x64xf32, #tpu.memory_space<vmem>> -> memref<80x64xf32, #tpu.memory_space<vmem>>
      tpu.wait_dma2 semaphore(%arg11 : memref<!tpu.dma_semaphore, #tpu.memory_space<semaphore_mem>>) src(%dma_wait3A_319 : memref<80x64xf32, #tpu.memory_space<vmem>>) dst(%dma_wait3A_316 : memref<80x64xf32, #tpu.memory_space<vmem_shared>>)
      %mul3A_320 = arith.constant 80 : i32
      %mul3A_321 = arith.muli %add3A_110, %mul3A_320 : i32
      %dma_wait3A_322 = arith.constant 0 : i32
      %dma_wait3A_323 = arith.constant 0 : i32
      %dma_wait3A_324 = tpu.memref_slice %arg10[%dma_wait3A_322, %dma_wait3A_323] : memref<128x16xf32, #tpu.memory_space<vmem>> -> memref<80x16xf32, #tpu.memory_space<vmem>>
      %dma_wait3A_325 = arith.constant 0 : i32
      %dma_wait3A_326 = tpu.memref_slice %arg19[%mul3A_321, %dma_wait3A_325] : memref<10000x16xf32, #tpu.memory_space<vmem_shared>> -> memref<80x16xf32, #tpu.memory_space<vmem_shared>>
      %dma_wait3A_327 = arith.constant 0 : i32
      %dma_wait3A_328 = tpu.memref_slice %arg19[%mul3A_321, %dma_wait3A_327] : memref<10000x16xf32, #tpu.memory_space<vmem_shared>> -> memref<80x16xf32, #tpu.memory_space<vmem_shared>>
      %dma_wait3A_329 = arith.constant 0 : i32
      %dma_wait3A_330 = arith.constant 0 : i32
      %dma_wait3A_331 = tpu.memref_slice %arg10[%dma_wait3A_329, %dma_wait3A_330] : memref<128x16xf32, #tpu.memory_space<vmem>> -> memref<80x16xf32, #tpu.memory_space<vmem>>
      tpu.wait_dma2 semaphore(%arg12 : memref<!tpu.dma_semaphore, #tpu.memory_space<semaphore_mem>>) src(%dma_wait3A_331 : memref<80x16xf32, #tpu.memory_space<vmem>>) dst(%dma_wait3A_328 : memref<80x16xf32, #tpu.memory_space<vmem_shared>>)
    } else {
    }
    %scan3A_116 = arith.constant 0 : i32
    %scan3A_117 = arith.constant 0 : i32
    %scan3A_118 = arith.constant 128 : i32
    %scan3A_119 = arith.addi %scan3A_117, %scan3A_118 : i32
    %scan3A_120 = arith.constant 1 : i32
    scf.for %scan3A_308 = %scan3A_117 to %scan3A_119 step %scan3A_120  : i32 {
      %swap3A = arith.index_cast %scan3A_308 : i32 to index
      %swap3A_309 = arith.constant 0 : index
      %swap3A_310 = tpu.vector_load %arg10[%swap3A, %swap3A_309] {strides = array<i32>} : memref<128x16xf32, #tpu.memory_space<vmem>>, vector<1x16xf32>,
      %swap3A_311 = vector.shape_cast %swap3A_310 : vector<1x16xf32> to vector<16xf32>
      %swap3A_312 = vector.shape_cast %broadcast_in_dim3A_2 : vector<16xf32> to vector<1x16xf32>
      tpu.vector_store %arg10[%swap3A, %swap3A_309], %swap3A_312 {strides = array<i32>} : memref<128x16xf32, #tpu.memory_space<vmem>>, vector<1x16xf32>,
    }
    %scan3A_121 = arith.constant 128 : i32
    %mul3A = arith.constant 156 : i32
    %mul3A_122 = arith.muli %arg1, %mul3A : i32
    %min3A = arith.constant 4 : i32
    %min3A_123 = arith.minsi %arg1, %min3A : i32
    %add3A_124 = arith.addi %mul3A_122, %min3A_123 : i32
    "tpu.region"() ({
      %run_scoped3A = tpu.sem_alloc : memref<!tpu.dma_semaphore, #tpu.memory_space<semaphore_mem>>
      %dma_start3A_308 = arith.constant 0 : i32
      %dma_start3A_309 = arith.constant 0 : i32
      %dma_start3A_310 = arith.constant 0 : i32
      %dma_start3A_311 = tpu.memref_slice %arg9[%dma_start3A_308, %dma_start3A_309, %dma_start3A_310] : memref<157x2x128xi32, #tpu.memory_space<vmem>> -> memref<156x2x128xi32, #tpu.memory_space<vmem>>
      %dma_start3A_312 = arith.constant 0 : i32
      %dma_start3A_313 = arith.constant 0 : i32
      %dma_start3A_314 = tpu.memref_slice %arg3[%add3A_124, %dma_start3A_312, %dma_start3A_313] : memref<2500x2x128xi32, #tpu.memory_space<hbm>> -> memref<156x2x128xi32, #tpu.memory_space<hbm>>
      %dma_start3A_315 = arith.constant 0 : i32
      %dma_start3A_316 = arith.constant 0 : i32
      %dma_start3A_317 = arith.constant 0 : i32
      %dma_start3A_318 = tpu.memref_slice %arg9[%dma_start3A_315, %dma_start3A_316, %dma_start3A_317] : memref<157x2x128xi32, #tpu.memory_space<vmem>> -> memref<156x2x128xi32, #tpu.memory_space<vmem>>
      %dma_start3A_319 = arith.constant 0 : i32
      %dma_start3A_320 = arith.constant 0 : i32
      %dma_start3A_321 = tpu.memref_slice %arg3[%add3A_124, %dma_start3A_319, %dma_start3A_320] : memref<2500x2x128xi32, #tpu.memory_space<hbm>> -> memref<156x2x128xi32, #tpu.memory_space<hbm>>
      tpu.enqueue_dma source(%dma_start3A_321 : memref<156x2x128xi32, #tpu.memory_space<hbm>>) target(%dma_start3A_318 : memref<156x2x128xi32, #tpu.memory_space<vmem>>) target_semaphore(%run_scoped3A : memref<!tpu.dma_semaphore, #tpu.memory_space<semaphore_mem>>)
      %dma_wait3A_322 = arith.constant 0 : i32
      %dma_wait3A_323 = arith.constant 0 : i32
      %dma_wait3A_324 = arith.constant 0 : i32
      %dma_wait3A_325 = tpu.memref_slice %arg9[%dma_wait3A_322, %dma_wait3A_323, %dma_wait3A_324] : memref<157x2x128xi32, #tpu.memory_space<vmem>> -> memref<156x2x128xi32, #tpu.memory_space<vmem>>
      %dma_wait3A_326 = arith.constant 0 : i32
      %dma_wait3A_327 = arith.constant 0 : i32
      %dma_wait3A_328 = tpu.memref_slice %arg3[%add3A_124, %dma_wait3A_326, %dma_wait3A_327] : memref<2500x2x128xi32, #tpu.memory_space<hbm>> -> memref<156x2x128xi32, #tpu.memory_space<hbm>>
      %dma_wait3A_329 = arith.constant 0 : i32
      %dma_wait3A_330 = arith.constant 0 : i32
      %dma_wait3A_331 = arith.constant 0 : i32
      %dma_wait3A_332 = tpu.memref_slice %arg9[%dma_wait3A_329, %dma_wait3A_330, %dma_wait3A_331] : memref<157x2x128xi32, #tpu.memory_space<vmem>> -> memref<156x2x128xi32, #tpu.memory_space<vmem>>
      %dma_wait3A_333 = arith.constant 0 : i32
      %dma_wait3A_334 = arith.constant 0 : i32
      %dma_wait3A_335 = tpu.memref_slice %arg3[%add3A_124, %dma_wait3A_333, %dma_wait3A_334] : memref<2500x2x128xi32, #tpu.memory_space<hbm>> -> memref<156x2x128xi32, #tpu.memory_space<hbm>>
      tpu.wait_dma2 semaphore(%run_scoped3A : memref<!tpu.dma_semaphore, #tpu.memory_space<semaphore_mem>>) src(%dma_wait3A_335 : memref<156x2x128xi32, #tpu.memory_space<hbm>>) dst(%dma_wait3A_332 : memref<156x2x128xi32, #tpu.memory_space<vmem>>)
      tpu.yield
    }) : () -> ()
    %lt3A_125 = arith.constant 4 : i32
    %lt3A_126 = arith.cmpi slt, %arg1, %lt3A_125 : i32
    %convert_element_type3A_127 = arith.extui %lt3A_126 : i1 to i32
    %cond3A_128 = arith.constant 0 : i32
    %cond3A_129 = arith.cmpi ne, %convert_element_type3A_127, %cond3A_128 : i32
    scf.if %cond3A_129 {
      %add3A_308 = arith.constant 156 : i32
      %add3A_309 = arith.addi %add3A_124, %add3A_308 : i32
      "tpu.region"() ({
        %run_scoped3A = tpu.sem_alloc : memref<!tpu.dma_semaphore, #tpu.memory_space<semaphore_mem>>
        %dma_start3A_310 = arith.constant 156 : i32
        %dma_start3A_311 = arith.constant 0 : i32
        %dma_start3A_312 = arith.constant 0 : i32
        %dma_start3A_313 = tpu.memref_slice %arg9[%dma_start3A_310, %dma_start3A_311, %dma_start3A_312] : memref<157x2x128xi32, #tpu.memory_space<vmem>> -> memref<1x2x128xi32, #tpu.memory_space<vmem>>
        %dma_start3A_314 = arith.constant 0 : i32
        %dma_start3A_315 = arith.constant 0 : i32
        %dma_start3A_316 = tpu.memref_slice %arg3[%add3A_309, %dma_start3A_314, %dma_start3A_315] : memref<2500x2x128xi32, #tpu.memory_space<hbm>> -> memref<1x2x128xi32, #tpu.memory_space<hbm>>
        %dma_start3A_317 = arith.constant 156 : i32
        %dma_start3A_318 = arith.constant 0 : i32
        %dma_start3A_319 = arith.constant 0 : i32
        %dma_start3A_320 = tpu.memref_slice %arg9[%dma_start3A_317, %dma_start3A_318, %dma_start3A_319] : memref<157x2x128xi32, #tpu.memory_space<vmem>> -> memref<1x2x128xi32, #tpu.memory_space<vmem>>
        %dma_start3A_321 = arith.constant 0 : i32
        %dma_start3A_322 = arith.constant 0 : i32
        %dma_start3A_323 = tpu.memref_slice %arg3[%add3A_309, %dma_start3A_321, %dma_start3A_322] : memref<2500x2x128xi32, #tpu.memory_space<hbm>> -> memref<1x2x128xi32, #tpu.memory_space<hbm>>
        tpu.enqueue_dma source(%dma_start3A_323 : memref<1x2x128xi32, #tpu.memory_space<hbm>>) target(%dma_start3A_320 : memref<1x2x128xi32, #tpu.memory_space<vmem>>) target_semaphore(%run_scoped3A : memref<!tpu.dma_semaphore, #tpu.memory_space<semaphore_mem>>)
        %dma_wait3A_324 = arith.constant 156 : i32
        %dma_wait3A_325 = arith.constant 0 : i32
        %dma_wait3A_326 = arith.constant 0 : i32
        %dma_wait3A_327 = tpu.memref_slice %arg9[%dma_wait3A_324, %dma_wait3A_325, %dma_wait3A_326] : memref<157x2x128xi32, #tpu.memory_space<vmem>> -> memref<1x2x128xi32, #tpu.memory_space<vmem>>
        %dma_wait3A_328 = arith.constant 0 : i32
        %dma_wait3A_329 = arith.constant 0 : i32
        %dma_wait3A_330 = tpu.memref_slice %arg3[%add3A_309, %dma_wait3A_328, %dma_wait3A_329] : memref<2500x2x128xi32, #tpu.memory_space<hbm>> -> memref<1x2x128xi32, #tpu.memory_space<hbm>>
        %dma_wait3A_331 = arith.constant 156 : i32
        %dma_wait3A_332 = arith.constant 0 : i32
        %dma_wait3A_333 = arith.constant 0 : i32
        %dma_wait3A_334 = tpu.memref_slice %arg9[%dma_wait3A_331, %dma_wait3A_332, %dma_wait3A_333] : memref<157x2x128xi32, #tpu.memory_space<vmem>> -> memref<1x2x128xi32, #tpu.memory_space<vmem>>
        %dma_wait3A_335 = arith.constant 0 : i32
        %dma_wait3A_336 = arith.constant 0 : i32
        %dma_wait3A_337 = tpu.memref_slice %arg3[%add3A_309, %dma_wait3A_335, %dma_wait3A_336] : memref<2500x2x128xi32, #tpu.memory_space<hbm>> -> memref<1x2x128xi32, #tpu.memory_space<hbm>>
        tpu.wait_dma2 semaphore(%run_scoped3A : memref<!tpu.dma_semaphore, #tpu.memory_space<semaphore_mem>>) src(%dma_wait3A_337 : memref<1x2x128xi32, #tpu.memory_space<hbm>>) dst(%dma_wait3A_334 : memref<1x2x128xi32, #tpu.memory_space<vmem>>)
        tpu.yield
      }) : () -> ()
    } else {
    }
    %scan3A_130 = arith.constant 0 : i32
    %scan3A_131 = arith.constant 0 : i32
    %scan3A_132 = arith.constant 157 : i32
    %scan3A_133 = arith.addi %scan3A_131, %scan3A_132 : i32
    %scan3A_134 = arith.constant 1 : i32
    scf.for %scan3A_308 = %scan3A_131 to %scan3A_133 step %scan3A_134  : i32 {
      %get3A = arith.constant 0 : i32
      %get3A_309 = arith.index_cast %scan3A_308 : i32 to index
      %get3A_310 = arith.index_cast %get3A : i32 to index
      %get3A_311 = arith.constant 0 : index
      %get3A_312 = tpu.vector_load %arg9[%get3A_309, %get3A_310, %get3A_311] {strides = array<i32>} : memref<157x2x128xi32, #tpu.memory_space<vmem>>, vector<1x1x16xi32>,
      %get3A_313 = vector.shape_cast %get3A_312 : vector<1x1x16xi32> to vector<16xi32>
      %add3A_314 = arith.addi %get3A_313, %get3A_313 : vector<16xi32>
      %add3A_315 = vector.broadcast %arg0 : i32 to vector<16xi32>
      %add3A_316 = arith.addi %add3A_314, %add3A_315 : vector<16xi32>
      %swap3A = arith.constant 0 : i32
      %swap3A_317 = arith.index_cast %scan3A_308 : i32 to index
      %swap3A_318 = arith.index_cast %swap3A : i32 to index
      %swap3A_319 = arith.constant 0 : index
      %swap3A_320 = tpu.vector_load %arg9[%swap3A_317, %swap3A_318, %swap3A_319] {strides = array<i32>} : memref<157x2x128xi32, #tpu.memory_space<vmem>>, vector<1x1x16xi32>,
      %swap3A_321 = vector.shape_cast %swap3A_320 : vector<1x1x16xi32> to vector<16xi32>
      %swap3A_322 = vector.shape_cast %add3A_316 : vector<16xi32> to vector<1x1x16xi32>
      tpu.vector_store %arg9[%swap3A_317, %swap3A_318, %swap3A_319], %swap3A_322 {strides = array<i32>} : memref<157x2x128xi32, #tpu.memory_space<vmem>>, vector<1x1x16xi32>,
      %get3A_323 = arith.constant 0 : i32
      %get3A_324 = arith.index_cast %scan3A_308 : i32 to index
      %get3A_325 = arith.index_cast %get3A_323 : i32 to index
      %get3A_326 = arith.constant 16 : index
      %get3A_327 = tpu.vector_load %arg9[%get3A_324, %get3A_325, %get3A_326] {strides = array<i32>} : memref<157x2x128xi32, #tpu.memory_space<vmem>>, vector<1x1x16xi32>,
      %get3A_328 = vector.shape_cast %get3A_327 : vector<1x1x16xi32> to vector<16xi32>
      %add3A_329 = arith.addi %get3A_328, %get3A_328 : vector<16xi32>
      %add3A_330 = vector.broadcast %arg0 : i32 to vector<16xi32>
      %add3A_331 = arith.addi %add3A_329, %add3A_330 : vector<16xi32>
      %swap3A_332 = arith.constant 0 : i32
      %swap3A_333 = arith.index_cast %scan3A_308 : i32 to index
      %swap3A_334 = arith.index_cast %swap3A_332 : i32 to index
      %swap3A_335 = arith.constant 16 : index
      %swap3A_336 = tpu.vector_load %arg9[%swap3A_333, %swap3A_334, %swap3A_335] {strides = array<i32>} : memref<157x2x128xi32, #tpu.memory_space<vmem>>, vector<1x1x16xi32>,
      %swap3A_337 = vector.shape_cast %swap3A_336 : vector<1x1x16xi32> to vector<16xi32>
      %swap3A_338 = vector.shape_cast %add3A_331 : vector<16xi32> to vector<1x1x16xi32>
      tpu.vector_store %arg9[%swap3A_333, %swap3A_334, %swap3A_335], %swap3A_338 {strides = array<i32>} : memref<157x2x128xi32, #tpu.memory_space<vmem>>, vector<1x1x16xi32>,
      %get3A_339 = arith.constant 0 : i32
      %get3A_340 = arith.index_cast %scan3A_308 : i32 to index
      %get3A_341 = arith.index_cast %get3A_339 : i32 to index
      %get3A_342 = arith.constant 32 : index
      %get3A_343 = tpu.vector_load %arg9[%get3A_340, %get3A_341, %get3A_342] {strides = array<i32>} : memref<157x2x128xi32, #tpu.memory_space<vmem>>, vector<1x1x16xi32>,
      %get3A_344 = vector.shape_cast %get3A_343 : vector<1x1x16xi32> to vector<16xi32>
      %add3A_345 = arith.addi %get3A_344, %get3A_344 : vector<16xi32>
      %add3A_346 = vector.broadcast %arg0 : i32 to vector<16xi32>
      %add3A_347 = arith.addi %add3A_345, %add3A_346 : vector<16xi32>
      %swap3A_348 = arith.constant 0 : i32
      %swap3A_349 = arith.index_cast %scan3A_308 : i32 to index
      %swap3A_350 = arith.index_cast %swap3A_348 : i32 to index
      %swap3A_351 = arith.constant 32 : index
      %swap3A_352 = tpu.vector_load %arg9[%swap3A_349, %swap3A_350, %swap3A_351] {strides = array<i32>} : memref<157x2x128xi32, #tpu.memory_space<vmem>>, vector<1x1x16xi32>,
      %swap3A_353 = vector.shape_cast %swap3A_352 : vector<1x1x16xi32> to vector<16xi32>
      %swap3A_354 = vector.shape_cast %add3A_347 : vector<16xi32> to vector<1x1x16xi32>
      tpu.vector_store %arg9[%swap3A_349, %swap3A_350, %swap3A_351], %swap3A_354 {strides = array<i32>} : memref<157x2x128xi32, #tpu.memory_space<vmem>>, vector<1x1x16xi32>,
      %get3A_355 = arith.constant 0 : i32
      %get3A_356 = arith.index_cast %scan3A_308 : i32 to index
      %get3A_357 = arith.index_cast %get3A_355 : i32 to index
      %get3A_358 = arith.constant 48 : index
      %get3A_359 = tpu.vector_load %arg9[%get3A_356, %get3A_357, %get3A_358] {strides = array<i32>} : memref<157x2x128xi32, #tpu.memory_space<vmem>>, vector<1x1x16xi32>,
      %get3A_360 = vector.shape_cast %get3A_359 : vector<1x1x16xi32> to vector<16xi32>
      %add3A_361 = arith.addi %get3A_360, %get3A_360 : vector<16xi32>
      %add3A_362 = vector.broadcast %arg0 : i32 to vector<16xi32>
      %add3A_363 = arith.addi %add3A_361, %add3A_362 : vector<16xi32>
      %swap3A_364 = arith.constant 0 : i32
      %swap3A_365 = arith.index_cast %scan3A_308 : i32 to index
      %swap3A_366 = arith.index_cast %swap3A_364 : i32 to index
      %swap3A_367 = arith.constant 48 : index
      %swap3A_368 = tpu.vector_load %arg9[%swap3A_365, %swap3A_366, %swap3A_367] {strides = array<i32>} : memref<157x2x128xi32, #tpu.memory_space<vmem>>, vector<1x1x16xi32>,
      %swap3A_369 = vector.shape_cast %swap3A_368 : vector<1x1x16xi32> to vector<16xi32>
      %swap3A_370 = vector.shape_cast %add3A_363 : vector<16xi32> to vector<1x1x16xi32>
      tpu.vector_store %arg9[%swap3A_365, %swap3A_366, %swap3A_367], %swap3A_370 {strides = array<i32>} : memref<157x2x128xi32, #tpu.memory_space<vmem>>, vector<1x1x16xi32>,
      %get3A_371 = arith.constant 0 : i32
      %get3A_372 = arith.index_cast %scan3A_308 : i32 to index
      %get3A_373 = arith.index_cast %get3A_371 : i32 to index
      %get3A_374 = arith.constant 64 : index
      %get3A_375 = tpu.vector_load %arg9[%get3A_372, %get3A_373, %get3A_374] {strides = array<i32>} : memref<157x2x128xi32, #tpu.memory_space<vmem>>, vector<1x1x16xi32>,
      %get3A_376 = vector.shape_cast %get3A_375 : vector<1x1x16xi32> to vector<16xi32>
      %add3A_377 = arith.addi %get3A_376, %get3A_376 : vector<16xi32>
      %add3A_378 = vector.broadcast %arg0 : i32 to vector<16xi32>
      %add3A_379 = arith.addi %add3A_377, %add3A_378 : vector<16xi32>
      %swap3A_380 = arith.constant 0 : i32
      %swap3A_381 = arith.index_cast %scan3A_308 : i32 to index
      %swap3A_382 = arith.index_cast %swap3A_380 : i32 to index
      %swap3A_383 = arith.constant 64 : index
      %swap3A_384 = tpu.vector_load %arg9[%swap3A_381, %swap3A_382, %swap3A_383] {strides = array<i32>} : memref<157x2x128xi32, #tpu.memory_space<vmem>>, vector<1x1x16xi32>,
      %swap3A_385 = vector.shape_cast %swap3A_384 : vector<1x1x16xi32> to vector<16xi32>
      %swap3A_386 = vector.shape_cast %add3A_379 : vector<16xi32> to vector<1x1x16xi32>
      tpu.vector_store %arg9[%swap3A_381, %swap3A_382, %swap3A_383], %swap3A_386 {strides = array<i32>} : memref<157x2x128xi32, #tpu.memory_space<vmem>>, vector<1x1x16xi32>,
      %get3A_387 = arith.constant 0 : i32
      %get3A_388 = arith.index_cast %scan3A_308 : i32 to index
      %get3A_389 = arith.index_cast %get3A_387 : i32 to index
      %get3A_390 = arith.constant 80 : index
      %get3A_391 = tpu.vector_load %arg9[%get3A_388, %get3A_389, %get3A_390] {strides = array<i32>} : memref<157x2x128xi32, #tpu.memory_space<vmem>>, vector<1x1x16xi32>,
      %get3A_392 = vector.shape_cast %get3A_391 : vector<1x1x16xi32> to vector<16xi32>
      %add3A_393 = arith.addi %get3A_392, %get3A_392 : vector<16xi32>
      %add3A_394 = vector.broadcast %arg0 : i32 to vector<16xi32>
      %add3A_395 = arith.addi %add3A_393, %add3A_394 : vector<16xi32>
      %swap3A_396 = arith.constant 0 : i32
      %swap3A_397 = arith.index_cast %scan3A_308 : i32 to index
      %swap3A_398 = arith.index_cast %swap3A_396 : i32 to index
      %swap3A_399 = arith.constant 80 : index
      %swap3A_400 = tpu.vector_load %arg9[%swap3A_397, %swap3A_398, %swap3A_399] {strides = array<i32>} : memref<157x2x128xi32, #tpu.memory_space<vmem>>, vector<1x1x16xi32>,
      %swap3A_401 = vector.shape_cast %swap3A_400 : vector<1x1x16xi32> to vector<16xi32>
      %swap3A_402 = vector.shape_cast %add3A_395 : vector<16xi32> to vector<1x1x16xi32>
      tpu.vector_store %arg9[%swap3A_397, %swap3A_398, %swap3A_399], %swap3A_402 {strides = array<i32>} : memref<157x2x128xi32, #tpu.memory_space<vmem>>, vector<1x1x16xi32>,
      %get3A_403 = arith.constant 0 : i32
      %get3A_404 = arith.index_cast %scan3A_308 : i32 to index
      %get3A_405 = arith.index_cast %get3A_403 : i32 to index
      %get3A_406 = arith.constant 96 : index
      %get3A_407 = tpu.vector_load %arg9[%get3A_404, %get3A_405, %get3A_406] {strides = array<i32>} : memref<157x2x128xi32, #tpu.memory_space<vmem>>, vector<1x1x16xi32>,
      %get3A_408 = vector.shape_cast %get3A_407 : vector<1x1x16xi32> to vector<16xi32>
      %add3A_409 = arith.addi %get3A_408, %get3A_408 : vector<16xi32>
      %add3A_410 = vector.broadcast %arg0 : i32 to vector<16xi32>
      %add3A_411 = arith.addi %add3A_409, %add3A_410 : vector<16xi32>
      %swap3A_412 = arith.constant 0 : i32
      %swap3A_413 = arith.index_cast %scan3A_308 : i32 to index
      %swap3A_414 = arith.index_cast %swap3A_412 : i32 to index
      %swap3A_415 = arith.constant 96 : index
      %swap3A_416 = tpu.vector_load %arg9[%swap3A_413, %swap3A_414, %swap3A_415] {strides = array<i32>} : memref<157x2x128xi32, #tpu.memory_space<vmem>>, vector<1x1x16xi32>,
      %swap3A_417 = vector.shape_cast %swap3A_416 : vector<1x1x16xi32> to vector<16xi32>
      %swap3A_418 = vector.shape_cast %add3A_411 : vector<16xi32> to vector<1x1x16xi32>
      tpu.vector_store %arg9[%swap3A_413, %swap3A_414, %swap3A_415], %swap3A_418 {strides = array<i32>} : memref<157x2x128xi32, #tpu.memory_space<vmem>>, vector<1x1x16xi32>,
      %get3A_419 = arith.constant 0 : i32
      %get3A_420 = arith.index_cast %scan3A_308 : i32 to index
      %get3A_421 = arith.index_cast %get3A_419 : i32 to index
      %get3A_422 = arith.constant 112 : index
      %get3A_423 = tpu.vector_load %arg9[%get3A_420, %get3A_421, %get3A_422] {strides = array<i32>} : memref<157x2x128xi32, #tpu.memory_space<vmem>>, vector<1x1x16xi32>,
      %get3A_424 = vector.shape_cast %get3A_423 : vector<1x1x16xi32> to vector<16xi32>
      %add3A_425 = arith.addi %get3A_424, %get3A_424 : vector<16xi32>
      %add3A_426 = vector.broadcast %arg0 : i32 to vector<16xi32>
      %add3A_427 = arith.addi %add3A_425, %add3A_426 : vector<16xi32>
      %swap3A_428 = arith.constant 0 : i32
      %swap3A_429 = arith.index_cast %scan3A_308 : i32 to index
      %swap3A_430 = arith.index_cast %swap3A_428 : i32 to index
      %swap3A_431 = arith.constant 112 : index
      %swap3A_432 = tpu.vector_load %arg9[%swap3A_429, %swap3A_430, %swap3A_431] {strides = array<i32>} : memref<157x2x128xi32, #tpu.memory_space<vmem>>, vector<1x1x16xi32>,
      %swap3A_433 = vector.shape_cast %swap3A_432 : vector<1x1x16xi32> to vector<16xi32>
      %swap3A_434 = vector.shape_cast %add3A_427 : vector<16xi32> to vector<1x1x16xi32>
      tpu.vector_store %arg9[%swap3A_429, %swap3A_430, %swap3A_431], %swap3A_434 {strides = array<i32>} : memref<157x2x128xi32, #tpu.memory_space<vmem>>, vector<1x1x16xi32>,
    }
    %scan3A_135 = arith.constant 157 : i32
    %barrier3A = arith.constant 0 : index
    tpu.barrier barrier_id(%barrier3A)
    %dma_start3A = arith.constant 0 : i32
    %dma_start3A_136 = arith.constant 0 : i32
    %dma_start3A_137 = arith.constant 0 : i32
    %dma_start3A_138 = tpu.memref_slice %arg9[%dma_start3A, %dma_start3A_136, %dma_start3A_137] : memref<157x2x128xi32, #tpu.memory_space<vmem>> -> memref<1x1x128xi32, #tpu.memory_space<vmem>>
    %dma_start3A_139 = tpu.memref_squeeze %dma_start3A_138 : memref<1x1x128xi32, #tpu.memory_space<vmem>> -> memref<128xi32, #tpu.memory_space<vmem>>
    %dma_start3A_140 = arith.constant 0 : i32
    %dma_start3A_141 = arith.constant 0 : i32
    %dma_start3A_142 = tpu.memref_slice %arg2[%dma_start3A_140, %dma_start3A_141] : memref<20000x64xf32, #tpu.memory_space<hbm>> -> memref<20000x64xf32, #tpu.memory_space<hbm>>
    tpu.enqueue_indirect_dma source(%dma_start3A_142 : memref<20000x64xf32, #tpu.memory_space<hbm>>) target(%arg6 : memref<128x64xf32, #tpu.memory_space<vmem>>) offsets(%dma_start3A_139 : memref<128xi32, #tpu.memory_space<vmem>>) semaphore(%arg11 : memref<!tpu.dma_semaphore, #tpu.memory_space<semaphore_mem>>)
    %dma_start3A_143 = arith.constant 1 : i32
    %dma_start3A_144 = arith.constant 0 : i32
    %dma_start3A_145 = arith.constant 0 : i32
    %dma_start3A_146 = tpu.memref_slice %arg9[%dma_start3A_143, %dma_start3A_144, %dma_start3A_145] : memref<157x2x128xi32, #tpu.memory_space<vmem>> -> memref<1x1x128xi32, #tpu.memory_space<vmem>>
    %dma_start3A_147 = tpu.memref_squeeze %dma_start3A_146 : memref<1x1x128xi32, #tpu.memory_space<vmem>> -> memref<128xi32, #tpu.memory_space<vmem>>
    %dma_start3A_148 = arith.constant 0 : i32
    %dma_start3A_149 = arith.constant 0 : i32
    %dma_start3A_150 = tpu.memref_slice %arg2[%dma_start3A_148, %dma_start3A_149] : memref<20000x64xf32, #tpu.memory_space<hbm>> -> memref<20000x64xf32, #tpu.memory_space<hbm>>
    tpu.enqueue_indirect_dma source(%dma_start3A_150 : memref<20000x64xf32, #tpu.memory_space<hbm>>) target(%arg7 : memref<128x64xf32, #tpu.memory_space<vmem>>) offsets(%dma_start3A_147 : memref<128xi32, #tpu.memory_space<vmem>>) semaphore(%arg12 : memref<!tpu.dma_semaphore, #tpu.memory_space<semaphore_mem>>)
    %scan3A_151 = arith.constant 0 : i32
    %scan3A_152 = arith.constant 0 : i32
    %scan3A_153 = arith.constant 52 : i32
    %scan3A_154 = arith.addi %scan3A_152, %scan3A_153 : i32
    %scan3A_155 = arith.constant 1 : i32
    scf.for %scan3A_308 = %scan3A_152 to %scan3A_154 step %scan3A_155  : i32 {
      %mul3A_309 = arith.constant 3 : i32
      %mul3A_310 = arith.muli %scan3A_308, %mul3A_309 : i32
      %add3A_311 = arith.constant 0 : i32
      %add3A_312 = arith.addi %mul3A_310, %add3A_311 : i32
      %dma_wait3A_313 = arith.constant 0 : i32
      %dma_wait3A_314 = arith.constant 0 : i32
      %dma_wait3A_315 = tpu.memref_slice %arg2[%dma_wait3A_313, %dma_wait3A_314] : memref<20000x64xf32, #tpu.memory_space<hbm>> -> memref<128x64xf32, #tpu.memory_space<hbm>>
      %dma_wait3A_316 = arith.constant 0 : i32
      %dma_wait3A_317 = arith.constant 0 : i32
      %dma_wait3A_318 = tpu.memref_slice %arg2[%dma_wait3A_316, %dma_wait3A_317] : memref<20000x64xf32, #tpu.memory_space<hbm>> -> memref<128x64xf32, #tpu.memory_space<hbm>>
      tpu.wait_dma2 semaphore(%arg11 : memref<!tpu.dma_semaphore, #tpu.memory_space<semaphore_mem>>) src(%dma_wait3A_318 : memref<128x64xf32, #tpu.memory_space<hbm>>) dst(%arg6 : memref<128x64xf32, #tpu.memory_space<vmem>>)
      %dma_start3A_319 = arith.constant 1 : i32
      %dma_start3A_320 = arith.constant 0 : i32
      %dma_start3A_321 = tpu.memref_slice %arg9[%add3A_312, %dma_start3A_319, %dma_start3A_320] : memref<157x2x128xi32, #tpu.memory_space<vmem>> -> memref<1x1x128xi32, #tpu.memory_space<vmem>>
      %dma_start3A_322 = tpu.memref_squeeze %dma_start3A_321 : memref<1x1x128xi32, #tpu.memory_space<vmem>> -> memref<128xi32, #tpu.memory_space<vmem>>
      %dma_start3A_323 = arith.constant 0 : i32
      %dma_start3A_324 = arith.constant 0 : i32
      %dma_start3A_325 = tpu.memref_slice %arg18[%dma_start3A_323, %dma_start3A_324] : memref<10000x64xf32, #tpu.memory_space<vmem_shared>> -> memref<10000x64xf32, #tpu.memory_space<vmem_shared>>
      tpu.enqueue_indirect_dma source(%arg6 : memref<128x64xf32, #tpu.memory_space<vmem>>) target(%dma_start3A_325 : memref<10000x64xf32, #tpu.memory_space<vmem_shared>>) offsets(%dma_start3A_322 : memref<128xi32, #tpu.memory_space<vmem>>) semaphore(%arg14 : memref<!tpu.dma_semaphore, #tpu.memory_space<semaphore_mem>>) {add = true}
      %add3A_326 = arith.addi %add3A_312, %arg0 : i32
      %jit3A = arith.constant 2 : i32
      %eq3A_327 = arith.constant 0 : i32
      %eq3A_328 = arith.cmpi eq, %jit3A, %eq3A_327 : i32
      %jit3A_329 = arith.constant 1 : i32
      %select_n3A = arith.select %eq3A_328, %jit3A_329, %jit3A : i32
      %rem3A = arith.remsi %add3A_326, %select_n3A : i32
      %ne3A = arith.constant 0 : i32
      %ne3A_330 = arith.cmpi ne, %rem3A, %ne3A : i32
      %lt3A_331 = arith.constant 0 : i32
      %lt3A_332 = arith.cmpi slt, %rem3A, %lt3A_331 : i32
      %lt3A_333 = arith.constant 0 : i32
      %lt3A_334 = arith.cmpi slt, %select_n3A, %lt3A_333 : i32
      %ne3A_335 = arith.xori %lt3A_332, %lt3A_334 : i1
      %and3A_336 = arith.andi %ne3A_335, %ne3A_330 : i1
      %add3A_337 = arith.addi %rem3A, %select_n3A : i32
      %select_n3A_338 = arith.select %and3A_336, %add3A_337, %rem3A : i32
      %eq3A_339 = arith.constant 0 : i32
      %eq3A_340 = arith.cmpi eq, %select_n3A_338, %eq3A_339 : i32
      %convert_element_type3A_341 = arith.extui %eq3A_340 : i1 to i32
      %cond3A_342 = arith.constant 0 : i32
      %cond3A_343 = arith.cmpi ne, %convert_element_type3A_341, %cond3A_342 : i32
      scf.if %cond3A_343 {
        %dma_start3A_466 = arith.constant 1 : i32
        %dma_start3A_467 = arith.constant 0 : i32
        %dma_start3A_468 = tpu.memref_slice %arg9[%add3A_312, %dma_start3A_466, %dma_start3A_467] : memref<157x2x128xi32, #tpu.memory_space<vmem>> -> memref<1x1x128xi32, #tpu.memory_space<vmem>>
        %dma_start3A_469 = tpu.memref_squeeze %dma_start3A_468 : memref<1x1x128xi32, #tpu.memory_space<vmem>> -> memref<128xi32, #tpu.memory_space<vmem>>
        %dma_start3A_470 = arith.constant 0 : i32
        %dma_start3A_471 = arith.constant 0 : i32
        %dma_start3A_472 = tpu.memref_slice %arg19[%dma_start3A_470, %dma_start3A_471] : memref<10000x16xf32, #tpu.memory_space<vmem_shared>> -> memref<10000x16xf32, #tpu.memory_space<vmem_shared>>
        tpu.enqueue_indirect_dma source(%arg10 : memref<128x16xf32, #tpu.memory_space<vmem>>) target(%dma_start3A_472 : memref<10000x16xf32, #tpu.memory_space<vmem_shared>>) offsets(%dma_start3A_469 : memref<128xi32, #tpu.memory_space<vmem>>) semaphore(%arg17 : memref<!tpu.dma_semaphore, #tpu.memory_space<semaphore_mem>>) {add = true}
      } else {
      }
      %add3A_344 = arith.constant 2 : i32
      %add3A_345 = arith.addi %add3A_312, %add3A_344 : i32
      %lt3A_346 = arith.constant 156 : i32
      %lt3A_347 = arith.cmpi slt, %add3A_345, %lt3A_346 : i32
      %add3A_348 = arith.constant 2 : i32
      %add3A_349 = arith.addi %add3A_312, %add3A_348 : i32
      %eq3A_350 = arith.constant 156 : i32
      %eq3A_351 = arith.cmpi eq, %add3A_349, %eq3A_350 : i32
      %lt3A_352 = arith.constant 4 : i32
      %lt3A_353 = arith.cmpi slt, %arg1, %lt3A_352 : i32
      %and3A_354 = arith.andi %eq3A_351, %lt3A_353 : i1
      %or3A = arith.ori %lt3A_347, %and3A_354 : i1
      %convert_element_type3A_355 = arith.extui %or3A : i1 to i32
      %cond3A_356 = arith.constant 0 : i32
      %cond3A_357 = arith.cmpi ne, %convert_element_type3A_355, %cond3A_356 : i32
      scf.if %cond3A_357 {
        %ge3A = arith.constant 1 : i32
        %ge3A_466 = arith.cmpi sge, %add3A_312, %ge3A : i32
        %convert_element_type3A_467 = arith.extui %ge3A_466 : i1 to i32
        %cond3A_468 = arith.constant 0 : i32
        %cond3A_469 = arith.cmpi ne, %convert_element_type3A_467, %cond3A_468 : i32
        scf.if %cond3A_469 {
          %dma_wait3A_479 = arith.constant 0 : i32
          %dma_wait3A_480 = arith.constant 0 : i32
          %dma_wait3A_481 = tpu.memref_slice %arg18[%dma_wait3A_479, %dma_wait3A_480] : memref<10000x64xf32, #tpu.memory_space<vmem_shared>> -> memref<128x64xf32, #tpu.memory_space<vmem_shared>>
          %dma_wait3A_482 = arith.constant 0 : i32
          %dma_wait3A_483 = arith.constant 0 : i32
          %dma_wait3A_484 = tpu.memref_slice %arg18[%dma_wait3A_482, %dma_wait3A_483] : memref<10000x64xf32, #tpu.memory_space<vmem_shared>> -> memref<128x64xf32, #tpu.memory_space<vmem_shared>>
          tpu.wait_dma2 semaphore(%arg16 : memref<!tpu.dma_semaphore, #tpu.memory_space<semaphore_mem>>) src(%arg8 : memref<128x64xf32, #tpu.memory_space<vmem>>) dst(%dma_wait3A_484 : memref<128x64xf32, #tpu.memory_space<vmem_shared>>)
        } else {
        }
        %add3A_470 = arith.constant 2 : i32
        %add3A_471 = arith.addi %add3A_312, %add3A_470 : i32
        %dma_start3A_472 = arith.constant 0 : i32
        %dma_start3A_473 = arith.constant 0 : i32
        %dma_start3A_474 = tpu.memref_slice %arg9[%add3A_471, %dma_start3A_472, %dma_start3A_473] : memref<157x2x128xi32, #tpu.memory_space<vmem>> -> memref<1x1x128xi32, #tpu.memory_space<vmem>>
        %dma_start3A_475 = tpu.memref_squeeze %dma_start3A_474 : memref<1x1x128xi32, #tpu.memory_space<vmem>> -> memref<128xi32, #tpu.memory_space<vmem>>
        %dma_start3A_476 = arith.constant 0 : i32
        %dma_start3A_477 = arith.constant 0 : i32
        %dma_start3A_478 = tpu.memref_slice %arg2[%dma_start3A_476, %dma_start3A_477] : memref<20000x64xf32, #tpu.memory_space<hbm>> -> memref<20000x64xf32, #tpu.memory_space<hbm>>
        tpu.enqueue_indirect_dma source(%dma_start3A_478 : memref<20000x64xf32, #tpu.memory_space<hbm>>) target(%arg8 : memref<128x64xf32, #tpu.memory_space<vmem>>) offsets(%dma_start3A_475 : memref<128xi32, #tpu.memory_space<vmem>>) semaphore(%arg13 : memref<!tpu.dma_semaphore, #tpu.memory_space<semaphore_mem>>)
      } else {
      }
      %mul3A_358 = arith.constant 3 : i32
      %mul3A_359 = arith.muli %scan3A_308, %mul3A_358 : i32
      %add3A_360 = arith.constant 1 : i32
      %add3A_361 = arith.addi %mul3A_359, %add3A_360 : i32
      %dma_wait3A_362 = arith.constant 0 : i32
      %dma_wait3A_363 = arith.constant 0 : i32
      %dma_wait3A_364 = tpu.memref_slice %arg2[%dma_wait3A_362, %dma_wait3A_363] : memref<20000x64xf32, #tpu.memory_space<hbm>> -> memref<128x64xf32, #tpu.memory_space<hbm>>
      %dma_wait3A_365 = arith.constant 0 : i32
      %dma_wait3A_366 = arith.constant 0 : i32
      %dma_wait3A_367 = tpu.memref_slice %arg2[%dma_wait3A_365, %dma_wait3A_366] : memref<20000x64xf32, #tpu.memory_space<hbm>> -> memref<128x64xf32, #tpu.memory_space<hbm>>
      tpu.wait_dma2 semaphore(%arg12 : memref<!tpu.dma_semaphore, #tpu.memory_space<semaphore_mem>>) src(%dma_wait3A_367 : memref<128x64xf32, #tpu.memory_space<hbm>>) dst(%arg7 : memref<128x64xf32, #tpu.memory_space<vmem>>)
      %dma_start3A_368 = arith.constant 1 : i32
      %dma_start3A_369 = arith.constant 0 : i32
      %dma_start3A_370 = tpu.memref_slice %arg9[%add3A_361, %dma_start3A_368, %dma_start3A_369] : memref<157x2x128xi32, #tpu.memory_space<vmem>> -> memref<1x1x128xi32, #tpu.memory_space<vmem>>
      %dma_start3A_371 = tpu.memref_squeeze %dma_start3A_370 : memref<1x1x128xi32, #tpu.memory_space<vmem>> -> memref<128xi32, #tpu.memory_space<vmem>>
      %dma_start3A_372 = arith.constant 0 : i32
      %dma_start3A_373 = arith.constant 0 : i32
      %dma_start3A_374 = tpu.memref_slice %arg18[%dma_start3A_372, %dma_start3A_373] : memref<10000x64xf32, #tpu.memory_space<vmem_shared>> -> memref<10000x64xf32, #tpu.memory_space<vmem_shared>>
      tpu.enqueue_indirect_dma source(%arg7 : memref<128x64xf32, #tpu.memory_space<vmem>>) target(%dma_start3A_374 : memref<10000x64xf32, #tpu.memory_space<vmem_shared>>) offsets(%dma_start3A_371 : memref<128xi32, #tpu.memory_space<vmem>>) semaphore(%arg15 : memref<!tpu.dma_semaphore, #tpu.memory_space<semaphore_mem>>) {add = true}
      %add3A_375 = arith.addi %add3A_361, %arg0 : i32
      %jit3A_376 = arith.constant 2 : i32
      %eq3A_377 = arith.constant 0 : i32
      %eq3A_378 = arith.cmpi eq, %jit3A_376, %eq3A_377 : i32
      %jit3A_379 = arith.constant 1 : i32
      %select_n3A_380 = arith.select %eq3A_378, %jit3A_379, %jit3A_376 : i32
      %rem3A_381 = arith.remsi %add3A_375, %select_n3A_380 : i32
      %ne3A_382 = arith.constant 0 : i32
      %ne3A_383 = arith.cmpi ne, %rem3A_381, %ne3A_382 : i32
      %lt3A_384 = arith.constant 0 : i32
      %lt3A_385 = arith.cmpi slt, %rem3A_381, %lt3A_384 : i32
      %lt3A_386 = arith.constant 0 : i32
      %lt3A_387 = arith.cmpi slt, %select_n3A_380, %lt3A_386 : i32
      %ne3A_388 = arith.xori %lt3A_385, %lt3A_387 : i1
      %and3A_389 = arith.andi %ne3A_388, %ne3A_383 : i1
      %add3A_390 = arith.addi %rem3A_381, %select_n3A_380 : i32
      %select_n3A_391 = arith.select %and3A_389, %add3A_390, %rem3A_381 : i32
      %eq3A_392 = arith.constant 0 : i32
      %eq3A_393 = arith.cmpi eq, %select_n3A_391, %eq3A_392 : i32
      %convert_element_type3A_394 = arith.extui %eq3A_393 : i1 to i32
      %cond3A_395 = arith.constant 0 : i32
      %cond3A_396 = arith.cmpi ne, %convert_element_type3A_394, %cond3A_395 : i32
      scf.if %cond3A_396 {
        %dma_start3A_466 = arith.constant 1 : i32
        %dma_start3A_467 = arith.constant 0 : i32
        %dma_start3A_468 = tpu.memref_slice %arg9[%add3A_361, %dma_start3A_466, %dma_start3A_467] : memref<157x2x128xi32, #tpu.memory_space<vmem>> -> memref<1x1x128xi32, #tpu.memory_space<vmem>>
        %dma_start3A_469 = tpu.memref_squeeze %dma_start3A_468 : memref<1x1x128xi32, #tpu.memory_space<vmem>> -> memref<128xi32, #tpu.memory_space<vmem>>
        %dma_start3A_470 = arith.constant 0 : i32
        %dma_start3A_471 = arith.constant 0 : i32
        %dma_start3A_472 = tpu.memref_slice %arg19[%dma_start3A_470, %dma_start3A_471] : memref<10000x16xf32, #tpu.memory_space<vmem_shared>> -> memref<10000x16xf32, #tpu.memory_space<vmem_shared>>
        tpu.enqueue_indirect_dma source(%arg10 : memref<128x16xf32, #tpu.memory_space<vmem>>) target(%dma_start3A_472 : memref<10000x16xf32, #tpu.memory_space<vmem_shared>>) offsets(%dma_start3A_469 : memref<128xi32, #tpu.memory_space<vmem>>) semaphore(%arg17 : memref<!tpu.dma_semaphore, #tpu.memory_space<semaphore_mem>>) {add = true}
      } else {
      }
      %add3A_397 = arith.constant 2 : i32
      %add3A_398 = arith.addi %add3A_361, %add3A_397 : i32
      %lt3A_399 = arith.constant 156 : i32
      %lt3A_400 = arith.cmpi slt, %add3A_398, %lt3A_399 : i32
      %add3A_401 = arith.constant 2 : i32
      %add3A_402 = arith.addi %add3A_361, %add3A_401 : i32
      %eq3A_403 = arith.constant 156 : i32
      %eq3A_404 = arith.cmpi eq, %add3A_402, %eq3A_403 : i32
      %lt3A_405 = arith.constant 4 : i32
      %lt3A_406 = arith.cmpi slt, %arg1, %lt3A_405 : i32
      %and3A_407 = arith.andi %eq3A_404, %lt3A_406 : i1
      %or3A_408 = arith.ori %lt3A_400, %and3A_407 : i1
      %convert_element_type3A_409 = arith.extui %or3A_408 : i1 to i32
      %cond3A_410 = arith.constant 0 : i32
      %cond3A_411 = arith.cmpi ne, %convert_element_type3A_409, %cond3A_410 : i32
      scf.if %cond3A_411 {
        %ge3A = arith.constant 1 : i32
        %ge3A_466 = arith.cmpi sge, %add3A_361, %ge3A : i32
        %convert_element_type3A_467 = arith.extui %ge3A_466 : i1 to i32
        %cond3A_468 = arith.constant 0 : i32
        %cond3A_469 = arith.cmpi ne, %convert_element_type3A_467, %cond3A_468 : i32
        scf.if %cond3A_469 {
          %dma_wait3A_479 = arith.constant 0 : i32
          %dma_wait3A_480 = arith.constant 0 : i32
          %dma_wait3A_481 = tpu.memref_slice %arg18[%dma_wait3A_479, %dma_wait3A_480] : memref<10000x64xf32, #tpu.memory_space<vmem_shared>> -> memref<128x64xf32, #tpu.memory_space<vmem_shared>>
          %dma_wait3A_482 = arith.constant 0 : i32
          %dma_wait3A_483 = arith.constant 0 : i32
          %dma_wait3A_484 = tpu.memref_slice %arg18[%dma_wait3A_482, %dma_wait3A_483] : memref<10000x64xf32, #tpu.memory_space<vmem_shared>> -> memref<128x64xf32, #tpu.memory_space<vmem_shared>>
          tpu.wait_dma2 semaphore(%arg14 : memref<!tpu.dma_semaphore, #tpu.memory_space<semaphore_mem>>) src(%arg6 : memref<128x64xf32, #tpu.memory_space<vmem>>) dst(%dma_wait3A_484 : memref<128x64xf32, #tpu.memory_space<vmem_shared>>)
        } else {
        }
        %add3A_470 = arith.constant 2 : i32
        %add3A_471 = arith.addi %add3A_361, %add3A_470 : i32
        %dma_start3A_472 = arith.constant 0 : i32
        %dma_start3A_473 = arith.constant 0 : i32
        %dma_start3A_474 = tpu.memref_slice %arg9[%add3A_471, %dma_start3A_472, %dma_start3A_473] : memref<157x2x128xi32, #tpu.memory_space<vmem>> -> memref<1x1x128xi32, #tpu.memory_space<vmem>>
        %dma_start3A_475 = tpu.memref_squeeze %dma_start3A_474 : memref<1x1x128xi32, #tpu.memory_space<vmem>> -> memref<128xi32, #tpu.memory_space<vmem>>
        %dma_start3A_476 = arith.constant 0 : i32
        %dma_start3A_477 = arith.constant 0 : i32
        %dma_start3A_478 = tpu.memref_slice %arg2[%dma_start3A_476, %dma_start3A_477] : memref<20000x64xf32, #tpu.memory_space<hbm>> -> memref<20000x64xf32, #tpu.memory_space<hbm>>
        tpu.enqueue_indirect_dma source(%dma_start3A_478 : memref<20000x64xf32, #tpu.memory_space<hbm>>) target(%arg6 : memref<128x64xf32, #tpu.memory_space<vmem>>) offsets(%dma_start3A_475 : memref<128xi32, #tpu.memory_space<vmem>>) semaphore(%arg11 : memref<!tpu.dma_semaphore, #tpu.memory_space<semaphore_mem>>)
      } else {
      }
      %mul3A_412 = arith.constant 3 : i32
      %mul3A_413 = arith.muli %scan3A_308, %mul3A_412 : i32
      %add3A_414 = arith.constant 2 : i32
      %add3A_415 = arith.addi %mul3A_413, %add3A_414 : i32
      %dma_wait3A_416 = arith.constant 0 : i32
      %dma_wait3A_417 = arith.constant 0 : i32
      %dma_wait3A_418 = tpu.memref_slice %arg2[%dma_wait3A_416, %dma_wait3A_417] : memref<20000x64xf32, #tpu.memory_space<hbm>> -> memref<128x64xf32, #tpu.memory_space<hbm>>
      %dma_wait3A_419 = arith.constant 0 : i32
      %dma_wait3A_420 = arith.constant 0 : i32
      %dma_wait3A_421 = tpu.memref_slice %arg2[%dma_wait3A_419, %dma_wait3A_420] : memref<20000x64xf32, #tpu.memory_space<hbm>> -> memref<128x64xf32, #tpu.memory_space<hbm>>
      tpu.wait_dma2 semaphore(%arg13 : memref<!tpu.dma_semaphore, #tpu.memory_space<semaphore_mem>>) src(%dma_wait3A_421 : memref<128x64xf32, #tpu.memory_space<hbm>>) dst(%arg8 : memref<128x64xf32, #tpu.memory_space<vmem>>)
      %dma_start3A_422 = arith.constant 1 : i32
      %dma_start3A_423 = arith.constant 0 : i32
      %dma_start3A_424 = tpu.memref_slice %arg9[%add3A_415, %dma_start3A_422, %dma_start3A_423] : memref<157x2x128xi32, #tpu.memory_space<vmem>> -> memref<1x1x128xi32, #tpu.memory_space<vmem>>
      %dma_start3A_425 = tpu.memref_squeeze %dma_start3A_424 : memref<1x1x128xi32, #tpu.memory_space<vmem>> -> memref<128xi32, #tpu.memory_space<vmem>>
      %dma_start3A_426 = arith.constant 0 : i32
      %dma_start3A_427 = arith.constant 0 : i32
      %dma_start3A_428 = tpu.memref_slice %arg18[%dma_start3A_426, %dma_start3A_427] : memref<10000x64xf32, #tpu.memory_space<vmem_shared>> -> memref<10000x64xf32, #tpu.memory_space<vmem_shared>>
      tpu.enqueue_indirect_dma source(%arg8 : memref<128x64xf32, #tpu.memory_space<vmem>>) target(%dma_start3A_428 : memref<10000x64xf32, #tpu.memory_space<vmem_shared>>) offsets(%dma_start3A_425 : memref<128xi32, #tpu.memory_space<vmem>>) semaphore(%arg16 : memref<!tpu.dma_semaphore, #tpu.memory_space<semaphore_mem>>) {add = true}
      %add3A_429 = arith.addi %add3A_415, %arg0 : i32
      %jit3A_430 = arith.constant 2 : i32
      %eq3A_431 = arith.constant 0 : i32
      %eq3A_432 = arith.cmpi eq, %jit3A_430, %eq3A_431 : i32
      %jit3A_433 = arith.constant 1 : i32
      %select_n3A_434 = arith.select %eq3A_432, %jit3A_433, %jit3A_430 : i32
      %rem3A_435 = arith.remsi %add3A_429, %select_n3A_434 : i32
      %ne3A_436 = arith.constant 0 : i32
      %ne3A_437 = arith.cmpi ne, %rem3A_435, %ne3A_436 : i32
      %lt3A_438 = arith.constant 0 : i32
      %lt3A_439 = arith.cmpi slt, %rem3A_435, %lt3A_438 : i32
      %lt3A_440 = arith.constant 0 : i32
      %lt3A_441 = arith.cmpi slt, %select_n3A_434, %lt3A_440 : i32
      %ne3A_442 = arith.xori %lt3A_439, %lt3A_441 : i1
      %and3A_443 = arith.andi %ne3A_442, %ne3A_437 : i1
      %add3A_444 = arith.addi %rem3A_435, %select_n3A_434 : i32
      %select_n3A_445 = arith.select %and3A_443, %add3A_444, %rem3A_435 : i32
      %eq3A_446 = arith.constant 0 : i32
      %eq3A_447 = arith.cmpi eq, %select_n3A_445, %eq3A_446 : i32
      %convert_element_type3A_448 = arith.extui %eq3A_447 : i1 to i32
      %cond3A_449 = arith.constant 0 : i32
      %cond3A_450 = arith.cmpi ne, %convert_element_type3A_448, %cond3A_449 : i32
      scf.if %cond3A_450 {
        %dma_start3A_466 = arith.constant 1 : i32
        %dma_start3A_467 = arith.constant 0 : i32
        %dma_start3A_468 = tpu.memref_slice %arg9[%add3A_415, %dma_start3A_466, %dma_start3A_467] : memref<157x2x128xi32, #tpu.memory_space<vmem>> -> memref<1x1x128xi32, #tpu.memory_space<vmem>>
        %dma_start3A_469 = tpu.memref_squeeze %dma_start3A_468 : memref<1x1x128xi32, #tpu.memory_space<vmem>> -> memref<128xi32, #tpu.memory_space<vmem>>
        %dma_start3A_470 = arith.constant 0 : i32
        %dma_start3A_471 = arith.constant 0 : i32
        %dma_start3A_472 = tpu.memref_slice %arg19[%dma_start3A_470, %dma_start3A_471] : memref<10000x16xf32, #tpu.memory_space<vmem_shared>> -> memref<10000x16xf32, #tpu.memory_space<vmem_shared>>
        tpu.enqueue_indirect_dma source(%arg10 : memref<128x16xf32, #tpu.memory_space<vmem>>) target(%dma_start3A_472 : memref<10000x16xf32, #tpu.memory_space<vmem_shared>>) offsets(%dma_start3A_469 : memref<128xi32, #tpu.memory_space<vmem>>) semaphore(%arg17 : memref<!tpu.dma_semaphore, #tpu.memory_space<semaphore_mem>>) {add = true}
      } else {
      }
      %add3A_451 = arith.constant 2 : i32
      %add3A_452 = arith.addi %add3A_415, %add3A_451 : i32
      %lt3A_453 = arith.constant 156 : i32
      %lt3A_454 = arith.cmpi slt, %add3A_452, %lt3A_453 : i32
      %add3A_455 = arith.constant 2 : i32
      %add3A_456 = arith.addi %add3A_415, %add3A_455 : i32
      %eq3A_457 = arith.constant 156 : i32
      %eq3A_458 = arith.cmpi eq, %add3A_456, %eq3A_457 : i32
      %lt3A_459 = arith.constant 4 : i32
      %lt3A_460 = arith.cmpi slt, %arg1, %lt3A_459 : i32
      %and3A_461 = arith.andi %eq3A_458, %lt3A_460 : i1
      %or3A_462 = arith.ori %lt3A_454, %and3A_461 : i1
      %convert_element_type3A_463 = arith.extui %or3A_462 : i1 to i32
      %cond3A_464 = arith.constant 0 : i32
      %cond3A_465 = arith.cmpi ne, %convert_element_type3A_463, %cond3A_464 : i32
      scf.if %cond3A_465 {
        %ge3A = arith.constant 1 : i32
        %ge3A_466 = arith.cmpi sge, %add3A_415, %ge3A : i32
        %convert_element_type3A_467 = arith.extui %ge3A_466 : i1 to i32
        %cond3A_468 = arith.constant 0 : i32
        %cond3A_469 = arith.cmpi ne, %convert_element_type3A_467, %cond3A_468 : i32
        scf.if %cond3A_469 {
          %dma_wait3A_479 = arith.constant 0 : i32
          %dma_wait3A_480 = arith.constant 0 : i32
          %dma_wait3A_481 = tpu.memref_slice %arg18[%dma_wait3A_479, %dma_wait3A_480] : memref<10000x64xf32, #tpu.memory_space<vmem_shared>> -> memref<128x64xf32, #tpu.memory_space<vmem_shared>>
          %dma_wait3A_482 = arith.constant 0 : i32
          %dma_wait3A_483 = arith.constant 0 : i32
          %dma_wait3A_484 = tpu.memref_slice %arg18[%dma_wait3A_482, %dma_wait3A_483] : memref<10000x64xf32, #tpu.memory_space<vmem_shared>> -> memref<128x64xf32, #tpu.memory_space<vmem_shared>>
          tpu.wait_dma2 semaphore(%arg15 : memref<!tpu.dma_semaphore, #tpu.memory_space<semaphore_mem>>) src(%arg7 : memref<128x64xf32, #tpu.memory_space<vmem>>) dst(%dma_wait3A_484 : memref<128x64xf32, #tpu.memory_space<vmem_shared>>)
        } else {
        }
        %add3A_470 = arith.constant 2 : i32
        %add3A_471 = arith.addi %add3A_415, %add3A_470 : i32
        %dma_start3A_472 = arith.constant 0 : i32
        %dma_start3A_473 = arith.constant 0 : i32
        %dma_start3A_474 = tpu.memref_slice %arg9[%add3A_471, %dma_start3A_472, %dma_start3A_473] : memref<157x2x128xi32, #tpu.memory_space<vmem>> -> memref<1x1x128xi32, #tpu.memory_space<vmem>>
        %dma_start3A_475 = tpu.memref_squeeze %dma_start3A_474 : memref<1x1x128xi32, #tpu.memory_space<vmem>> -> memref<128xi32, #tpu.memory_space<vmem>>
        %dma_start3A_476 = arith.constant 0 : i32
        %dma_start3A_477 = arith.constant 0 : i32
        %dma_start3A_478 = tpu.memref_slice %arg2[%dma_start3A_476, %dma_start3A_477] : memref<20000x64xf32, #tpu.memory_space<hbm>> -> memref<20000x64xf32, #tpu.memory_space<hbm>>
        tpu.enqueue_indirect_dma source(%dma_start3A_478 : memref<20000x64xf32, #tpu.memory_space<hbm>>) target(%arg7 : memref<128x64xf32, #tpu.memory_space<vmem>>) offsets(%dma_start3A_475 : memref<128xi32, #tpu.memory_space<vmem>>) semaphore(%arg12 : memref<!tpu.dma_semaphore, #tpu.memory_space<semaphore_mem>>)
      } else {
      }
    }
    %scan3A_156 = arith.constant 52 : i32
    %lt3A_157 = arith.constant 4 : i32
    %lt3A_158 = arith.cmpi slt, %arg1, %lt3A_157 : i32
    %convert_element_type3A_159 = arith.extui %lt3A_158 : i1 to i32
    %cond3A_160 = arith.constant 0 : i32
    %cond3A_161 = arith.cmpi ne, %convert_element_type3A_159, %cond3A_160 : i32
    scf.if %cond3A_161 {
      %dma_wait3A_308 = arith.constant 0 : i32
      %dma_wait3A_309 = arith.constant 0 : i32
      %dma_wait3A_310 = tpu.memref_slice %arg2[%dma_wait3A_308, %dma_wait3A_309] : memref<20000x64xf32, #tpu.memory_space<hbm>> -> memref<128x64xf32, #tpu.memory_space<hbm>>
      %dma_wait3A_311 = arith.constant 0 : i32
      %dma_wait3A_312 = arith.constant 0 : i32
      %dma_wait3A_313 = tpu.memref_slice %arg2[%dma_wait3A_311, %dma_wait3A_312] : memref<20000x64xf32, #tpu.memory_space<hbm>> -> memref<128x64xf32, #tpu.memory_space<hbm>>
      tpu.wait_dma2 semaphore(%arg11 : memref<!tpu.dma_semaphore, #tpu.memory_space<semaphore_mem>>) src(%dma_wait3A_313 : memref<128x64xf32, #tpu.memory_space<hbm>>) dst(%arg6 : memref<128x64xf32, #tpu.memory_space<vmem>>)
      %dma_start3A_314 = arith.constant 156 : i32
      %dma_start3A_315 = arith.constant 1 : i32
      %dma_start3A_316 = arith.constant 0 : i32
      %dma_start3A_317 = tpu.memref_slice %arg9[%dma_start3A_314, %dma_start3A_315, %dma_start3A_316] : memref<157x2x128xi32, #tpu.memory_space<vmem>> -> memref<1x1x128xi32, #tpu.memory_space<vmem>>
      %dma_start3A_318 = tpu.memref_squeeze %dma_start3A_317 : memref<1x1x128xi32, #tpu.memory_space<vmem>> -> memref<128xi32, #tpu.memory_space<vmem>>
      %dma_start3A_319 = arith.constant 0 : i32
      %dma_start3A_320 = arith.constant 0 : i32
      %dma_start3A_321 = tpu.memref_slice %arg18[%dma_start3A_319, %dma_start3A_320] : memref<10000x64xf32, #tpu.memory_space<vmem_shared>> -> memref<10000x64xf32, #tpu.memory_space<vmem_shared>>
      tpu.enqueue_indirect_dma source(%arg6 : memref<128x64xf32, #tpu.memory_space<vmem>>) target(%dma_start3A_321 : memref<10000x64xf32, #tpu.memory_space<vmem_shared>>) offsets(%dma_start3A_318 : memref<128xi32, #tpu.memory_space<vmem>>) semaphore(%arg14 : memref<!tpu.dma_semaphore, #tpu.memory_space<semaphore_mem>>) {add = true}
      %add3A_322 = arith.constant 156 : i32
      %add3A_323 = arith.addi %add3A_322, %arg0 : i32
      %jit3A = arith.constant 2 : i32
      %eq3A_324 = arith.constant 0 : i32
      %eq3A_325 = arith.cmpi eq, %jit3A, %eq3A_324 : i32
      %jit3A_326 = arith.constant 1 : i32
      %select_n3A = arith.select %eq3A_325, %jit3A_326, %jit3A : i32
      %rem3A = arith.remsi %add3A_323, %select_n3A : i32
      %ne3A = arith.constant 0 : i32
      %ne3A_327 = arith.cmpi ne, %rem3A, %ne3A : i32
      %lt3A_328 = arith.constant 0 : i32
      %lt3A_329 = arith.cmpi slt, %rem3A, %lt3A_328 : i32
      %lt3A_330 = arith.constant 0 : i32
      %lt3A_331 = arith.cmpi slt, %select_n3A, %lt3A_330 : i32
      %ne3A_332 = arith.xori %lt3A_329, %lt3A_331 : i1
      %and3A_333 = arith.andi %ne3A_332, %ne3A_327 : i1
      %add3A_334 = arith.addi %rem3A, %select_n3A : i32
      %select_n3A_335 = arith.select %and3A_333, %add3A_334, %rem3A : i32
      %eq3A_336 = arith.constant 0 : i32
      %eq3A_337 = arith.cmpi eq, %select_n3A_335, %eq3A_336 : i32
      %convert_element_type3A_338 = arith.extui %eq3A_337 : i1 to i32
      %cond3A_339 = arith.constant 0 : i32
      %cond3A_340 = arith.cmpi ne, %convert_element_type3A_338, %cond3A_339 : i32
      scf.if %cond3A_340 {
        %dma_start3A_349 = arith.constant 156 : i32
        %dma_start3A_350 = arith.constant 1 : i32
        %dma_start3A_351 = arith.constant 0 : i32
        %dma_start3A_352 = tpu.memref_slice %arg9[%dma_start3A_349, %dma_start3A_350, %dma_start3A_351] : memref<157x2x128xi32, #tpu.memory_space<vmem>> -> memref<1x1x128xi32, #tpu.memory_space<vmem>>
        %dma_start3A_353 = tpu.memref_squeeze %dma_start3A_352 : memref<1x1x128xi32, #tpu.memory_space<vmem>> -> memref<128xi32, #tpu.memory_space<vmem>>
        %dma_start3A_354 = arith.constant 0 : i32
        %dma_start3A_355 = arith.constant 0 : i32
        %dma_start3A_356 = tpu.memref_slice %arg19[%dma_start3A_354, %dma_start3A_355] : memref<10000x16xf32, #tpu.memory_space<vmem_shared>> -> memref<10000x16xf32, #tpu.memory_space<vmem_shared>>
        tpu.enqueue_indirect_dma source(%arg10 : memref<128x16xf32, #tpu.memory_space<vmem>>) target(%dma_start3A_356 : memref<10000x16xf32, #tpu.memory_space<vmem_shared>>) offsets(%dma_start3A_353 : memref<128xi32, #tpu.memory_space<vmem>>) semaphore(%arg17 : memref<!tpu.dma_semaphore, #tpu.memory_space<semaphore_mem>>) {add = true}
      } else {
      }
      %lt3A_341 = arith.constant 4 : i32
      %lt3A_342 = arith.cmpi slt, %arg1, %lt3A_341 : i32
      %and3A_343 = arith.constant false
      %and3A_344 = arith.andi %and3A_343, %lt3A_342 : i1
      %or3A = arith.constant false
      %or3A_345 = arith.ori %or3A, %and3A_344 : i1
      %convert_element_type3A_346 = arith.extui %or3A_345 : i1 to i32
      %cond3A_347 = arith.constant 0 : i32
      %cond3A_348 = arith.cmpi ne, %convert_element_type3A_346, %cond3A_347 : i32
      scf.if %cond3A_348 {
        %dma_wait3A_349 = arith.constant 0 : i32
        %dma_wait3A_350 = arith.constant 0 : i32
        %dma_wait3A_351 = tpu.memref_slice %arg18[%dma_wait3A_349, %dma_wait3A_350] : memref<10000x64xf32, #tpu.memory_space<vmem_shared>> -> memref<128x64xf32, #tpu.memory_space<vmem_shared>>
        %dma_wait3A_352 = arith.constant 0 : i32
        %dma_wait3A_353 = arith.constant 0 : i32
        %dma_wait3A_354 = tpu.memref_slice %arg18[%dma_wait3A_352, %dma_wait3A_353] : memref<10000x64xf32, #tpu.memory_space<vmem_shared>> -> memref<128x64xf32, #tpu.memory_space<vmem_shared>>
        tpu.wait_dma2 semaphore(%arg16 : memref<!tpu.dma_semaphore, #tpu.memory_space<semaphore_mem>>) src(%arg8 : memref<128x64xf32, #tpu.memory_space<vmem>>) dst(%dma_wait3A_354 : memref<128x64xf32, #tpu.memory_space<vmem_shared>>)
        %dma_start3A_355 = arith.constant 158 : i32
        %dma_start3A_356 = arith.constant 0 : i32
        %dma_start3A_357 = arith.constant 0 : i32
        %dma_start3A_358 = tpu.memref_slice %arg9[%dma_start3A_355, %dma_start3A_356, %dma_start3A_357] : memref<157x2x128xi32, #tpu.memory_space<vmem>> -> memref<1x1x128xi32, #tpu.memory_space<vmem>>
        %dma_start3A_359 = tpu.memref_squeeze %dma_start3A_358 : memref<1x1x128xi32, #tpu.memory_space<vmem>> -> memref<128xi32, #tpu.memory_space<vmem>>
        %dma_start3A_360 = arith.constant 0 : i32
        %dma_start3A_361 = arith.constant 0 : i32
        %dma_start3A_362 = tpu.memref_slice %arg2[%dma_start3A_360, %dma_start3A_361] : memref<20000x64xf32, #tpu.memory_space<hbm>> -> memref<20000x64xf32, #tpu.memory_space<hbm>>
        tpu.enqueue_indirect_dma source(%dma_start3A_362 : memref<20000x64xf32, #tpu.memory_space<hbm>>) target(%arg8 : memref<128x64xf32, #tpu.memory_space<vmem>>) offsets(%dma_start3A_359 : memref<128xi32, #tpu.memory_space<vmem>>) semaphore(%arg13 : memref<!tpu.dma_semaphore, #tpu.memory_space<semaphore_mem>>)
      } else {
      }
    } else {
    }
    %dma_wait3A = arith.constant 0 : i32
    %dma_wait3A_162 = arith.constant 0 : i32
    %dma_wait3A_163 = tpu.memref_slice %arg18[%dma_wait3A, %dma_wait3A_162] : memref<10000x64xf32, #tpu.memory_space<vmem_shared>> -> memref<128x64xf32, #tpu.memory_space<vmem_shared>>
    %dma_wait3A_164 = arith.constant 0 : i32
    %dma_wait3A_165 = arith.constant 0 : i32
    %dma_wait3A_166 = tpu.memref_slice %arg18[%dma_wait3A_164, %dma_wait3A_165] : memref<10000x64xf32, #tpu.memory_space<vmem_shared>> -> memref<128x64xf32, #tpu.memory_space<vmem_shared>>
    tpu.wait_dma2 semaphore(%arg14 : memref<!tpu.dma_semaphore, #tpu.memory_space<semaphore_mem>>) src(%arg6 : memref<128x64xf32, #tpu.memory_space<vmem>>) dst(%dma_wait3A_166 : memref<128x64xf32, #tpu.memory_space<vmem_shared>>)
    %dma_wait3A_167 = arith.constant 0 : i32
    %dma_wait3A_168 = arith.constant 0 : i32
    %dma_wait3A_169 = tpu.memref_slice %arg18[%dma_wait3A_167, %dma_wait3A_168] : memref<10000x64xf32, #tpu.memory_space<vmem_shared>> -> memref<128x64xf32, #tpu.memory_space<vmem_shared>>
    %dma_wait3A_170 = arith.constant 0 : i32
    %dma_wait3A_171 = arith.constant 0 : i32
    %dma_wait3A_172 = tpu.memref_slice %arg18[%dma_wait3A_170, %dma_wait3A_171] : memref<10000x64xf32, #tpu.memory_space<vmem_shared>> -> memref<128x64xf32, #tpu.memory_space<vmem_shared>>
    tpu.wait_dma2 semaphore(%arg15 : memref<!tpu.dma_semaphore, #tpu.memory_space<semaphore_mem>>) src(%arg7 : memref<128x64xf32, #tpu.memory_space<vmem>>) dst(%dma_wait3A_172 : memref<128x64xf32, #tpu.memory_space<vmem_shared>>)
    %dma_wait3A_173 = arith.constant 0 : i32
    %dma_wait3A_174 = arith.constant 0 : i32
    %dma_wait3A_175 = tpu.memref_slice %arg18[%dma_wait3A_173, %dma_wait3A_174] : memref<10000x64xf32, #tpu.memory_space<vmem_shared>> -> memref<128x64xf32, #tpu.memory_space<vmem_shared>>
    %dma_wait3A_176 = arith.constant 0 : i32
    %dma_wait3A_177 = arith.constant 0 : i32
    %dma_wait3A_178 = tpu.memref_slice %arg18[%dma_wait3A_176, %dma_wait3A_177] : memref<10000x64xf32, #tpu.memory_space<vmem_shared>> -> memref<128x64xf32, #tpu.memory_space<vmem_shared>>
    tpu.wait_dma2 semaphore(%arg16 : memref<!tpu.dma_semaphore, #tpu.memory_space<semaphore_mem>>) src(%arg8 : memref<128x64xf32, #tpu.memory_space<vmem>>) dst(%dma_wait3A_178 : memref<128x64xf32, #tpu.memory_space<vmem_shared>>)
    %eq3A = arith.constant 0 : i32
    %eq3A_179 = arith.cmpi eq, %arg0, %eq3A : i32
    %convert_element_type3A_180 = arith.extui %eq3A_179 : i1 to i32
    %cond3A_181 = arith.constant 0 : i32
    %cond3A_182 = arith.cmpi ne, %convert_element_type3A_180, %cond3A_181 : i32
    scf.if %cond3A_182 {
      %scan3A_308 = arith.constant 0 : i32
      %scan3A_309 = arith.constant 0 : i32
      %scan3A_310 = arith.constant 78 : i32
      %scan3A_311 = arith.addi %scan3A_309, %scan3A_310 : i32
      %scan3A_312 = arith.constant 1 : i32
      scf.for %scan3A_314 = %scan3A_309 to %scan3A_311 step %scan3A_312  : i32 {
        %dma_wait3A_315 = arith.constant 0 : i32
        %dma_wait3A_316 = arith.constant 0 : i32
        %dma_wait3A_317 = tpu.memref_slice %arg19[%dma_wait3A_315, %dma_wait3A_316] : memref<10000x16xf32, #tpu.memory_space<vmem_shared>> -> memref<128x16xf32, #tpu.memory_space<vmem_shared>>
        %dma_wait3A_318 = arith.constant 0 : i32
        %dma_wait3A_319 = arith.constant 0 : i32
        %dma_wait3A_320 = tpu.memref_slice %arg19[%dma_wait3A_318, %dma_wait3A_319] : memref<10000x16xf32, #tpu.memory_space<vmem_shared>> -> memref<128x16xf32, #tpu.memory_space<vmem_shared>>
        tpu.wait_dma2 semaphore(%arg17 : memref<!tpu.dma_semaphore, #tpu.memory_space<semaphore_mem>>) src(%arg10 : memref<128x16xf32, #tpu.memory_space<vmem>>) dst(%dma_wait3A_320 : memref<128x16xf32, #tpu.memory_space<vmem_shared>>)
      }
      %scan3A_313 = arith.constant 78 : i32
    } else {
    }
    %eq3A_183 = arith.constant 0 : i32
    %eq3A_184 = arith.cmpi eq, %arg0, %eq3A_183 : i32
    %lt3A_185 = arith.constant 4 : i32
    %lt3A_186 = arith.cmpi slt, %arg1, %lt3A_185 : i32
    %and3A = arith.andi %eq3A_184, %lt3A_186 : i1
    %convert_element_type3A_187 = arith.extui %and3A : i1 to i32
    %cond3A_188 = arith.constant 0 : i32
    %cond3A_189 = arith.cmpi ne, %convert_element_type3A_187, %cond3A_188 : i32
    scf.if %cond3A_189 {
      %dma_wait3A_308 = arith.constant 0 : i32
      %dma_wait3A_309 = arith.constant 0 : i32
      %dma_wait3A_310 = tpu.memref_slice %arg19[%dma_wait3A_308, %dma_wait3A_309] : memref<10000x16xf32, #tpu.memory_space<vmem_shared>> -> memref<128x16xf32, #tpu.memory_space<vmem_shared>>
      %dma_wait3A_311 = arith.constant 0 : i32
      %dma_wait3A_312 = arith.constant 0 : i32
      %dma_wait3A_313 = tpu.memref_slice %arg19[%dma_wait3A_311, %dma_wait3A_312] : memref<10000x16xf32, #tpu.memory_space<vmem_shared>> -> memref<128x16xf32, #tpu.memory_space<vmem_shared>>
      tpu.wait_dma2 semaphore(%arg17 : memref<!tpu.dma_semaphore, #tpu.memory_space<semaphore_mem>>) src(%arg10 : memref<128x16xf32, #tpu.memory_space<vmem>>) dst(%dma_wait3A_313 : memref<128x16xf32, #tpu.memory_space<vmem_shared>>)
    } else {
    }
    %eq3A_190 = arith.constant 1 : i32
    %eq3A_191 = arith.cmpi eq, %arg0, %eq3A_190 : i32
    %convert_element_type3A_192 = arith.extui %eq3A_191 : i1 to i32
    %cond3A_193 = arith.constant 0 : i32
    %cond3A_194 = arith.cmpi ne, %convert_element_type3A_192, %cond3A_193 : i32
    scf.if %cond3A_194 {
      %scan3A_308 = arith.constant 0 : i32
      %scan3A_309 = arith.constant 0 : i32
      %scan3A_310 = arith.constant 78 : i32
      %scan3A_311 = arith.addi %scan3A_309, %scan3A_310 : i32
      %scan3A_312 = arith.constant 1 : i32
      scf.for %scan3A_314 = %scan3A_309 to %scan3A_311 step %scan3A_312  : i32 {
        %dma_wait3A_315 = arith.constant 0 : i32
        %dma_wait3A_316 = arith.constant 0 : i32
        %dma_wait3A_317 = tpu.memref_slice %arg19[%dma_wait3A_315, %dma_wait3A_316] : memref<10000x16xf32, #tpu.memory_space<vmem_shared>> -> memref<128x16xf32, #tpu.memory_space<vmem_shared>>
        %dma_wait3A_318 = arith.constant 0 : i32
        %dma_wait3A_319 = arith.constant 0 : i32
        %dma_wait3A_320 = tpu.memref_slice %arg19[%dma_wait3A_318, %dma_wait3A_319] : memref<10000x16xf32, #tpu.memory_space<vmem_shared>> -> memref<128x16xf32, #tpu.memory_space<vmem_shared>>
        tpu.wait_dma2 semaphore(%arg17 : memref<!tpu.dma_semaphore, #tpu.memory_space<semaphore_mem>>) src(%arg10 : memref<128x16xf32, #tpu.memory_space<vmem>>) dst(%dma_wait3A_320 : memref<128x16xf32, #tpu.memory_space<vmem_shared>>)
      }
      %scan3A_313 = arith.constant 78 : i32
    } else {
    }
    %barrier3A_195 = arith.constant 0 : index
    tpu.barrier barrier_id(%barrier3A_195)
    %add3A_196 = arith.constant 0 : i32
    %add3A_197 = arith.addi %arg1, %add3A_196 : i32
    %lt3A_198 = arith.constant 125 : i32
    %lt3A_199 = arith.cmpi slt, %add3A_197, %lt3A_198 : i32
    %convert_element_type3A_200 = arith.extui %lt3A_199 : i1 to i32
    %cond3A_201 = arith.constant 0 : i32
    %cond3A_202 = arith.cmpi ne, %convert_element_type3A_200, %cond3A_201 : i32
    scf.if %cond3A_202 {
      %mul3A_308 = arith.constant 80 : i32
      %mul3A_309 = arith.muli %add3A_197, %mul3A_308 : i32
      %mul3A_310 = arith.constant 80 : i32
      %mul3A_311 = arith.muli %add3A_197, %mul3A_310 : i32
      %mul3A_312 = arith.constant 64 : i32
      %mul3A_313 = arith.muli %arg0, %mul3A_312 : i32
      %dma_start3A_314 = tpu.memref_slice %arg4[%mul3A_311, %mul3A_313] : memref<10000x128xf32, #tpu.memory_space<hbm>> -> memref<80x64xf32, #tpu.memory_space<hbm>>
      %dma_start3A_315 = arith.constant 0 : i32
      %dma_start3A_316 = tpu.memref_slice %arg18[%mul3A_309, %dma_start3A_315] : memref<10000x64xf32, #tpu.memory_space<vmem_shared>> -> memref<80x64xf32, #tpu.memory_space<vmem_shared>>
      tpu.enqueue_dma source(%dma_start3A_316 : memref<80x64xf32, #tpu.memory_space<vmem_shared>>) target(%dma_start3A_314 : memref<80x64xf32, #tpu.memory_space<hbm>>) target_semaphore(%arg11 : memref<!tpu.dma_semaphore, #tpu.memory_space<semaphore_mem>>)
      %mul3A_317 = arith.constant 80 : i32
      %mul3A_318 = arith.muli %add3A_197, %mul3A_317 : i32
      %mul3A_319 = arith.constant 80 : i32
      %mul3A_320 = arith.muli %add3A_197, %mul3A_319 : i32
      %dma_start3A_321 = arith.constant 0 : i32
      %dma_start3A_322 = tpu.memref_slice %arg5[%arg0, %mul3A_320, %dma_start3A_321] : memref<2x10000x16xf32, #tpu.memory_space<hbm>> -> memref<1x80x16xf32, #tpu.memory_space<hbm>>
      %dma_start3A_323 = tpu.memref_squeeze %dma_start3A_322 : memref<1x80x16xf32, #tpu.memory_space<hbm>> -> memref<80x16xf32, #tpu.memory_space<hbm>>
      %dma_start3A_324 = arith.constant 0 : i32
      %dma_start3A_325 = tpu.memref_slice %arg19[%mul3A_318, %dma_start3A_324] : memref<10000x16xf32, #tpu.memory_space<vmem_shared>> -> memref<80x16xf32, #tpu.memory_space<vmem_shared>>
      tpu.enqueue_dma source(%dma_start3A_325 : memref<80x16xf32, #tpu.memory_space<vmem_shared>>) target(%dma_start3A_323 : memref<80x16xf32, #tpu.memory_space<hbm>>) target_semaphore(%arg12 : memref<!tpu.dma_semaphore, #tpu.memory_space<semaphore_mem>>)
    } else {
    }
    %add3A_203 = arith.constant 16 : i32
    %add3A_204 = arith.addi %arg1, %add3A_203 : i32
    %lt3A_205 = arith.constant 125 : i32
    %lt3A_206 = arith.cmpi slt, %add3A_204, %lt3A_205 : i32
    %convert_element_type3A_207 = arith.extui %lt3A_206 : i1 to i32
    %cond3A_208 = arith.constant 0 : i32
    %cond3A_209 = arith.cmpi ne, %convert_element_type3A_207, %cond3A_208 : i32
    scf.if %cond3A_209 {
      %mul3A_308 = arith.constant 80 : i32
      %mul3A_309 = arith.muli %add3A_204, %mul3A_308 : i32
      %mul3A_310 = arith.constant 80 : i32
      %mul3A_311 = arith.muli %add3A_204, %mul3A_310 : i32
      %mul3A_312 = arith.constant 64 : i32
      %mul3A_313 = arith.muli %arg0, %mul3A_312 : i32
      %dma_start3A_314 = tpu.memref_slice %arg4[%mul3A_311, %mul3A_313] : memref<10000x128xf32, #tpu.memory_space<hbm>> -> memref<80x64xf32, #tpu.memory_space<hbm>>
      %dma_start3A_315 = arith.constant 0 : i32
      %dma_start3A_316 = tpu.memref_slice %arg18[%mul3A_309, %dma_start3A_315] : memref<10000x64xf32, #tpu.memory_space<vmem_shared>> -> memref<80x64xf32, #tpu.memory_space<vmem_shared>>
      tpu.enqueue_dma source(%dma_start3A_316 : memref<80x64xf32, #tpu.memory_space<vmem_shared>>) target(%dma_start3A_314 : memref<80x64xf32, #tpu.memory_space<hbm>>) target_semaphore(%arg11 : memref<!tpu.dma_semaphore, #tpu.memory_space<semaphore_mem>>)
      %mul3A_317 = arith.constant 80 : i32
      %mul3A_318 = arith.muli %add3A_204, %mul3A_317 : i32
      %mul3A_319 = arith.constant 80 : i32
      %mul3A_320 = arith.muli %add3A_204, %mul3A_319 : i32
      %dma_start3A_321 = arith.constant 0 : i32
      %dma_start3A_322 = tpu.memref_slice %arg5[%arg0, %mul3A_320, %dma_start3A_321] : memref<2x10000x16xf32, #tpu.memory_space<hbm>> -> memref<1x80x16xf32, #tpu.memory_space<hbm>>
      %dma_start3A_323 = tpu.memref_squeeze %dma_start3A_322 : memref<1x80x16xf32, #tpu.memory_space<hbm>> -> memref<80x16xf32, #tpu.memory_space<hbm>>
      %dma_start3A_324 = arith.constant 0 : i32
      %dma_start3A_325 = tpu.memref_slice %arg19[%mul3A_318, %dma_start3A_324] : memref<10000x16xf32, #tpu.memory_space<vmem_shared>> -> memref<80x16xf32, #tpu.memory_space<vmem_shared>>
      tpu.enqueue_dma source(%dma_start3A_325 : memref<80x16xf32, #tpu.memory_space<vmem_shared>>) target(%dma_start3A_323 : memref<80x16xf32, #tpu.memory_space<hbm>>) target_semaphore(%arg12 : memref<!tpu.dma_semaphore, #tpu.memory_space<semaphore_mem>>)
    } else {
    }
    %add3A_210 = arith.constant 32 : i32
    %add3A_211 = arith.addi %arg1, %add3A_210 : i32
    %lt3A_212 = arith.constant 125 : i32
    %lt3A_213 = arith.cmpi slt, %add3A_211, %lt3A_212 : i32
    %convert_element_type3A_214 = arith.extui %lt3A_213 : i1 to i32
    %cond3A_215 = arith.constant 0 : i32
    %cond3A_216 = arith.cmpi ne, %convert_element_type3A_214, %cond3A_215 : i32
    scf.if %cond3A_216 {
      %mul3A_308 = arith.constant 80 : i32
      %mul3A_309 = arith.muli %add3A_211, %mul3A_308 : i32
      %mul3A_310 = arith.constant 80 : i32
      %mul3A_311 = arith.muli %add3A_211, %mul3A_310 : i32
      %mul3A_312 = arith.constant 64 : i32
      %mul3A_313 = arith.muli %arg0, %mul3A_312 : i32
      %dma_start3A_314 = tpu.memref_slice %arg4[%mul3A_311, %mul3A_313] : memref<10000x128xf32, #tpu.memory_space<hbm>> -> memref<80x64xf32, #tpu.memory_space<hbm>>
      %dma_start3A_315 = arith.constant 0 : i32
      %dma_start3A_316 = tpu.memref_slice %arg18[%mul3A_309, %dma_start3A_315] : memref<10000x64xf32, #tpu.memory_space<vmem_shared>> -> memref<80x64xf32, #tpu.memory_space<vmem_shared>>
      tpu.enqueue_dma source(%dma_start3A_316 : memref<80x64xf32, #tpu.memory_space<vmem_shared>>) target(%dma_start3A_314 : memref<80x64xf32, #tpu.memory_space<hbm>>) target_semaphore(%arg11 : memref<!tpu.dma_semaphore, #tpu.memory_space<semaphore_mem>>)
      %mul3A_317 = arith.constant 80 : i32
      %mul3A_318 = arith.muli %add3A_211, %mul3A_317 : i32
      %mul3A_319 = arith.constant 80 : i32
      %mul3A_320 = arith.muli %add3A_211, %mul3A_319 : i32
      %dma_start3A_321 = arith.constant 0 : i32
      %dma_start3A_322 = tpu.memref_slice %arg5[%arg0, %mul3A_320, %dma_start3A_321] : memref<2x10000x16xf32, #tpu.memory_space<hbm>> -> memref<1x80x16xf32, #tpu.memory_space<hbm>>
      %dma_start3A_323 = tpu.memref_squeeze %dma_start3A_322 : memref<1x80x16xf32, #tpu.memory_space<hbm>> -> memref<80x16xf32, #tpu.memory_space<hbm>>
      %dma_start3A_324 = arith.constant 0 : i32
      %dma_start3A_325 = tpu.memref_slice %arg19[%mul3A_318, %dma_start3A_324] : memref<10000x16xf32, #tpu.memory_space<vmem_shared>> -> memref<80x16xf32, #tpu.memory_space<vmem_shared>>
      tpu.enqueue_dma source(%dma_start3A_325 : memref<80x16xf32, #tpu.memory_space<vmem_shared>>) target(%dma_start3A_323 : memref<80x16xf32, #tpu.memory_space<hbm>>) target_semaphore(%arg12 : memref<!tpu.dma_semaphore, #tpu.memory_space<semaphore_mem>>)
    } else {
    }
    %add3A_217 = arith.constant 48 : i32
    %add3A_218 = arith.addi %arg1, %add3A_217 : i32
    %lt3A_219 = arith.constant 125 : i32
    %lt3A_220 = arith.cmpi slt, %add3A_218, %lt3A_219 : i32
    %convert_element_type3A_221 = arith.extui %lt3A_220 : i1 to i32
    %cond3A_222 = arith.constant 0 : i32
    %cond3A_223 = arith.cmpi ne, %convert_element_type3A_221, %cond3A_222 : i32
    scf.if %cond3A_223 {
      %mul3A_308 = arith.constant 80 : i32
      %mul3A_309 = arith.muli %add3A_218, %mul3A_308 : i32
      %mul3A_310 = arith.constant 80 : i32
      %mul3A_311 = arith.muli %add3A_218, %mul3A_310 : i32
      %mul3A_312 = arith.constant 64 : i32
      %mul3A_313 = arith.muli %arg0, %mul3A_312 : i32
      %dma_start3A_314 = tpu.memref_slice %arg4[%mul3A_311, %mul3A_313] : memref<10000x128xf32, #tpu.memory_space<hbm>> -> memref<80x64xf32, #tpu.memory_space<hbm>>
      %dma_start3A_315 = arith.constant 0 : i32
      %dma_start3A_316 = tpu.memref_slice %arg18[%mul3A_309, %dma_start3A_315] : memref<10000x64xf32, #tpu.memory_space<vmem_shared>> -> memref<80x64xf32, #tpu.memory_space<vmem_shared>>
      tpu.enqueue_dma source(%dma_start3A_316 : memref<80x64xf32, #tpu.memory_space<vmem_shared>>) target(%dma_start3A_314 : memref<80x64xf32, #tpu.memory_space<hbm>>) target_semaphore(%arg11 : memref<!tpu.dma_semaphore, #tpu.memory_space<semaphore_mem>>)
      %mul3A_317 = arith.constant 80 : i32
      %mul3A_318 = arith.muli %add3A_218, %mul3A_317 : i32
      %mul3A_319 = arith.constant 80 : i32
      %mul3A_320 = arith.muli %add3A_218, %mul3A_319 : i32
      %dma_start3A_321 = arith.constant 0 : i32
      %dma_start3A_322 = tpu.memref_slice %arg5[%arg0, %mul3A_320, %dma_start3A_321] : memref<2x10000x16xf32, #tpu.memory_space<hbm>> -> memref<1x80x16xf32, #tpu.memory_space<hbm>>
      %dma_start3A_323 = tpu.memref_squeeze %dma_start3A_322 : memref<1x80x16xf32, #tpu.memory_space<hbm>> -> memref<80x16xf32, #tpu.memory_space<hbm>>
      %dma_start3A_324 = arith.constant 0 : i32
      %dma_start3A_325 = tpu.memref_slice %arg19[%mul3A_318, %dma_start3A_324] : memref<10000x16xf32, #tpu.memory_space<vmem_shared>> -> memref<80x16xf32, #tpu.memory_space<vmem_shared>>
      tpu.enqueue_dma source(%dma_start3A_325 : memref<80x16xf32, #tpu.memory_space<vmem_shared>>) target(%dma_start3A_323 : memref<80x16xf32, #tpu.memory_space<hbm>>) target_semaphore(%arg12 : memref<!tpu.dma_semaphore, #tpu.memory_space<semaphore_mem>>)
    } else {
    }
    %add3A_224 = arith.constant 64 : i32
    %add3A_225 = arith.addi %arg1, %add3A_224 : i32
    %lt3A_226 = arith.constant 125 : i32
    %lt3A_227 = arith.cmpi slt, %add3A_225, %lt3A_226 : i32
    %convert_element_type3A_228 = arith.extui %lt3A_227 : i1 to i32
    %cond3A_229 = arith.constant 0 : i32
    %cond3A_230 = arith.cmpi ne, %convert_element_type3A_228, %cond3A_229 : i32
    scf.if %cond3A_230 {
      %mul3A_308 = arith.constant 80 : i32
      %mul3A_309 = arith.muli %add3A_225, %mul3A_308 : i32
      %mul3A_310 = arith.constant 80 : i32
      %mul3A_311 = arith.muli %add3A_225, %mul3A_310 : i32
      %mul3A_312 = arith.constant 64 : i32
      %mul3A_313 = arith.muli %arg0, %mul3A_312 : i32
      %dma_start3A_314 = tpu.memref_slice %arg4[%mul3A_311, %mul3A_313] : memref<10000x128xf32, #tpu.memory_space<hbm>> -> memref<80x64xf32, #tpu.memory_space<hbm>>
      %dma_start3A_315 = arith.constant 0 : i32
      %dma_start3A_316 = tpu.memref_slice %arg18[%mul3A_309, %dma_start3A_315] : memref<10000x64xf32, #tpu.memory_space<vmem_shared>> -> memref<80x64xf32, #tpu.memory_space<vmem_shared>>
      tpu.enqueue_dma source(%dma_start3A_316 : memref<80x64xf32, #tpu.memory_space<vmem_shared>>) target(%dma_start3A_314 : memref<80x64xf32, #tpu.memory_space<hbm>>) target_semaphore(%arg11 : memref<!tpu.dma_semaphore, #tpu.memory_space<semaphore_mem>>)
      %mul3A_317 = arith.constant 80 : i32
      %mul3A_318 = arith.muli %add3A_225, %mul3A_317 : i32
      %mul3A_319 = arith.constant 80 : i32
      %mul3A_320 = arith.muli %add3A_225, %mul3A_319 : i32
      %dma_start3A_321 = arith.constant 0 : i32
      %dma_start3A_322 = tpu.memref_slice %arg5[%arg0, %mul3A_320, %dma_start3A_321] : memref<2x10000x16xf32, #tpu.memory_space<hbm>> -> memref<1x80x16xf32, #tpu.memory_space<hbm>>
      %dma_start3A_323 = tpu.memref_squeeze %dma_start3A_322 : memref<1x80x16xf32, #tpu.memory_space<hbm>> -> memref<80x16xf32, #tpu.memory_space<hbm>>
      %dma_start3A_324 = arith.constant 0 : i32
      %dma_start3A_325 = tpu.memref_slice %arg19[%mul3A_318, %dma_start3A_324] : memref<10000x16xf32, #tpu.memory_space<vmem_shared>> -> memref<80x16xf32, #tpu.memory_space<vmem_shared>>
      tpu.enqueue_dma source(%dma_start3A_325 : memref<80x16xf32, #tpu.memory_space<vmem_shared>>) target(%dma_start3A_323 : memref<80x16xf32, #tpu.memory_space<hbm>>) target_semaphore(%arg12 : memref<!tpu.dma_semaphore, #tpu.memory_space<semaphore_mem>>)
    } else {
    }
    %add3A_231 = arith.constant 80 : i32
    %add3A_232 = arith.addi %arg1, %add3A_231 : i32
    %lt3A_233 = arith.constant 125 : i32
    %lt3A_234 = arith.cmpi slt, %add3A_232, %lt3A_233 : i32
    %convert_element_type3A_235 = arith.extui %lt3A_234 : i1 to i32
    %cond3A_236 = arith.constant 0 : i32
    %cond3A_237 = arith.cmpi ne, %convert_element_type3A_235, %cond3A_236 : i32
    scf.if %cond3A_237 {
      %mul3A_308 = arith.constant 80 : i32
      %mul3A_309 = arith.muli %add3A_232, %mul3A_308 : i32
      %mul3A_310 = arith.constant 80 : i32
      %mul3A_311 = arith.muli %add3A_232, %mul3A_310 : i32
      %mul3A_312 = arith.constant 64 : i32
      %mul3A_313 = arith.muli %arg0, %mul3A_312 : i32
      %dma_start3A_314 = tpu.memref_slice %arg4[%mul3A_311, %mul3A_313] : memref<10000x128xf32, #tpu.memory_space<hbm>> -> memref<80x64xf32, #tpu.memory_space<hbm>>
      %dma_start3A_315 = arith.constant 0 : i32
      %dma_start3A_316 = tpu.memref_slice %arg18[%mul3A_309, %dma_start3A_315] : memref<10000x64xf32, #tpu.memory_space<vmem_shared>> -> memref<80x64xf32, #tpu.memory_space<vmem_shared>>
      tpu.enqueue_dma source(%dma_start3A_316 : memref<80x64xf32, #tpu.memory_space<vmem_shared>>) target(%dma_start3A_314 : memref<80x64xf32, #tpu.memory_space<hbm>>) target_semaphore(%arg11 : memref<!tpu.dma_semaphore, #tpu.memory_space<semaphore_mem>>)
      %mul3A_317 = arith.constant 80 : i32
      %mul3A_318 = arith.muli %add3A_232, %mul3A_317 : i32
      %mul3A_319 = arith.constant 80 : i32
      %mul3A_320 = arith.muli %add3A_232, %mul3A_319 : i32
      %dma_start3A_321 = arith.constant 0 : i32
      %dma_start3A_322 = tpu.memref_slice %arg5[%arg0, %mul3A_320, %dma_start3A_321] : memref<2x10000x16xf32, #tpu.memory_space<hbm>> -> memref<1x80x16xf32, #tpu.memory_space<hbm>>
      %dma_start3A_323 = tpu.memref_squeeze %dma_start3A_322 : memref<1x80x16xf32, #tpu.memory_space<hbm>> -> memref<80x16xf32, #tpu.memory_space<hbm>>
      %dma_start3A_324 = arith.constant 0 : i32
      %dma_start3A_325 = tpu.memref_slice %arg19[%mul3A_318, %dma_start3A_324] : memref<10000x16xf32, #tpu.memory_space<vmem_shared>> -> memref<80x16xf32, #tpu.memory_space<vmem_shared>>
      tpu.enqueue_dma source(%dma_start3A_325 : memref<80x16xf32, #tpu.memory_space<vmem_shared>>) target(%dma_start3A_323 : memref<80x16xf32, #tpu.memory_space<hbm>>) target_semaphore(%arg12 : memref<!tpu.dma_semaphore, #tpu.memory_space<semaphore_mem>>)
    } else {
    }
    %add3A_238 = arith.constant 96 : i32
    %add3A_239 = arith.addi %arg1, %add3A_238 : i32
    %lt3A_240 = arith.constant 125 : i32
    %lt3A_241 = arith.cmpi slt, %add3A_239, %lt3A_240 : i32
    %convert_element_type3A_242 = arith.extui %lt3A_241 : i1 to i32
    %cond3A_243 = arith.constant 0 : i32
    %cond3A_244 = arith.cmpi ne, %convert_element_type3A_242, %cond3A_243 : i32
    scf.if %cond3A_244 {
      %mul3A_308 = arith.constant 80 : i32
      %mul3A_309 = arith.muli %add3A_239, %mul3A_308 : i32
      %mul3A_310 = arith.constant 80 : i32
      %mul3A_311 = arith.muli %add3A_239, %mul3A_310 : i32
      %mul3A_312 = arith.constant 64 : i32
      %mul3A_313 = arith.muli %arg0, %mul3A_312 : i32
      %dma_start3A_314 = tpu.memref_slice %arg4[%mul3A_311, %mul3A_313] : memref<10000x128xf32, #tpu.memory_space<hbm>> -> memref<80x64xf32, #tpu.memory_space<hbm>>
      %dma_start3A_315 = arith.constant 0 : i32
      %dma_start3A_316 = tpu.memref_slice %arg18[%mul3A_309, %dma_start3A_315] : memref<10000x64xf32, #tpu.memory_space<vmem_shared>> -> memref<80x64xf32, #tpu.memory_space<vmem_shared>>
      tpu.enqueue_dma source(%dma_start3A_316 : memref<80x64xf32, #tpu.memory_space<vmem_shared>>) target(%dma_start3A_314 : memref<80x64xf32, #tpu.memory_space<hbm>>) target_semaphore(%arg11 : memref<!tpu.dma_semaphore, #tpu.memory_space<semaphore_mem>>)
      %mul3A_317 = arith.constant 80 : i32
      %mul3A_318 = arith.muli %add3A_239, %mul3A_317 : i32
      %mul3A_319 = arith.constant 80 : i32
      %mul3A_320 = arith.muli %add3A_239, %mul3A_319 : i32
      %dma_start3A_321 = arith.constant 0 : i32
      %dma_start3A_322 = tpu.memref_slice %arg5[%arg0, %mul3A_320, %dma_start3A_321] : memref<2x10000x16xf32, #tpu.memory_space<hbm>> -> memref<1x80x16xf32, #tpu.memory_space<hbm>>
      %dma_start3A_323 = tpu.memref_squeeze %dma_start3A_322 : memref<1x80x16xf32, #tpu.memory_space<hbm>> -> memref<80x16xf32, #tpu.memory_space<hbm>>
      %dma_start3A_324 = arith.constant 0 : i32
      %dma_start3A_325 = tpu.memref_slice %arg19[%mul3A_318, %dma_start3A_324] : memref<10000x16xf32, #tpu.memory_space<vmem_shared>> -> memref<80x16xf32, #tpu.memory_space<vmem_shared>>
      tpu.enqueue_dma source(%dma_start3A_325 : memref<80x16xf32, #tpu.memory_space<vmem_shared>>) target(%dma_start3A_323 : memref<80x16xf32, #tpu.memory_space<hbm>>) target_semaphore(%arg12 : memref<!tpu.dma_semaphore, #tpu.memory_space<semaphore_mem>>)
    } else {
    }
    %add3A_245 = arith.constant 112 : i32
    %add3A_246 = arith.addi %arg1, %add3A_245 : i32
    %lt3A_247 = arith.constant 125 : i32
    %lt3A_248 = arith.cmpi slt, %add3A_246, %lt3A_247 : i32
    %convert_element_type3A_249 = arith.extui %lt3A_248 : i1 to i32
    %cond3A_250 = arith.constant 0 : i32
    %cond3A_251 = arith.cmpi ne, %convert_element_type3A_249, %cond3A_250 : i32
    scf.if %cond3A_251 {
      %mul3A_308 = arith.constant 80 : i32
      %mul3A_309 = arith.muli %add3A_246, %mul3A_308 : i32
      %mul3A_310 = arith.constant 80 : i32
      %mul3A_311 = arith.muli %add3A_246, %mul3A_310 : i32
      %mul3A_312 = arith.constant 64 : i32
      %mul3A_313 = arith.muli %arg0, %mul3A_312 : i32
      %dma_start3A_314 = tpu.memref_slice %arg4[%mul3A_311, %mul3A_313] : memref<10000x128xf32, #tpu.memory_space<hbm>> -> memref<80x64xf32, #tpu.memory_space<hbm>>
      %dma_start3A_315 = arith.constant 0 : i32
      %dma_start3A_316 = tpu.memref_slice %arg18[%mul3A_309, %dma_start3A_315] : memref<10000x64xf32, #tpu.memory_space<vmem_shared>> -> memref<80x64xf32, #tpu.memory_space<vmem_shared>>
      tpu.enqueue_dma source(%dma_start3A_316 : memref<80x64xf32, #tpu.memory_space<vmem_shared>>) target(%dma_start3A_314 : memref<80x64xf32, #tpu.memory_space<hbm>>) target_semaphore(%arg11 : memref<!tpu.dma_semaphore, #tpu.memory_space<semaphore_mem>>)
      %mul3A_317 = arith.constant 80 : i32
      %mul3A_318 = arith.muli %add3A_246, %mul3A_317 : i32
      %mul3A_319 = arith.constant 80 : i32
      %mul3A_320 = arith.muli %add3A_246, %mul3A_319 : i32
      %dma_start3A_321 = arith.constant 0 : i32
      %dma_start3A_322 = tpu.memref_slice %arg5[%arg0, %mul3A_320, %dma_start3A_321] : memref<2x10000x16xf32, #tpu.memory_space<hbm>> -> memref<1x80x16xf32, #tpu.memory_space<hbm>>
      %dma_start3A_323 = tpu.memref_squeeze %dma_start3A_322 : memref<1x80x16xf32, #tpu.memory_space<hbm>> -> memref<80x16xf32, #tpu.memory_space<hbm>>
      %dma_start3A_324 = arith.constant 0 : i32
      %dma_start3A_325 = tpu.memref_slice %arg19[%mul3A_318, %dma_start3A_324] : memref<10000x16xf32, #tpu.memory_space<vmem_shared>> -> memref<80x16xf32, #tpu.memory_space<vmem_shared>>
      tpu.enqueue_dma source(%dma_start3A_325 : memref<80x16xf32, #tpu.memory_space<vmem_shared>>) target(%dma_start3A_323 : memref<80x16xf32, #tpu.memory_space<hbm>>) target_semaphore(%arg12 : memref<!tpu.dma_semaphore, #tpu.memory_space<semaphore_mem>>)
    } else {
    }
    %add3A_252 = arith.constant 0 : i32
    %add3A_253 = arith.addi %arg1, %add3A_252 : i32
    %lt3A_254 = arith.constant 125 : i32
    %lt3A_255 = arith.cmpi slt, %add3A_253, %lt3A_254 : i32
    %convert_element_type3A_256 = arith.extui %lt3A_255 : i1 to i32
    %cond3A_257 = arith.constant 0 : i32
    %cond3A_258 = arith.cmpi ne, %convert_element_type3A_256, %cond3A_257 : i32
    scf.if %cond3A_258 {
      %mul3A_308 = arith.constant 80 : i32
      %mul3A_309 = arith.muli %add3A_253, %mul3A_308 : i32
      %mul3A_310 = arith.constant 80 : i32
      %mul3A_311 = arith.muli %add3A_253, %mul3A_310 : i32
      %mul3A_312 = arith.constant 64 : i32
      %mul3A_313 = arith.muli %arg0, %mul3A_312 : i32
      %dma_wait3A_314 = tpu.memref_slice %arg4[%mul3A_311, %mul3A_313] : memref<10000x128xf32, #tpu.memory_space<hbm>> -> memref<80x64xf32, #tpu.memory_space<hbm>>
      %dma_wait3A_315 = arith.constant 0 : i32
      %dma_wait3A_316 = tpu.memref_slice %arg18[%mul3A_309, %dma_wait3A_315] : memref<10000x64xf32, #tpu.memory_space<vmem_shared>> -> memref<80x64xf32, #tpu.memory_space<vmem_shared>>
      tpu.wait_dma2 semaphore(%arg11 : memref<!tpu.dma_semaphore, #tpu.memory_space<semaphore_mem>>) src(%dma_wait3A_316 : memref<80x64xf32, #tpu.memory_space<vmem_shared>>) dst(%dma_wait3A_314 : memref<80x64xf32, #tpu.memory_space<hbm>>)
      %mul3A_317 = arith.constant 80 : i32
      %mul3A_318 = arith.muli %add3A_253, %mul3A_317 : i32
      %mul3A_319 = arith.constant 80 : i32
      %mul3A_320 = arith.muli %add3A_253, %mul3A_319 : i32
      %dma_wait3A_321 = arith.constant 0 : i32
      %dma_wait3A_322 = tpu.memref_slice %arg5[%arg0, %mul3A_320, %dma_wait3A_321] : memref<2x10000x16xf32, #tpu.memory_space<hbm>> -> memref<1x80x16xf32, #tpu.memory_space<hbm>>
      %dma_wait3A_323 = tpu.memref_squeeze %dma_wait3A_322 : memref<1x80x16xf32, #tpu.memory_space<hbm>> -> memref<80x16xf32, #tpu.memory_space<hbm>>
      %dma_wait3A_324 = arith.constant 0 : i32
      %dma_wait3A_325 = tpu.memref_slice %arg19[%mul3A_318, %dma_wait3A_324] : memref<10000x16xf32, #tpu.memory_space<vmem_shared>> -> memref<80x16xf32, #tpu.memory_space<vmem_shared>>
      tpu.wait_dma2 semaphore(%arg12 : memref<!tpu.dma_semaphore, #tpu.memory_space<semaphore_mem>>) src(%dma_wait3A_325 : memref<80x16xf32, #tpu.memory_space<vmem_shared>>) dst(%dma_wait3A_323 : memref<80x16xf32, #tpu.memory_space<hbm>>)
    } else {
    }
    %add3A_259 = arith.constant 16 : i32
    %add3A_260 = arith.addi %arg1, %add3A_259 : i32
    %lt3A_261 = arith.constant 125 : i32
    %lt3A_262 = arith.cmpi slt, %add3A_260, %lt3A_261 : i32
    %convert_element_type3A_263 = arith.extui %lt3A_262 : i1 to i32
    %cond3A_264 = arith.constant 0 : i32
    %cond3A_265 = arith.cmpi ne, %convert_element_type3A_263, %cond3A_264 : i32
    scf.if %cond3A_265 {
      %mul3A_308 = arith.constant 80 : i32
      %mul3A_309 = arith.muli %add3A_260, %mul3A_308 : i32
      %mul3A_310 = arith.constant 80 : i32
      %mul3A_311 = arith.muli %add3A_260, %mul3A_310 : i32
      %mul3A_312 = arith.constant 64 : i32
      %mul3A_313 = arith.muli %arg0, %mul3A_312 : i32
      %dma_wait3A_314 = tpu.memref_slice %arg4[%mul3A_311, %mul3A_313] : memref<10000x128xf32, #tpu.memory_space<hbm>> -> memref<80x64xf32, #tpu.memory_space<hbm>>
      %dma_wait3A_315 = arith.constant 0 : i32
      %dma_wait3A_316 = tpu.memref_slice %arg18[%mul3A_309, %dma_wait3A_315] : memref<10000x64xf32, #tpu.memory_space<vmem_shared>> -> memref<80x64xf32, #tpu.memory_space<vmem_shared>>
      tpu.wait_dma2 semaphore(%arg11 : memref<!tpu.dma_semaphore, #tpu.memory_space<semaphore_mem>>) src(%dma_wait3A_316 : memref<80x64xf32, #tpu.memory_space<vmem_shared>>) dst(%dma_wait3A_314 : memref<80x64xf32, #tpu.memory_space<hbm>>)
      %mul3A_317 = arith.constant 80 : i32
      %mul3A_318 = arith.muli %add3A_260, %mul3A_317 : i32
      %mul3A_319 = arith.constant 80 : i32
      %mul3A_320 = arith.muli %add3A_260, %mul3A_319 : i32
      %dma_wait3A_321 = arith.constant 0 : i32
      %dma_wait3A_322 = tpu.memref_slice %arg5[%arg0, %mul3A_320, %dma_wait3A_321] : memref<2x10000x16xf32, #tpu.memory_space<hbm>> -> memref<1x80x16xf32, #tpu.memory_space<hbm>>
      %dma_wait3A_323 = tpu.memref_squeeze %dma_wait3A_322 : memref<1x80x16xf32, #tpu.memory_space<hbm>> -> memref<80x16xf32, #tpu.memory_space<hbm>>
      %dma_wait3A_324 = arith.constant 0 : i32
      %dma_wait3A_325 = tpu.memref_slice %arg19[%mul3A_318, %dma_wait3A_324] : memref<10000x16xf32, #tpu.memory_space<vmem_shared>> -> memref<80x16xf32, #tpu.memory_space<vmem_shared>>
      tpu.wait_dma2 semaphore(%arg12 : memref<!tpu.dma_semaphore, #tpu.memory_space<semaphore_mem>>) src(%dma_wait3A_325 : memref<80x16xf32, #tpu.memory_space<vmem_shared>>) dst(%dma_wait3A_323 : memref<80x16xf32, #tpu.memory_space<hbm>>)
    } else {
    }
    %add3A_266 = arith.constant 32 : i32
    %add3A_267 = arith.addi %arg1, %add3A_266 : i32
    %lt3A_268 = arith.constant 125 : i32
    %lt3A_269 = arith.cmpi slt, %add3A_267, %lt3A_268 : i32
    %convert_element_type3A_270 = arith.extui %lt3A_269 : i1 to i32
    %cond3A_271 = arith.constant 0 : i32
    %cond3A_272 = arith.cmpi ne, %convert_element_type3A_270, %cond3A_271 : i32
    scf.if %cond3A_272 {
      %mul3A_308 = arith.constant 80 : i32
      %mul3A_309 = arith.muli %add3A_267, %mul3A_308 : i32
      %mul3A_310 = arith.constant 80 : i32
      %mul3A_311 = arith.muli %add3A_267, %mul3A_310 : i32
      %mul3A_312 = arith.constant 64 : i32
      %mul3A_313 = arith.muli %arg0, %mul3A_312 : i32
      %dma_wait3A_314 = tpu.memref_slice %arg4[%mul3A_311, %mul3A_313] : memref<10000x128xf32, #tpu.memory_space<hbm>> -> memref<80x64xf32, #tpu.memory_space<hbm>>
      %dma_wait3A_315 = arith.constant 0 : i32
      %dma_wait3A_316 = tpu.memref_slice %arg18[%mul3A_309, %dma_wait3A_315] : memref<10000x64xf32, #tpu.memory_space<vmem_shared>> -> memref<80x64xf32, #tpu.memory_space<vmem_shared>>
      tpu.wait_dma2 semaphore(%arg11 : memref<!tpu.dma_semaphore, #tpu.memory_space<semaphore_mem>>) src(%dma_wait3A_316 : memref<80x64xf32, #tpu.memory_space<vmem_shared>>) dst(%dma_wait3A_314 : memref<80x64xf32, #tpu.memory_space<hbm>>)
      %mul3A_317 = arith.constant 80 : i32
      %mul3A_318 = arith.muli %add3A_267, %mul3A_317 : i32
      %mul3A_319 = arith.constant 80 : i32
      %mul3A_320 = arith.muli %add3A_267, %mul3A_319 : i32
      %dma_wait3A_321 = arith.constant 0 : i32
      %dma_wait3A_322 = tpu.memref_slice %arg5[%arg0, %mul3A_320, %dma_wait3A_321] : memref<2x10000x16xf32, #tpu.memory_space<hbm>> -> memref<1x80x16xf32, #tpu.memory_space<hbm>>
      %dma_wait3A_323 = tpu.memref_squeeze %dma_wait3A_322 : memref<1x80x16xf32, #tpu.memory_space<hbm>> -> memref<80x16xf32, #tpu.memory_space<hbm>>
      %dma_wait3A_324 = arith.constant 0 : i32
      %dma_wait3A_325 = tpu.memref_slice %arg19[%mul3A_318, %dma_wait3A_324] : memref<10000x16xf32, #tpu.memory_space<vmem_shared>> -> memref<80x16xf32, #tpu.memory_space<vmem_shared>>
      tpu.wait_dma2 semaphore(%arg12 : memref<!tpu.dma_semaphore, #tpu.memory_space<semaphore_mem>>) src(%dma_wait3A_325 : memref<80x16xf32, #tpu.memory_space<vmem_shared>>) dst(%dma_wait3A_323 : memref<80x16xf32, #tpu.memory_space<hbm>>)
    } else {
    }
    %add3A_273 = arith.constant 48 : i32
    %add3A_274 = arith.addi %arg1, %add3A_273 : i32
    %lt3A_275 = arith.constant 125 : i32
    %lt3A_276 = arith.cmpi slt, %add3A_274, %lt3A_275 : i32
    %convert_element_type3A_277 = arith.extui %lt3A_276 : i1 to i32
    %cond3A_278 = arith.constant 0 : i32
    %cond3A_279 = arith.cmpi ne, %convert_element_type3A_277, %cond3A_278 : i32
    scf.if %cond3A_279 {
      %mul3A_308 = arith.constant 80 : i32
      %mul3A_309 = arith.muli %add3A_274, %mul3A_308 : i32
      %mul3A_310 = arith.constant 80 : i32
      %mul3A_311 = arith.muli %add3A_274, %mul3A_310 : i32
      %mul3A_312 = arith.constant 64 : i32
      %mul3A_313 = arith.muli %arg0, %mul3A_312 : i32
      %dma_wait3A_314 = tpu.memref_slice %arg4[%mul3A_311, %mul3A_313] : memref<10000x128xf32, #tpu.memory_space<hbm>> -> memref<80x64xf32, #tpu.memory_space<hbm>>
      %dma_wait3A_315 = arith.constant 0 : i32
      %dma_wait3A_316 = tpu.memref_slice %arg18[%mul3A_309, %dma_wait3A_315] : memref<10000x64xf32, #tpu.memory_space<vmem_shared>> -> memref<80x64xf32, #tpu.memory_space<vmem_shared>>
      tpu.wait_dma2 semaphore(%arg11 : memref<!tpu.dma_semaphore, #tpu.memory_space<semaphore_mem>>) src(%dma_wait3A_316 : memref<80x64xf32, #tpu.memory_space<vmem_shared>>) dst(%dma_wait3A_314 : memref<80x64xf32, #tpu.memory_space<hbm>>)
      %mul3A_317 = arith.constant 80 : i32
      %mul3A_318 = arith.muli %add3A_274, %mul3A_317 : i32
      %mul3A_319 = arith.constant 80 : i32
      %mul3A_320 = arith.muli %add3A_274, %mul3A_319 : i32
      %dma_wait3A_321 = arith.constant 0 : i32
      %dma_wait3A_322 = tpu.memref_slice %arg5[%arg0, %mul3A_320, %dma_wait3A_321] : memref<2x10000x16xf32, #tpu.memory_space<hbm>> -> memref<1x80x16xf32, #tpu.memory_space<hbm>>
      %dma_wait3A_323 = tpu.memref_squeeze %dma_wait3A_322 : memref<1x80x16xf32, #tpu.memory_space<hbm>> -> memref<80x16xf32, #tpu.memory_space<hbm>>
      %dma_wait3A_324 = arith.constant 0 : i32
      %dma_wait3A_325 = tpu.memref_slice %arg19[%mul3A_318, %dma_wait3A_324] : memref<10000x16xf32, #tpu.memory_space<vmem_shared>> -> memref<80x16xf32, #tpu.memory_space<vmem_shared>>
      tpu.wait_dma2 semaphore(%arg12 : memref<!tpu.dma_semaphore, #tpu.memory_space<semaphore_mem>>) src(%dma_wait3A_325 : memref<80x16xf32, #tpu.memory_space<vmem_shared>>) dst(%dma_wait3A_323 : memref<80x16xf32, #tpu.memory_space<hbm>>)
    } else {
    }
    %add3A_280 = arith.constant 64 : i32
    %add3A_281 = arith.addi %arg1, %add3A_280 : i32
    %lt3A_282 = arith.constant 125 : i32
    %lt3A_283 = arith.cmpi slt, %add3A_281, %lt3A_282 : i32
    %convert_element_type3A_284 = arith.extui %lt3A_283 : i1 to i32
    %cond3A_285 = arith.constant 0 : i32
    %cond3A_286 = arith.cmpi ne, %convert_element_type3A_284, %cond3A_285 : i32
    scf.if %cond3A_286 {
      %mul3A_308 = arith.constant 80 : i32
      %mul3A_309 = arith.muli %add3A_281, %mul3A_308 : i32
      %mul3A_310 = arith.constant 80 : i32
      %mul3A_311 = arith.muli %add3A_281, %mul3A_310 : i32
      %mul3A_312 = arith.constant 64 : i32
      %mul3A_313 = arith.muli %arg0, %mul3A_312 : i32
      %dma_wait3A_314 = tpu.memref_slice %arg4[%mul3A_311, %mul3A_313] : memref<10000x128xf32, #tpu.memory_space<hbm>> -> memref<80x64xf32, #tpu.memory_space<hbm>>
      %dma_wait3A_315 = arith.constant 0 : i32
      %dma_wait3A_316 = tpu.memref_slice %arg18[%mul3A_309, %dma_wait3A_315] : memref<10000x64xf32, #tpu.memory_space<vmem_shared>> -> memref<80x64xf32, #tpu.memory_space<vmem_shared>>
      tpu.wait_dma2 semaphore(%arg11 : memref<!tpu.dma_semaphore, #tpu.memory_space<semaphore_mem>>) src(%dma_wait3A_316 : memref<80x64xf32, #tpu.memory_space<vmem_shared>>) dst(%dma_wait3A_314 : memref<80x64xf32, #tpu.memory_space<hbm>>)
      %mul3A_317 = arith.constant 80 : i32
      %mul3A_318 = arith.muli %add3A_281, %mul3A_317 : i32
      %mul3A_319 = arith.constant 80 : i32
      %mul3A_320 = arith.muli %add3A_281, %mul3A_319 : i32
      %dma_wait3A_321 = arith.constant 0 : i32
      %dma_wait3A_322 = tpu.memref_slice %arg5[%arg0, %mul3A_320, %dma_wait3A_321] : memref<2x10000x16xf32, #tpu.memory_space<hbm>> -> memref<1x80x16xf32, #tpu.memory_space<hbm>>
      %dma_wait3A_323 = tpu.memref_squeeze %dma_wait3A_322 : memref<1x80x16xf32, #tpu.memory_space<hbm>> -> memref<80x16xf32, #tpu.memory_space<hbm>>
      %dma_wait3A_324 = arith.constant 0 : i32
      %dma_wait3A_325 = tpu.memref_slice %arg19[%mul3A_318, %dma_wait3A_324] : memref<10000x16xf32, #tpu.memory_space<vmem_shared>> -> memref<80x16xf32, #tpu.memory_space<vmem_shared>>
      tpu.wait_dma2 semaphore(%arg12 : memref<!tpu.dma_semaphore, #tpu.memory_space<semaphore_mem>>) src(%dma_wait3A_325 : memref<80x16xf32, #tpu.memory_space<vmem_shared>>) dst(%dma_wait3A_323 : memref<80x16xf32, #tpu.memory_space<hbm>>)
    } else {
    }
    %add3A_287 = arith.constant 80 : i32
    %add3A_288 = arith.addi %arg1, %add3A_287 : i32
    %lt3A_289 = arith.constant 125 : i32
    %lt3A_290 = arith.cmpi slt, %add3A_288, %lt3A_289 : i32
    %convert_element_type3A_291 = arith.extui %lt3A_290 : i1 to i32
    %cond3A_292 = arith.constant 0 : i32
    %cond3A_293 = arith.cmpi ne, %convert_element_type3A_291, %cond3A_292 : i32
    scf.if %cond3A_293 {
      %mul3A_308 = arith.constant 80 : i32
      %mul3A_309 = arith.muli %add3A_288, %mul3A_308 : i32
      %mul3A_310 = arith.constant 80 : i32
      %mul3A_311 = arith.muli %add3A_288, %mul3A_310 : i32
      %mul3A_312 = arith.constant 64 : i32
      %mul3A_313 = arith.muli %arg0, %mul3A_312 : i32
      %dma_wait3A_314 = tpu.memref_slice %arg4[%mul3A_311, %mul3A_313] : memref<10000x128xf32, #tpu.memory_space<hbm>> -> memref<80x64xf32, #tpu.memory_space<hbm>>
      %dma_wait3A_315 = arith.constant 0 : i32
      %dma_wait3A_316 = tpu.memref_slice %arg18[%mul3A_309, %dma_wait3A_315] : memref<10000x64xf32, #tpu.memory_space<vmem_shared>> -> memref<80x64xf32, #tpu.memory_space<vmem_shared>>
      tpu.wait_dma2 semaphore(%arg11 : memref<!tpu.dma_semaphore, #tpu.memory_space<semaphore_mem>>) src(%dma_wait3A_316 : memref<80x64xf32, #tpu.memory_space<vmem_shared>>) dst(%dma_wait3A_314 : memref<80x64xf32, #tpu.memory_space<hbm>>)
      %mul3A_317 = arith.constant 80 : i32
      %mul3A_318 = arith.muli %add3A_288, %mul3A_317 : i32
      %mul3A_319 = arith.constant 80 : i32
      %mul3A_320 = arith.muli %add3A_288, %mul3A_319 : i32
      %dma_wait3A_321 = arith.constant 0 : i32
      %dma_wait3A_322 = tpu.memref_slice %arg5[%arg0, %mul3A_320, %dma_wait3A_321] : memref<2x10000x16xf32, #tpu.memory_space<hbm>> -> memref<1x80x16xf32, #tpu.memory_space<hbm>>
      %dma_wait3A_323 = tpu.memref_squeeze %dma_wait3A_322 : memref<1x80x16xf32, #tpu.memory_space<hbm>> -> memref<80x16xf32, #tpu.memory_space<hbm>>
      %dma_wait3A_324 = arith.constant 0 : i32
      %dma_wait3A_325 = tpu.memref_slice %arg19[%mul3A_318, %dma_wait3A_324] : memref<10000x16xf32, #tpu.memory_space<vmem_shared>> -> memref<80x16xf32, #tpu.memory_space<vmem_shared>>
      tpu.wait_dma2 semaphore(%arg12 : memref<!tpu.dma_semaphore, #tpu.memory_space<semaphore_mem>>) src(%dma_wait3A_325 : memref<80x16xf32, #tpu.memory_space<vmem_shared>>) dst(%dma_wait3A_323 : memref<80x16xf32, #tpu.memory_space<hbm>>)
    } else {
    }
    %add3A_294 = arith.constant 96 : i32
    %add3A_295 = arith.addi %arg1, %add3A_294 : i32
    %lt3A_296 = arith.constant 125 : i32
    %lt3A_297 = arith.cmpi slt, %add3A_295, %lt3A_296 : i32
    %convert_element_type3A_298 = arith.extui %lt3A_297 : i1 to i32
    %cond3A_299 = arith.constant 0 : i32
    %cond3A_300 = arith.cmpi ne, %convert_element_type3A_298, %cond3A_299 : i32
    scf.if %cond3A_300 {
      %mul3A_308 = arith.constant 80 : i32
      %mul3A_309 = arith.muli %add3A_295, %mul3A_308 : i32
      %mul3A_310 = arith.constant 80 : i32
      %mul3A_311 = arith.muli %add3A_295, %mul3A_310 : i32
      %mul3A_312 = arith.constant 64 : i32
      %mul3A_313 = arith.muli %arg0, %mul3A_312 : i32
      %dma_wait3A_314 = tpu.memref_slice %arg4[%mul3A_311, %mul3A_313] : memref<10000x128xf32, #tpu.memory_space<hbm>> -> memref<80x64xf32, #tpu.memory_space<hbm>>
      %dma_wait3A_315 = arith.constant 0 : i32
      %dma_wait3A_316 = tpu.memref_slice %arg18[%mul3A_309, %dma_wait3A_315] : memref<10000x64xf32, #tpu.memory_space<vmem_shared>> -> memref<80x64xf32, #tpu.memory_space<vmem_shared>>
      tpu.wait_dma2 semaphore(%arg11 : memref<!tpu.dma_semaphore, #tpu.memory_space<semaphore_mem>>) src(%dma_wait3A_316 : memref<80x64xf32, #tpu.memory_space<vmem_shared>>) dst(%dma_wait3A_314 : memref<80x64xf32, #tpu.memory_space<hbm>>)
      %mul3A_317 = arith.constant 80 : i32
      %mul3A_318 = arith.muli %add3A_295, %mul3A_317 : i32
      %mul3A_319 = arith.constant 80 : i32
      %mul3A_320 = arith.muli %add3A_295, %mul3A_319 : i32
      %dma_wait3A_321 = arith.constant 0 : i32
      %dma_wait3A_322 = tpu.memref_slice %arg5[%arg0, %mul3A_320, %dma_wait3A_321] : memref<2x10000x16xf32, #tpu.memory_space<hbm>> -> memref<1x80x16xf32, #tpu.memory_space<hbm>>
      %dma_wait3A_323 = tpu.memref_squeeze %dma_wait3A_322 : memref<1x80x16xf32, #tpu.memory_space<hbm>> -> memref<80x16xf32, #tpu.memory_space<hbm>>
      %dma_wait3A_324 = arith.constant 0 : i32
      %dma_wait3A_325 = tpu.memref_slice %arg19[%mul3A_318, %dma_wait3A_324] : memref<10000x16xf32, #tpu.memory_space<vmem_shared>> -> memref<80x16xf32, #tpu.memory_space<vmem_shared>>
      tpu.wait_dma2 semaphore(%arg12 : memref<!tpu.dma_semaphore, #tpu.memory_space<semaphore_mem>>) src(%dma_wait3A_325 : memref<80x16xf32, #tpu.memory_space<vmem_shared>>) dst(%dma_wait3A_323 : memref<80x16xf32, #tpu.memory_space<hbm>>)
    } else {
    }
    %add3A_301 = arith.constant 112 : i32
    %add3A_302 = arith.addi %arg1, %add3A_301 : i32
    %lt3A_303 = arith.constant 125 : i32
    %lt3A_304 = arith.cmpi slt, %add3A_302, %lt3A_303 : i32
    %convert_element_type3A_305 = arith.extui %lt3A_304 : i1 to i32
    %cond3A_306 = arith.constant 0 : i32
    %cond3A_307 = arith.cmpi ne, %convert_element_type3A_305, %cond3A_306 : i32
    scf.if %cond3A_307 {
      %mul3A_308 = arith.constant 80 : i32
      %mul3A_309 = arith.muli %add3A_302, %mul3A_308 : i32
      %mul3A_310 = arith.constant 80 : i32
      %mul3A_311 = arith.muli %add3A_302, %mul3A_310 : i32
      %mul3A_312 = arith.constant 64 : i32
      %mul3A_313 = arith.muli %arg0, %mul3A_312 : i32
      %dma_wait3A_314 = tpu.memref_slice %arg4[%mul3A_311, %mul3A_313] : memref<10000x128xf32, #tpu.memory_space<hbm>> -> memref<80x64xf32, #tpu.memory_space<hbm>>
      %dma_wait3A_315 = arith.constant 0 : i32
      %dma_wait3A_316 = tpu.memref_slice %arg18[%mul3A_309, %dma_wait3A_315] : memref<10000x64xf32, #tpu.memory_space<vmem_shared>> -> memref<80x64xf32, #tpu.memory_space<vmem_shared>>
      tpu.wait_dma2 semaphore(%arg11 : memref<!tpu.dma_semaphore, #tpu.memory_space<semaphore_mem>>) src(%dma_wait3A_316 : memref<80x64xf32, #tpu.memory_space<vmem_shared>>) dst(%dma_wait3A_314 : memref<80x64xf32, #tpu.memory_space<hbm>>)
      %mul3A_317 = arith.constant 80 : i32
      %mul3A_318 = arith.muli %add3A_302, %mul3A_317 : i32
      %mul3A_319 = arith.constant 80 : i32
      %mul3A_320 = arith.muli %add3A_302, %mul3A_319 : i32
      %dma_wait3A_321 = arith.constant 0 : i32
      %dma_wait3A_322 = tpu.memref_slice %arg5[%arg0, %mul3A_320, %dma_wait3A_321] : memref<2x10000x16xf32, #tpu.memory_space<hbm>> -> memref<1x80x16xf32, #tpu.memory_space<hbm>>
      %dma_wait3A_323 = tpu.memref_squeeze %dma_wait3A_322 : memref<1x80x16xf32, #tpu.memory_space<hbm>> -> memref<80x16xf32, #tpu.memory_space<hbm>>
      %dma_wait3A_324 = arith.constant 0 : i32
      %dma_wait3A_325 = tpu.memref_slice %arg19[%mul3A_318, %dma_wait3A_324] : memref<10000x16xf32, #tpu.memory_space<vmem_shared>> -> memref<80x16xf32, #tpu.memory_space<vmem_shared>>
      tpu.wait_dma2 semaphore(%arg12 : memref<!tpu.dma_semaphore, #tpu.memory_space<semaphore_mem>>) src(%dma_wait3A_325 : memref<80x16xf32, #tpu.memory_space<vmem_shared>>) dst(%dma_wait3A_323 : memref<80x16xf32, #tpu.memory_space<hbm>>)
    } else {
    }
    return
  }
}

module attributes {stable_mosaic.version = 14 : i64} {
  func.func @body(%arg0: i32, %arg1: memref<2000x128xf32, #tpu.memory_space<vmem>>, %arg2: memref<2000x128xf32, #tpu.memory_space<vmem>>, %arg3: memref<2x2000x16xf32, #tpu.memory_space<vmem>>, %arg4: memref<128x128xf32, #tpu.memory_space<vmem>>, %arg5: memref<128x128xf32, #tpu.memory_space<vmem>>, %arg6: memref<1x128xf32, #tpu.memory_space<vmem>>, %arg7: memref<2000x128xf32, #tpu.memory_space<vmem>>) attributes {dimension_semantics = [#tpu.dimension_semantics<arbitrary>], iteration_bounds = array<i64: 5>, scalar_prefetch = 0 : i64, scratch_operands = 0 : i64, tpu.core_type = #tpu.core_type<tc>, window_params = [{transform_indices = @transform_0, window_bounds = array<i64: 2000, 128>}, {transform_indices = @transform_1, window_bounds = array<i64: 2000, 128>}, {transform_indices = @transform_2, window_bounds = array<i64: 2, 2000, 16>}, {pipeline_mode = #tpu.pipeline_mode<synchronous>, transform_indices = @transform_3, window_bounds = array<i64: 128, 128>}, {pipeline_mode = #tpu.pipeline_mode<synchronous>, transform_indices = @transform_4, window_bounds = array<i64: 128, 128>}, {pipeline_mode = #tpu.pipeline_mode<synchronous>, transform_indices = @transform_5, window_bounds = array<i64: 1, 128>}, {transform_indices = @transform_6, window_bounds = array<i64: 2000, 128>}]} {
    %get3A = arith.constant 0 : index
    %get3A_0 = arith.constant 0 : index
    %get3A_1 = vector.load %arg1[%get3A, %get3A_0] : memref<2000x128xf32, #tpu.memory_space<vmem>>, vector<2000x128xf32>
    %get3A_2 = arith.constant 0 : index
    %get3A_3 = arith.constant 0 : index
    %get3A_4 = arith.constant 0 : index
    %get3A_5 = vector.load %arg3[%get3A_2, %get3A_3, %get3A_4] : memref<2x2000x16xf32, #tpu.memory_space<vmem>>, vector<1x2000x1xf32>
    %get3A_6 = vector.shape_cast %get3A_5 : vector<1x2000x1xf32> to vector<2000x1xf32>
    %get3A_7 = arith.constant 1 : index
    %get3A_8 = arith.constant 0 : index
    %get3A_9 = arith.constant 0 : index
    %get3A_10 = vector.load %arg3[%get3A_7, %get3A_8, %get3A_9] : memref<2x2000x16xf32, #tpu.memory_space<vmem>>, vector<1x2000x1xf32>
    %get3A_11 = vector.shape_cast %get3A_10 : vector<1x2000x1xf32> to vector<2000x1xf32>
    %add3A = arith.addf %get3A_6, %get3A_11 : vector<2000x1xf32>
    %max3A = arith.constant 1.000000e+00 : f32
    %max3A_12 = vector.broadcast %max3A : f32 to vector<2000x1xf32>
    %max3A_13 = arith.maximumf %add3A, %max3A_12 : vector<2000x1xf32>
    %div3A = arith.constant 1.000000e+00 : f32
    %div3A_14 = vector.broadcast %div3A : f32 to vector<2000x1xf32>
    %div3A_15 = arith.divf %div3A_14, %max3A_13 : vector<2000x1xf32>
    %get3A_16 = arith.constant 0 : index
    %get3A_17 = arith.constant 0 : index
    %get3A_18 = vector.load %arg2[%get3A_16, %get3A_17] : memref<2000x128xf32, #tpu.memory_space<vmem>>, vector<2000x128xf32>
    %mul3A = vector.broadcast %div3A_15 : vector<2000x1xf32> to vector<2000x128xf32>
    %mul3A_19 = arith.mulf %get3A_18, %mul3A : vector<2000x128xf32>
    %get3A_20 = arith.constant 0 : index
    %get3A_21 = arith.constant 0 : index
    %get3A_22 = vector.load %arg4[%get3A_20, %get3A_21] : memref<128x128xf32, #tpu.memory_space<vmem>>, vector<128x128xf32>
    %dot_general3A = arith.constant dense<0.000000e+00> : vector<2000x128xf32>
    %dot_general3A_23 = tpu.matmul %mul3A_19, %get3A_22, %dot_general3A {dimension_numbers = #tpu.dot_dimension_numbers<[1], [0], [0], [1], [0, 0, 1, 1], [], []>, transpose_lhs_hint = false} : vector<2000x128xf32>, vector<128x128xf32>, vector<2000x128xf32> -> vector<2000x128xf32>
    %get3A_24 = arith.constant 0 : index
    %get3A_25 = arith.constant 0 : index
    %get3A_26 = vector.load %arg5[%get3A_24, %get3A_25] : memref<128x128xf32, #tpu.memory_space<vmem>>, vector<128x128xf32>
    %dot_general3A_27 = arith.constant dense<0.000000e+00> : vector<2000x128xf32>
    %dot_general3A_28 = tpu.matmul %get3A_1, %get3A_26, %dot_general3A_27 {dimension_numbers = #tpu.dot_dimension_numbers<[1], [0], [0], [1], [0, 0, 1, 1], [], []>, transpose_lhs_hint = false} : vector<2000x128xf32>, vector<128x128xf32>, vector<2000x128xf32> -> vector<2000x128xf32>
    %get3A_29 = arith.constant 0 : index
    %get3A_30 = arith.constant 0 : index
    %get3A_31 = vector.load %arg6[%get3A_29, %get3A_30] : memref<1x128xf32, #tpu.memory_space<vmem>>, vector<1x128xf32>
    %add3A_32 = vector.broadcast %get3A_31 : vector<1x128xf32> to vector<2000x128xf32>
    %add3A_33 = arith.addf %dot_general3A_28, %add3A_32 : vector<2000x128xf32>
    %add3A_34 = arith.addf %add3A_33, %dot_general3A_23 : vector<2000x128xf32>
    %swap3A = arith.constant 0 : index
    %swap3A_35 = arith.constant 0 : index
    %swap3A_36 = vector.load %arg7[%swap3A, %swap3A_35] : memref<2000x128xf32, #tpu.memory_space<vmem>>, vector<2000x128xf32>
    tpu.vector_store %arg7[%swap3A, %swap3A_35], %add3A_34 {strides = array<i32>} : memref<2000x128xf32, #tpu.memory_space<vmem>>, vector<2000x128xf32>,
    return
  }
  func.func @transform_0(%arg0: i32) -> (i32, i32) {
    %c0_i32 = arith.constant 0 : i32
    %c0_i32_0 = arith.constant 0 : i32
    return %arg0, %c0_i32 : i32, i32
  }
  func.func @transform_1(%arg0: i32) -> (i32, i32) {
    %c0_i32 = arith.constant 0 : i32
    %c0_i32_0 = arith.constant 0 : i32
    return %arg0, %c0_i32 : i32, i32
  }
  func.func @transform_2(%arg0: i32) -> (i32, i32, i32) {
    %c0_i32 = arith.constant 0 : i32
    %c0_i32_0 = arith.constant 0 : i32
    %c0_i32_1 = arith.constant 0 : i32
    return %c0_i32, %arg0, %c0_i32_0 : i32, i32, i32
  }
  func.func @transform_3(%arg0: i32) -> (i32, i32) {
    %c0_i32 = arith.constant 0 : i32
    %c0_i32_0 = arith.constant 0 : i32
    %c0_i32_1 = arith.constant 0 : i32
    return %c0_i32, %c0_i32_0 : i32, i32
  }
  func.func @transform_4(%arg0: i32) -> (i32, i32) {
    %c0_i32 = arith.constant 0 : i32
    %c0_i32_0 = arith.constant 0 : i32
    %c0_i32_1 = arith.constant 0 : i32
    return %c0_i32, %c0_i32_0 : i32, i32
  }
  func.func @transform_5(%arg0: i32) -> (i32, i32) {
    %c0_i32 = arith.constant 0 : i32
    %c0_i32_0 = arith.constant 0 : i32
    %c0_i32_1 = arith.constant 0 : i32
    return %c0_i32, %c0_i32_0 : i32, i32
  }
  func.func @transform_6(%arg0: i32) -> (i32, i32) {
    %c0_i32 = arith.constant 0 : i32
    %c0_i32_0 = arith.constant 0 : i32
    return %arg0, %c0_i32 : i32, i32
  }
}

</mosaic_0001>

<sc_bundles>
// kernel: kernel.4.cloned.1.call-start
scs
__scs_entry_jumppad:
0x0: {  	(pc) =	sbr.rel $0x88, $3  }
0x1: {  	(tag) =	ssettag $0x0;
	lr =	simm.s32 $0x1  }
0x2: {  	[smem:$0x3F9C] =	sst lr;
	_ =	strace $0xD0000000  }
0x3: {  	_ = 	snop  }
0x4: {  	_ = 	snop  }
0x5: {  	_ = 	snop  }
0x6: {  	_ = 	snop  }
0x7: {  	_ = 	snop  }
__scs_overlays_trampoline_lowered:
0x8: {  	[smem:$0x3FAB] =	sst s0  }
0x9: {  	[smem:$0x3FAC] =	sst s1  }
0xa: {  	[smem:$0x3FAD] =	sst s2  }
0xb: {  	[smem:$0x3FAE] =	sst s3  }
0xc: {  	[smem:$0x3FAF] =	sst s4  }
0xd: {  	[smem:$0x3FB0] =	sst s5  }
0xe: {  	[smem:$0x3FB1] =	sst s6  }
0xf: {  	[smem:$0x3FB2] =	sst s7  }
0x10: {  	[smem:$0x3FB3] =	sst s8  }
0x11: {  	[smem:$0x3FB4] =	sst s9;
	s0 =	simm.s32 @!p0 $0x0  }
0x12: {  	s1 =	sld [smem:$0x3F9A];
	s0 =	simm.s32 @p0 $0x1  }
0x13: {  	[smem:$0x3FB5] =	sst s0;
	s0 =	simm.s32 @!p1 $0x0  }
0x14: {  	s2 =	sld [smem:$0x3F99];
	s0 =	simm.s32 @p1 $0x1  }
0x15: {  	[smem:$0x3FB6] =	sst s0;
	s0 =	simm.s32 @!p2 $0x0  }
0x16: {  	s3 =	sld [smem:$0x3FDB];
	s0 =	simm.s32 @p2 $0x1  }
0x17: {  	s4 =	simm.s32 $0x1BF5;
	[smem:$0x3FB8] =	sst s0  }
0x18: {  	s0 =	sld [smem:$0x3F9B];
	_ =	swait.ge [sflag:s4], $0x0  }
0x19: {  	s7 =	sld [smem:$0x3F9C]  }
0x1a: {  	s8 =	sadd.s32 $0xFFFFE003, lr  }
0x1b: {  	s9 =	sadd.s32 $0xFFFFFEF7, lr;
	s5 =	simm.s32 $0xFFFFFFFF;
	p2 =	slt.u32 s8, $0xFFFFF086  }
0x1c: {  	p1 =	slt.u32 s9, $0xF7A;
	s5 =	simm.s32 @!p2 $0x0  }
0x1d: {  	s5 =	simm.s32 @p1 $0x1;
	p0 =	seq.s32 s7, s2  }
0x1e: {  	s7 =	smul.u32 @!p0 $0xF7A, s2;
	p2 =	seq.s32 @!p0 s5, $0x0  }
0x1f: {  	s9 =	smul.u32 $0xF7A, s1;
	s8 =	simm.s32 @!p0 $0x1BF5;
	p2 =	por !p2, p0  }
0x20: {  	[sflag:s8] =	ssyncset.s32 @!p0 $0xFFFFF086;
	s6 =	sadd.s32 @!p0 s3, s7;
	s7 =	simm.s32 @!p0 $0x108  }
0x21: {  	s3 =	sadd.s32 s3, s9;
	s6 =	sadd.s32 @!p0 $0x88, s6;
	s7 =	simm.s32 @p2 $0x1082  }
0x22: {  	[simem:s7], [sflag:s8] =	dma.local @!p0 [hbm:s6], $0xF7A  }
0x23: {  	s9 =	sor.u32 $0xD0000000, s2;
	s6 =	simm.s32 $0x108;
	_ =	swait.ge @!p0 [sflag:s8], $0x0  }
0x24: {  	s3 =	sadd.s32 $0x88, s3;
	s6 =	simm.s32 @!p1 $0x1082;
	[sflag:s4] =	ssyncset.s32 $0xFFFFF086  }
0x25: {  	[simem:s6], [sflag:s4] =	dma.local [hbm:s3], $0xF7A  }
0x26: {  	[smem:$0x3F9C] =	sst s1;
	(tag) =	ssettag s2;
	_ =	strace s9  }
0x27: {  	s1 =	sld [smem:$0x3FAC]  }
0x28: {  	s2 =	sld [smem:$0x3FAD]  }
0x29: {  	s4 =	sld [smem:$0x3FAF]  }
0x2a: {  	p0 =	seq.s32 s5, $0x0;
	s5 =	sld [smem:$0x3FB0]  }
0x2b: {  	s6 =	sld [smem:$0x3FB1]  }
0x2c: {  	s7 =	sld [smem:$0x3FB2]  }
0x2d: {  	s3 =	simm.s32 $0x108;
	s8 =	sld [smem:$0x3FB3]  }
0x2e: {  	s3 =	simm.s32 @!p0 $0x1082;
	s9 =	sld [smem:$0x3FB4]  }
0x2f: {  	lr =	sadd.s32 s0, s3;
	s0 =	sld [smem:$0x3FAB]  }
0x30: {  	s3 =	sld [smem:$0x3FAE]  }
0x31: {  	[smem:$0x3FB7] =	sst s10  }
0x32: {  	s10 =	sld [smem:$0x3FB5];
	_ =	sdelay $0x3  }
0x33: {  	p0 =	seq.s32 s10, $0x1;
	s10 =	sld [smem:$0x3FB7];
	_ =	sdelay $0x3  }
0x34: {  	[smem:$0x3FB7] =	sst s10  }
0x35: {  	s10 =	sld [smem:$0x3FB6];
	_ =	sdelay $0x3  }
0x36: {  	p1 =	seq.s32 s10, $0x1;
	s10 =	sld [smem:$0x3FB7];
	_ =	sdelay $0x3  }
0x37: {  	[smem:$0x3FB7] =	sst s10  }
0x38: {  	s10 =	sld [smem:$0x3FB8]  }
0x39: {  	_ = 	snop;
	(pc) =	sbr.ind lr, $3  }
0x3a: {  	_ = 	snop  }
0x3b: {  	_ = 	snop  }
0x3c: {  	p2 =	seq.s32 s10, $0x1;
	s10 =	sld [smem:$0x3FB7]  }
0x3d: {  	_ =	shalt  }
0x3e: {  	_ =	shalt  }
0x3f: {  	_ =	shalt  }
0x40: {  	_ =	shalt  }
0x41: {  	_ =	shalt  }
0x42: {  	_ =	shalt  }
0x43: {  	_ =	shalt  }
0x44: {  	_ =	shalt  }
0x45: {  	_ =	shalt  }
0x46: {  	_ =	shalt  }
0x47: {  	_ =	shalt  }
0x48: {  	_ =	shalt  }
0x49: {  	_ =	shalt  }
0x4a: {  	_ =	shalt  }
0x4b: {  	_ =	shalt  }
0x4c: {  	_ =	shalt  }
0x4d: {  	_ =	shalt  }
0x4e: {  	_ =	shalt  }
0x4f: {  	_ =	shalt  }
0x50: {  	_ =	shalt  }
0x51: {  	_ =	shalt  }
0x52: {  	_ =	shalt  }
0x53: {  	_ =	shalt  }
0x54: {  	_ =	shalt  }
0x55: {  	_ =	shalt  }
0x56: {  	_ =	shalt  }
0x57: {  	_ =	shalt  }
0x58: {  	_ =	shalt  }
0x59: {  	_ =	shalt  }
0x5a: {  	_ =	shalt  }
0x5b: {  	_ =	shalt  }
0x5c: {  	_ =	shalt  }
0x5d: {  	_ =	shalt  }
0x5e: {  	_ =	shalt  }
0x5f: {  	_ =	shalt  }
0x60: {  	_ =	shalt  }
0x61: {  	_ =	shalt  }
0x62: {  	_ =	shalt  }
0x63: {  	_ =	shalt  }
0x64: {  	_ =	shalt  }
0x65: {  	_ =	shalt  }
0x66: {  	_ =	shalt  }
0x67: {  	_ =	shalt  }
0x68: {  	_ =	shalt  }
0x69: {  	_ =	shalt  }
0x6a: {  	_ =	shalt  }
0x6b: {  	_ =	shalt  }
0x6c: {  	_ =	shalt  }
0x6d: {  	_ =	shalt  }
0x6e: {  	_ =	shalt  }
0x6f: {  	_ =	shalt  }
0x70: {  	_ =	shalt  }
0x71: {  	_ =	shalt  }
0x72: {  	_ =	shalt  }
0x73: {  	_ =	shalt  }
0x74: {  	_ =	shalt  }
0x75: {  	_ =	shalt  }
0x76: {  	_ =	shalt  }
0x77: {  	_ =	shalt  }
0x78: {  	_ =	shalt  }
0x79: {  	_ =	shalt  }
0x7a: {  	_ =	shalt  }
0x7b: {  	_ =	shalt  }
0x7c: {  	_ =	shalt  }
0x7d: {  	_ =	shalt  }
0x7e: {  	_ =	shalt  }
0x7f: {  	_ =	shalt  }
0x80: {  	_ =	shalt  }
0x81: {  	_ =	shalt  }
0x82: {  	_ =	shalt  }
0x83: {  	_ =	shalt  }
0x84: {  	_ =	shalt  }
0x85: {  	_ =	shalt  }
0x86: {  	_ =	shalt  }
0x87: {  	_ =	shalt  }
.Lfunc_end0:
.L_simem_size_0:
called_computation_lowered:
.L_overlay_start_0:
0x88: {  	s2 =	sld [smem:$0x3FD9]  }
0x89: {  	s3 =	sld [smem:$0x3FFE];
	_ =	sdelay $0x1  }
0x8a: {  	s1 =	srdreg.scid  }
0x8b: {  	s0 =	sand.u32 $0x1, s1  }
0x8c: {  	s17 =	sshll.u32 s0, $0xA;
	s2 =	sadd.s32 s3, s2  }
0x8d: {  	s2 =	sadd.s32 s2, s17  }
0x8e: {  	[smem:$0x3FC3] =	sst s2  }
0x8f: {  	_ = 	snop  }
0x90: {  	s2 =	sld [smem:$0x3FC9]  }
0x91: {  	s18 =	sld [smem:$0x3FC8]  }
0x92: {  	s4 =	sld [smem:$0x3FD0];
	(tm) =	ssettm $0x1  }
0x93: {  	s5 =	sld [smem:$0x3FFB];
	_ =	sdelay $0x3  }
0x94: {  	_ =	strace s5  }
0x95: {  	s5 =	sld [smem:$0x3FFC];
	_ =	sdelay $0x3  }
0x96: {  	_ =	strace s5  }
0x97: {  	s5 =	sld [smem:$0x3FFD];
	_ =	sdelay $0x3  }
0x98: {  	_ =	strace s5  }
0x99: {  	_ =	strace $0x8FFFFFFF  }
0x9a: {  	s19 =	sld [smem:$0x3FDB];
	_ =	sdelay $0x1  }
0x9b: {  	s6 =	simm.s32 $_scs_section_size  }
0x9c: {  	s7 =	simm.s32 $_size__tile_overlayer_lowered;
	s8 =	simm.s32 $_tile_overlayer_lowered  }
0x9d: {  	s22 =	simm.s32 $0x1BFF;
	s21 =	sshll.u32 s8, $0x1;
	s5 =	sadd.s32 s6, s19  }
0x9e: {  	s9 =	simm.s32 $0x0;
	s20 =	sshll.u32 s7, $0x1;
	s7 =	sadd.s32 s21, s5  }
0x9f: {  	[timem:s9], [sflag:s22] =	dma.local [hbm:s7], s20  }
0xa0: {  	_ =	swait.ge [sflag:s22], s20  }
0xa1: {  	s6 =	ssub.s32 $0x0, s20;
	[sflag:s22] =	ssyncset.done $0x0  }
0xa2: {  	[sflag:s22] =	ssyncadd.s32 s6;
	_ =	sdelay $0x1  }
0xa3: {  	s23 =	simm.s32 $0x1B8B  }
0xa4: {  	_ =	swait.ge [sflag:s23], $0x1  }
0xa5: {  	[sflag:s23] =	ssyncset.done $0x0  }
0xa6: {  	s25 =	simm.s32 $0x1B8E;
	s24 =	sld [smem:$0x3FFE];
	[sflag:s23] =	ssyncadd.s32 $0xFFFFFFFF  }
0xa7: {  	s26 =	simm.s32 $execute0_lowered;
	[smem:$0x3FD2] =	sst s25  }
0xa8: {  	s7 =	sshll.u32 s26, $0x1;
	_ =	strace $0x80000046;
	[dreg:$0x1] =	wrdreg $0xFFFFFFFF  }
0xa9: {  	s28 =	simm.s32 $_size_execute0_lowered;
	s5 =	sadd.s32 s5, s7;
	[dreg:$0x0] =	wrdreg $0x0  }
0xaa: {  	s7 =	sshll.u32 s28, $0x1;
	[dreg:$0x2] =	wrdreg s5  }
0xab: {  	[dreg:$0x3] =	wrdreg s7  }
0xac: {  	[dreg:$0x4] =	wrdreg $0xC0  }
0xad: {  	_ =	task [dreg:s9], $0x5FFFF  }
0xae: {  	[dreg:$0x1] =	wrdreg $0xFFFFFFFF  }
0xaf: {  	[dreg:$0x0] =	wrdreg $0x60  }
0xb0: {  	[dreg:$0x2] =	wrdreg s2  }
0xb1: {  	[dreg:$0x3] =	wrdreg s18  }
0xb2: {  	[dreg:$0x4] =	wrdreg s4  }
0xb3: {  	[dreg:$0x5] =	wrdreg s24  }
0xb4: {  	[dreg:$0x6] =	wrdreg $0x105000  }
0xb5: {  	[dreg:$0x7] =	wrdreg $0x1A1400  }
0xb6: {  	[dreg:$0x8] =	wrdreg $0x9  }
0xb7: {  	_ =	task.clear_ibuf [dreg:s9], $0x9FFFF;
	_ =	strace $0x90000046  }
0xb8: {  	s29 =	simm.s32 $0x9;
	_ =	strace $0x80000048  }
0xb9: {  	_ =	swait.ge [sflag:s29], $0x1  }
0xba: {  	[sflag:s29] =	ssyncadd.s32 $0xFFFFFFFF  }
0xbb: {  	_ =	strace $0x90000048  }
0xbc: {  	_ =	sfence  }
0xbd: {  	s30 =	sld [smem:$0x0];
	_ =	sdelay $0x2  }
0xbe: {  	s31 =	sshll.u32 s1, $0xD;
	s1 =	sshrl.u32 s1, $0x2  }
0xbf: {  	s3 =	sand.u32 $0x4000, s31;
	s1 =	sadd.s32 s1, s30  }
0xc0: {  	s0 =	sor.u32 s3, s0;
	s1 =	sshll.u32 s1, $0x11  }
0xc1: {  	s0 =	sor.u32 s1, s0  }
0xc2: {  	s0 =	sadd.s32 $0x8F2B, s0  }
0xc3: {  	[sflag:s0] =	ssyncadd.remote.s32 $0x1  }
0xc4: {  	_ =	sfence.sel $0xFFFF  }
0xc5: {  	[dreg:$0x0] =	wrdreg $0xFFFFFFFF;
	(pc) =	sbr.abs _section_cstart, $3  }
0xc6: {  	[dreg:$0x1] =	wrdreg $0xFFFFFFFF  }
0xc7: {  	_ =	task.clear_ibuf [dreg:s9], $0x2FFFF;
	_ =	strace $0x9FFFFFFF  }
0xc8: {  	(tm) =	ssettm $0x7FFFFFFF  }
0xc9: {  	_ =	shalt  }
tec
execute0_lowered:
.L_overlay_start_1:
0x0: {  	(tag) =	ssettag $0x1  }
0x1: {  	s8 =	rddreg [dreg:$0x1];
	s0 =	srdreg.scid  }
0x2: {  	s14 =	rddreg [dreg:$0x2];
	s29 =	stileid.u32  }
0x3: {  	s2 =	rddreg [dreg:$0x3];
	s1 =	simm.s32 $0x0;
	s24 =	smul.u32 $0x9C, s29  }
0x4: {  	s12 =	sand.u32 $0x1, s0;
	[smem:$0x7FF] =	sst s1;
	s15 =	smul.u32 $0x2800, s29  }
0x5: {  	s13 =	sadd.s32 $0x1200, s2;
	s11 =	sor.u32 $0x10, s29;
	s5 =	smul.u32 $0x500, s29  }
0x6: {  	s10 =	sor.u32 $0x20, s29;
	s9 =	sor.u32 $0x30, s29;
	s19 =	smul.u32 $0x27100, s12  }
0x7: {  	s7 =	sor.u32 $0x40, s29;
	s6 =	sor.u32 $0x50, s29;
	s17 =	smul.u32 $0x2800, s11  }
0x8: {  	s16 =	smin.u32 s29, $0x4;
	s2 =	sor.u32 $0x70, s29;
	s18 =	smul.u32 $0x2800, s10  }
0x9: {  	s0 =	sadd.s32 $0x4, s0;
	p0 =	sgt.u32 s29, $0xC;
	s26 =	smul.u32 $0x2800, s9  }
0xa: {  	p1 =	sgt.u32 s29, $0x3;
	p4 =	slt.u32 s29, $0x4;
	s20 =	smul.u32 $0x2800, s7  }
0xb: {  	s3 =	ssub.s32 $0x2, s12;
	s25 =	sshll.u32 s12, $0x6;
	s21 =	smul.u32 $0x2800, s6  }
0xc: {  	p2 =	sne.s32 s12, $0x0;
	p3 =	seq.s32 s12, $0x0;
	v0 =	vmov s12;
	s12 =	simm.s32 $0x7  }
0xd: {  	s4 =	sshrl.u32 s3, $0x1;
	s16 =	sadd.s32 s16, s24;
	s15 =	sor.u32 s25, s15  }
0xe: {  	s24 =	smul.u32 $0x2800, s2;
	s4 =	ssub.s32 s3, s4;
	s3 =	sor.u32 $0x60, s29  }
0xf: {  	s16 =	sshll.u32 s16, $0x5;
	s17 =	sor.u32 s25, s17;
	s15 =	sshrl.u32 s15, $0x3  }
0x10: {  	s23 =	sor.u32 s25, s18;
	s20 =	sor.u32 s25, s20;
	s21 =	sor.u32 s25, s21  }
0x11: {  	s31 =	sadd.s32 s8, s16;
	s17 =	sshrl.u32 s17, $0x3;
	s15 =	sadd.s32 s14, s15  }
0x12: {  	s22 =	smul.u32 $0x2800, s3;
	s16 =	sor.u32 s25, s26;
	s18 =	sor.u32 s25, s24  }
0x13: {  	s8 =	smul.u32 $0x500, s11;
	s4 =	smax.u32 s4, $0x1;
	[dreg:$0x8] =	wrdreg s15  }
0x14: {  	s17 =	sadd.s32 s14, s17;
	s16 =	sshrl.u32 s16, $0x3;
	s18 =	sshrl.u32 s18, $0x3  }
0x15: {  	[dreg:$0x9] =	wrdreg s17;
	s15 =	sor.u32 s25, s22;
	s17 =	sshrl.u32 s23, $0x3  }
0x16: {  	s25 =	sshrl.u32 s20, $0x3;
	s16 =	sadd.s32 s14, s16;
	s20 =	sadd.s32 s5, s19  }
0x17: {  	s22 =	sadd.s32 s19, s8;
	s17 =	sadd.s32 s14, s17;
	[dreg:$0xb] =	wrdreg s16  }
0x18: {  	s26 =	sadd.s32 s14, s25;
	s15 =	sshrl.u32 s15, $0x3;
	[dreg:$0xa] =	wrdreg s17  }
0x19: {  	[dreg:$0xc] =	wrdreg s26;
	s17 =	sshrl.u32 s21, $0x3;
	s15 =	sadd.s32 s14, s15  }
0x1a: {  	s21 =	sshrl.u32 s20, $0x3;
	s16 =	sadd.s32 s14, s17;
	[dreg:$0xe] =	wrdreg s15  }
0x1b: {  	s14 =	sadd.s32 s14, s18;
	s15 =	sadd.s32 s13, s21;
	[dreg:$0xd] =	wrdreg s16  }
0x1c: {  	[dreg:$0xf] =	wrdreg s14;
	s14 =	smul.u32 $0x500, s10;
	s16 =	sshrl.u32 s22, $0x3  }
0x1d: {  	[dreg:$0x10] =	wrdreg s15;
	s15 =	smul.u32 $0x500, s9;
	s16 =	sadd.s32 s13, s16  }
0x1e: {  	s17 =	smul.u32 $0x500, s6;
	[dreg:$0x11] =	wrdreg s16;
	s23 =	sadd.s32 s19, s14  }
0x1f: {  	s16 =	smul.u32 $0x500, s7;
	s25 =	sadd.s32 s19, s15;
	s24 =	sshrl.u32 s23, $0x3  }
0x20: {  	s22 =	smul.u32 $0x500, s3;
	s20 =	sshrl.u32 s25, $0x3;
	s18 =	sadd.s32 s13, s24  }
0x21: {  	s26 =	sadd.s32 s19, s16;
	s23 =	sadd.s32 s13, s20;
	[dreg:$0x12] =	wrdreg s18  }
0x22: {  	[dreg:$0x13] =	wrdreg s23;
	s24 =	sshrl.u32 s26, $0x3;
	s23 =	smul.u32 $0x5000, s29  }
0x23: {  	s26 =	sadd.s32 s19, s22;
	s18 =	sadd.s32 s13, s24;
	s24 =	smul.u32 $0x500, s2  }
0x24: {  	s25 =	sadd.s32 s19, s17;
	s20 =	sshrl.u32 s26, $0x3;
	s26 =	smul.u32 $0x5000, s10  }
0x25: {  	s10 =	smul.u32 $0x1400, s10;
	[dreg:$0x14] =	wrdreg s18;
	s18 =	sshrl.u32 s25, $0x3  }
0x26: {  	s21 =	sadd.s32 s13, s20;
	s20 =	rddreg [dreg:$0x4];
	s25 =	smul.u32 $0x1400, s29  }
0x27: {  	s23 =	sshrl.u32 s23, $0x2;
	s29 =	simm.s32 $0x2;
	[dreg:$0x16] =	wrdreg s21  }
0x28: {  	s18 =	sadd.s32 s13, s18;
	s19 =	sadd.s32 s19, s24;
	s21 =	rddreg [dreg:$0x5]  }
0x29: {  	s10 =	sshrl.u32 s10, $0x2;
	[dreg:$0x15] =	wrdreg s18;
	s19 =	sshrl.u32 s19, $0x3  }
0x2a: {  	s18 =	rddreg [dreg:$0x0];
	s10 =	sadd.s32 s10, s21;
	s13 =	sadd.s32 s13, s19  }
0x2b: {  	s19 =	sadd.s32 s23, s20;
	s23 =	smul.u32 $0x5000, s9;
	[dreg:$0x17] =	wrdreg s13  }
0x2c: {  	s9 =	smul.u32 $0x1400, s9;
	_ =	strace $0x80000047;
	[dreg:$0x18] =	wrdreg s19  }
0x2d: {  	s25 =	sshrl.u32 s25, $0x2;
	s13 =	smul.u32 $0x5000, s11;
	[dreg:$0x1c] =	wrdreg s10  }
0x2e: {  	s11 =	smul.u32 $0x1400, s11;
	s19 =	sadd.s32 s25, s21;
	[smem:$0x7F3] =	sst s4  }
0x2f: {  	s25 =	sshrl.u32 s26, $0x2;
	s26 =	smul.u32 $0x5000, s7;
	[smem:$0x7F4] =	sst s0  }
0x30: {  	s5 =	sadd.s32 s5, s21;
	s7 =	smul.u32 $0x1400, s7;
	[dreg:$0x7] =	wrdreg s31  }
0x31: {  	s9 =	sshrl.u32 s9, $0x2;
	s4 =	simm.s32 $0x80;
	[dreg:$0x19] =	wrdreg s19  }
0x32: {  	s13 =	sshrl.u32 s13, $0x2;
	s11 =	sshrl.u32 s11, $0x2;
	s28 =	sadd.s32 s25, s20  }
0x33: {  	s19 =	sshrl.u32 s23, $0x2;
	s23 =	smul.u32 $0x5000, s6;
	s9 =	sadd.s32 s9, s21  }
0x34: {  	s6 =	smul.u32 $0x1400, s6;
	s13 =	sadd.s32 s13, s20;
	s11 =	sadd.s32 s11, s21  }
0x35: {  	s30 =	sadd.s32 s19, s20;
	[dreg:$0x1d] =	wrdreg s9;
	s25 =	sshrl.u32 s26, $0x2  }
0x36: {  	s7 =	sshrl.u32 s7, $0x2;
	s26 =	smul.u32 $0x5000, s3;
	[dreg:$0x1a] =	wrdreg s13  }
0x37: {  	[dreg:$0x1b] =	wrdreg s11;
	s19 =	sadd.s32 s25, s20;
	s11 =	smul.u32 $0x1400, s3  }
0x38: {  	s7 =	sadd.s32 s7, s21;
	s10 =	sshrl.u32 s23, $0x2;
	s13 =	smul.u32 $0x5000, s2  }
0x39: {  	s6 =	sshrl.u32 s6, $0x2;
	s25 =	smul.u32 $0x1400, s2;
	[dreg:$0x1e] =	wrdreg s7  }
0x3a: {  	s3 =	sadd.s32 s10, s20;
	s6 =	sadd.s32 s6, s21;
	s23 =	sshrl.u32 s26, $0x2  }
0x3b: {  	s10 =	sadd.s32 s8, s21;
	s8 =	simm.s32 $0x4;
	[dreg:$0x1f] =	wrdreg s6  }
0x3c: {  	s2 =	sadd.s32 s23, s20;
	s26 =	sshrl.u32 s11, $0x2;
	s7 =	sshrl.u32 s13, $0x2  }
0x3d: {  	s9 =	sshrl.u32 s25, $0x2;
	s11 =	sadd.s32 s14, s21;
	s13 =	sadd.s32 s15, s21  }
0x3e: {  	s23 =	sadd.s32 s16, s21;
	s25 =	sadd.s32 s17, s21;
	s14 =	sadd.s32 s24, s21  }
0x3f: {  	s15 =	sshrl.u32 s5, $0x3;
	s16 =	sshrl.u32 s10, $0x3;
	s5 =	simm.s32 $0x2000  }
0x40: {  	s10 =	simm.s32 $0x5;
	s6 =	sadd.s32 s26, s21;
	[smem:$0x7F5] =	sst s15  }
0x41: {  	s26 =	sadd.s32 s22, s21;
	[smem:$0x7F6] =	sst s16;
	s17 =	sshrl.u32 s11, $0x3  }
0x42: {  	s22 =	sshrl.u32 s13, $0x3;
	s23 =	sshrl.u32 s23, $0x3;
	[smem:$0x7F1] =	sst s6  }
0x43: {  	s24 =	sshrl.u32 s25, $0x3;
	s0 =	sshrl.u32 @!p0 s14, $0x3;
	[smem:$0x7F7] =	sst s17  }
0x44: {  	s11 =	simm.s32 $0x6;
	s13 =	simm.s32 $0x10;
	[smem:$0x7F8] =	sst s22  }
0x45: {  	s6 =	sadd.s32 s7, s20;
	s7 =	sadd.s32 s9, s21;
	[smem:$0x7F9] =	sst s23  }
.Ltmp0:
0x46: {  	[smem:$0x7FA] =	sst s24;
	s25 =	sshrl.u32 s26, $0x3;
	(pc) =	sbr.rel .LBB2_1-.Ltmp0, $4  }
0x47: {  	[smem:$0x7FC] =	sst s0;
	s26 =	sadd.s32 $0x1380, s31;
	s24 =	simm.s32 $0xFD00  }
0x48: {  	s17 =	simm.s32 $0x6000;
	s0 =	simm.s32 $0x8;
	[smem:$0x7F2] =	sst s7  }
0x49: {  	s9 =	simm.s32 $0x3;
	s31 =	simm.s32 $0x0;
	[smem:$0x7FB] =	sst s25  }
0x4a: {  	v1 =	vimm.f32 $0.0e+00;
	v2 =	vimm.f32 $1.000000000e+00;
	[smem:$0x7FD] =	sst s26;
	s26 =	simm.s32 $0x1;
	s7 =	simm.s32 $0x4000  }
.LBB2_19:
0x4b: {  	[sflag:s12] =	ssyncadd.s32 $0xFFFFF800  }
.LBB2_20:
0x4c: {  	s14 =	stileid.u32;
	[bflag:$0x0] =	sbarrier.arrive $0xFFFF  }
0x4d: {  	s14 =	sshll.u32 s14, $0x6;
	s16 =	rddreg [dreg:$0x18]  }
0x4e: {  	s17 =	rddreg [dreg:$0x8];
	s15 =	sor.u32 $0x1C01, s14;
	s16 =	sshrl.u32 s16, $0x3  }
0x4f: {  	[hbm:s17@s13], [sflag:s15] =	dma.strided [spmem:s16@s0], $0x280, s26, $0x8   }
0x50: {  	s17 =	sld [smem:$0x7F5];
	_ =	sdelay $0x1  }
0x51: {  	s14 =	sor.u32 $0x1C02, s14;
	s16 =	rddreg [dreg:$0x10]  }
0x52: {  	[hbm:s16], [sflag:s14] =	dma.local [spmem:s17], $0xA0  }
0x53: {  	s16 =	rddreg [dreg:$0x1a]  }
0x54: {  	s17 =	rddreg [dreg:$0x9];
	s16 =	sshrl.u32 s16, $0x3  }
0x55: {  	[hbm:s17@s13], [sflag:s15] =	dma.strided [spmem:s16@s0], $0x280, s26, $0x8   }
0x56: {  	s17 =	sld [smem:$0x7F6];
	_ =	sdelay $0x1  }
0x57: {  	s16 =	rddreg [dreg:$0x11]  }
0x58: {  	[hbm:s16], [sflag:s14] =	dma.local [spmem:s17], $0xA0  }
0x59: {  	s22 =	sshrl.u32 s28, $0x3;
	s17 =	rddreg [dreg:$0xa]  }
0x5a: {  	[hbm:s17@s13], [sflag:s15] =	dma.strided [spmem:s22@s0], $0x280, s26, $0x8   }
0x5b: {  	s17 =	sld [smem:$0x7F7];
	_ =	sdelay $0x1  }
0x5c: {  	s16 =	rddreg [dreg:$0x12]  }
0x5d: {  	[hbm:s16], [sflag:s14] =	dma.local [spmem:s17], $0xA0  }
0x5e: {  	s23 =	sshrl.u32 s30, $0x3;
	s17 =	rddreg [dreg:$0xb]  }
0x5f: {  	[hbm:s17@s13], [sflag:s15] =	dma.strided [spmem:s23@s0], $0x280, s26, $0x8   }
0x60: {  	s17 =	sld [smem:$0x7F8];
	_ =	sdelay $0x1  }
0x61: {  	s16 =	rddreg [dreg:$0x13]  }
0x62: {  	[hbm:s16], [sflag:s14] =	dma.local [spmem:s17], $0xA0  }
0x63: {  	s25 =	sshrl.u32 s19, $0x3;
	s17 =	rddreg [dreg:$0xc]  }
0x64: {  	[hbm:s17@s13], [sflag:s15] =	dma.strided [spmem:s25@s0], $0x280, s26, $0x8   }
0x65: {  	s17 =	sld [smem:$0x7F9];
	_ =	sdelay $0x1  }
0x66: {  	s16 =	rddreg [dreg:$0x14]  }
0x67: {  	[hbm:s16], [sflag:s14] =	dma.local [spmem:s17], $0xA0  }
0x68: {  	s22 =	sshrl.u32 s3, $0x3;
	s17 =	rddreg [dreg:$0xd]  }
0x69: {  	[hbm:s17@s13], [sflag:s15] =	dma.strided [spmem:s22@s0], $0x280, s26, $0x8   }
0x6a: {  	s17 =	sld [smem:$0x7FA];
	_ =	sdelay $0x1  }
0x6b: {  	s16 =	rddreg [dreg:$0x15]  }
0x6c: {  	[hbm:s16], [sflag:s14] =	dma.local [spmem:s17], $0xA0  }
0x6d: {  	s23 =	sshrl.u32 s2, $0x3;
	s17 =	rddreg [dreg:$0xe]  }
0x6e: {  	[hbm:s17@s13], [sflag:s15] =	dma.strided [spmem:s23@s0], $0x280, s26, $0x8   }
0x6f: {  	s17 =	sld [smem:$0x7FB];
	_ =	sdelay $0x1  }
0x70: {  	s22 =	simm.s32 @!p0 $0x10;
	s23 =	simm.s32 @!p0 $0x8;
	s16 =	rddreg [dreg:$0x16]  }
0x71: {  	[hbm:s16], [sflag:s14] =	dma.local [spmem:s17], $0xA0  }
0x72: {  	s16 =	sshrl.u32 @!p0 s6, $0x3;
	s17 =	simm.s32 @!p0 $0x1;
	s25 =	rddreg [dreg:$0xf]  }
0x73: {  	[hbm:s25@s22], [sflag:s15] =	dma.strided @!p0 [spmem:s16@s23], $0x280, s17, $0x8   }
0x74: {  	s16 =	sld [smem:$0x7FC];
	_ =	sdelay $0x1  }
0x75: {  	s15 =	rddreg [dreg:$0x17]  }
0x76: {  	[hbm:s15], [sflag:s14] =	dma.local @!p0 [spmem:s16], $0xA0  }
0x77: {  	_ =	swait.ge [sflag:s26], $0x280  }
0x78: {  	[sflag:s26] =	ssyncset.done $0x0  }
0x79: {  	[sflag:s26] =	ssyncadd.s32 $0xFFFFFD80  }
0x7a: {  	_ =	swait.ge [sflag:s29], $0xA0  }
0x7b: {  	[sflag:s29] =	ssyncset.done $0x0  }
0x7c: {  	[sflag:s29] =	ssyncadd.s32 $0xFFFFFF60  }
0x7d: {  	_ =	swait.ge [sflag:s26], $0x280  }
0x7e: {  	[sflag:s26] =	ssyncset.done $0x0  }
0x7f: {  	[sflag:s26] =	ssyncadd.s32 $0xFFFFFD80  }
0x80: {  	_ =	swait.ge [sflag:s29], $0xA0  }
0x81: {  	[sflag:s29] =	ssyncset.done $0x0  }
0x82: {  	[sflag:s29] =	ssyncadd.s32 $0xFFFFFF60  }
0x83: {  	_ =	swait.ge [sflag:s26], $0x280  }
0x84: {  	[sflag:s26] =	ssyncset.done $0x0  }
0x85: {  	[sflag:s26] =	ssyncadd.s32 $0xFFFFFD80  }
0x86: {  	_ =	swait.ge [sflag:s29], $0xA0  }
0x87: {  	[sflag:s29] =	ssyncset.done $0x0  }
0x88: {  	[sflag:s29] =	ssyncadd.s32 $0xFFFFFF60  }
0x89: {  	_ =	swait.ge [sflag:s26], $0x280  }
0x8a: {  	[sflag:s26] =	ssyncset.done $0x0  }
0x8b: {  	[sflag:s26] =	ssyncadd.s32 $0xFFFFFD80  }
0x8c: {  	_ =	swait.ge [sflag:s29], $0xA0  }
0x8d: {  	[sflag:s29] =	ssyncset.done $0x0  }
0x8e: {  	[sflag:s29] =	ssyncadd.s32 $0xFFFFFF60  }
0x8f: {  	_ =	swait.ge [sflag:s26], $0x280  }
0x90: {  	[sflag:s26] =	ssyncset.done $0x0  }
0x91: {  	[sflag:s26] =	ssyncadd.s32 $0xFFFFFD80  }
0x92: {  	_ =	swait.ge [sflag:s29], $0xA0  }
0x93: {  	[sflag:s29] =	ssyncset.done $0x0  }
0x94: {  	[sflag:s29] =	ssyncadd.s32 $0xFFFFFF60  }
0x95: {  	_ =	swait.ge [sflag:s26], $0x280  }
0x96: {  	[sflag:s26] =	ssyncset.done $0x0  }
0x97: {  	[sflag:s26] =	ssyncadd.s32 $0xFFFFFD80  }
0x98: {  	_ =	swait.ge [sflag:s29], $0xA0  }
0x99: {  	[sflag:s29] =	ssyncset.done $0x0  }
0x9a: {  	[sflag:s29] =	ssyncadd.s32 $0xFFFFFF60  }
0x9b: {  	_ =	swait.ge [sflag:s26], $0x280  }
0x9c: {  	[sflag:s26] =	ssyncset.done $0x0  }
0x9d: {  	[sflag:s26] =	ssyncadd.s32 $0xFFFFFD80  }
0x9e: {  	_ =	swait.ge [sflag:s29], $0xA0  }
0x9f: {  	[sflag:s29] =	ssyncset.done $0x0  }
0xa0: {  	[sflag:s29] =	ssyncadd.s32 $0xFFFFFF60  }
0xa1: {  	_ =	swait.ge @!p0 [sflag:s17], $0x280  }
0xa2: {  	[sflag:s17] =	ssyncset.done @!p0 $0x0  }
0xa3: {  	s14 =	simm.s32 @!p0 $0x2;
	[sflag:s17] =	ssyncadd.s32 @!p0 $0xFFFFFD80  }
0xa4: {  	_ =	swait.ge @!p0 [sflag:s14], $0xA0  }
0xa5: {  	s25 =	sld [smem:$0x7F3];
	_ =	sdelay $0x1  }
0xa6: {  	s31 =	sadd.s32 $0x1, s31  }
0xa7: {  	p5 =	sne.s32 s31, s25  }
.Ltmp1:
0xa8: {  	_ = 	snop;
	(pc) =	sbr.rel @!p5 .LBB2_21-.Ltmp1, $3  }
0xa9: {  	_ =	sdelay $0x1  }
0xaa: {  	[sflag:s14] =	ssyncset.done @!p0 $0x0  }
0xab: {  	s17 =	simm.s32 $0x6000;
	[sflag:s14] =	ssyncadd.s32 @!p0 $0xFFFFFF60  }
.LBB2_1:
0xac: {  	s14 =	simm.s32 $0x20  }
0xad: {  	[tilespmem:s14+$0x0] =	vst v1  }
0xae: {  	[tilespmem:s14+$0xFFFFFFE0] =	vst v1  }
0xaf: {  	[tilespmem:s14+$0x10] =	vst v1  }
0xb0: {  	s15 =	simm.s32 $0x40;
	s16 =	simm.s32 $0x0;
	[tilespmem:s14+$0xFFFFFFF0] =	vst v1  }
.LBB2_2:
0xb1: {  	p5 =	sne.s32 s15, $0x1FC0  }
0xb2: {  	[tilespmem:s16+$0xFD00] =	vst v1;
	s14 =	sadd.s32 $0x40, s14;
	s16 =	smov.u32 s15;
	s15 =	sadd.s32 $0x40, s15  }
.Ltmp2:
0xb3: {  	[tilespmem:s14+$0x0] =	vst v1;
	(pc) =	sbr.rel @p5 .LBB2_2-.Ltmp2, $4  }
0xb4: {  	_ = 	snop  }
0xb5: {  	[tilespmem:s14+$0xFFFFFFE0] =	vst v1  }
0xb6: {  	[tilespmem:s14+$0x10] =	vst v1  }
0xb7: {  	s16 =	sshra.s32 s16, $0x2;
	[tilespmem:s14+$0xFFFFFFF0] =	vst v1  }
0xb8: {  	[tilespmem:s16+$0xFD00] =	vst v1;
	s14 =	rddreg [dreg:$0x18]  }
0xb9: {  	[spmem:s14] =	stream.linear.scatter [tilespmem:s1], [sflag:$0x1], $0x1400, $0x38;
	[tilespmem:$0x1C850] =	vst v63  }
0xba: {  	s22 =	rddreg [dreg:$0x19]  }
0xbb: {  	[spmem:s22] =	stream.linear.scatter [tilespmem:s24], [sflag:$0x2], $0x500, $0x38;
	[tilespmem:$0x1C850] =	vst v63  }
0xbc: {  	s23 =	rddreg [dreg:$0x1a]  }
0xbd: {  	[spmem:s23] =	stream.linear.scatter [tilespmem:s1], [sflag:$0x1], $0x1400, $0x38;
	[tilespmem:$0x1C850] =	vst v63  }
0xbe: {  	s25 =	rddreg [dreg:$0x1b]  }
0xbf: {  	[spmem:s25] =	stream.linear.scatter [tilespmem:s24], [sflag:$0x2], $0x500, $0x38;
	[tilespmem:$0x1C850] =	vst v63  }
0xc0: {  	_ = 	snop  }
0xc1: {  	[spmem:s28] =	stream.linear.scatter [tilespmem:s1], [sflag:$0x1], $0x1400, $0x38;
	[tilespmem:$0x1C850] =	vst v63  }
0xc2: {  	s15 =	rddreg [dreg:$0x1c]  }
0xc3: {  	[spmem:s15] =	stream.linear.scatter [tilespmem:s24], [sflag:$0x2], $0x500, $0x38;
	[tilespmem:$0x1C850] =	vst v63  }
0xc4: {  	_ = 	snop  }
0xc5: {  	[spmem:s30] =	stream.linear.scatter [tilespmem:s1], [sflag:$0x1], $0x1400, $0x38;
	[tilespmem:$0x1C850] =	vst v63  }
0xc6: {  	s16 =	rddreg [dreg:$0x1d]  }
0xc7: {  	[spmem:s16] =	stream.linear.scatter [tilespmem:s24], [sflag:$0x2], $0x500, $0x38;
	[tilespmem:$0x1C850] =	vst v63  }
0xc8: {  	_ = 	snop  }
0xc9: {  	[spmem:s19] =	stream.linear.scatter [tilespmem:s1], [sflag:$0x1], $0x1400, $0x38;
	[tilespmem:$0x1C850] =	vst v63  }
0xca: {  	s22 =	rddreg [dreg:$0x1e]  }
0xcb: {  	[spmem:s22] =	stream.linear.scatter [tilespmem:s24], [sflag:$0x2], $0x500, $0x38;
	[tilespmem:$0x1C850] =	vst v63  }
0xcc: {  	_ = 	snop  }
0xcd: {  	[spmem:s3] =	stream.linear.scatter [tilespmem:s1], [sflag:$0x1], $0x1400, $0x38;
	[tilespmem:$0x1C850] =	vst v63  }
0xce: {  	s23 =	rddreg [dreg:$0x1f]  }
0xcf: {  	[spmem:s23] =	stream.linear.scatter [tilespmem:s24], [sflag:$0x2], $0x500, $0x38;
	[tilespmem:$0x1C850] =	vst v63  }
0xd0: {  	s25 =	sld [smem:$0x7F1]  }
0xd1: {  	[spmem:s2] =	stream.linear.scatter [tilespmem:s1], [sflag:$0x1], $0x1400, $0x38;
	[tilespmem:$0x1C850] =	vst v63  }
0xd2: {  	_ = 	snop  }
0xd3: {  	[spmem:s25] =	stream.linear.scatter [tilespmem:s24], [sflag:$0x2], $0x500, $0x38;
	[tilespmem:$0x1C850] =	vst v63  }
0xd4: {  	s14 =	simm.s32 @!p0 $0x0;
	s15 =	sld [smem:$0x7F2]  }
0xd5: {  	[spmem:s6] =	stream.linear.scatter @!p0 [tilespmem:s14], [sflag:$0x1], $0x1400, $0x38;
	[tilespmem:$0x1C850] =	vst v63  }
0xd6: {  	s14 =	simm.s32 @!p0 $0xFD00  }
0xd7: {  	[spmem:s15] =	stream.linear.scatter @!p0 [tilespmem:s14], [sflag:$0x2], $0x500, $0x38;
	[tilespmem:$0x1C850] =	vst v63  }
0xd8: {  	_ =	swait.ge [sflag:s26], $0x1400  }
0xd9: {  	[sflag:s26] =	ssyncset.done $0x0  }
0xda: {  	[sflag:s26] =	ssyncadd.s32 $0xFFFFEC00  }
0xdb: {  	_ =	swait.ge [sflag:s29], $0x500  }
0xdc: {  	[sflag:s29] =	ssyncset.done $0x0  }
0xdd: {  	[sflag:s29] =	ssyncadd.s32 $0xFFFFFB00  }
0xde: {  	_ =	swait.ge [sflag:s26], $0x1400  }
0xdf: {  	[sflag:s26] =	ssyncset.done $0x0  }
0xe0: {  	[sflag:s26] =	ssyncadd.s32 $0xFFFFEC00  }
0xe1: {  	_ =	swait.ge [sflag:s29], $0x500  }
0xe2: {  	[sflag:s29] =	ssyncset.done $0x0  }
0xe3: {  	[sflag:s29] =	ssyncadd.s32 $0xFFFFFB00  }
0xe4: {  	_ =	swait.ge [sflag:s26], $0x1400  }
0xe5: {  	[sflag:s26] =	ssyncset.done $0x0  }
0xe6: {  	[sflag:s26] =	ssyncadd.s32 $0xFFFFEC00  }
0xe7: {  	_ =	swait.ge [sflag:s29], $0x500  }
0xe8: {  	[sflag:s29] =	ssyncset.done $0x0  }
0xe9: {  	[sflag:s29] =	ssyncadd.s32 $0xFFFFFB00  }
0xea: {  	_ =	swait.ge [sflag:s26], $0x1400  }
0xeb: {  	[sflag:s26] =	ssyncset.done $0x0  }
0xec: {  	[sflag:s26] =	ssyncadd.s32 $0xFFFFEC00  }
0xed: {  	_ =	swait.ge [sflag:s29], $0x500  }
0xee: {  	[sflag:s29] =	ssyncset.done $0x0  }
0xef: {  	[sflag:s29] =	ssyncadd.s32 $0xFFFFFB00  }
0xf0: {  	_ =	swait.ge [sflag:s26], $0x1400  }
0xf1: {  	[sflag:s26] =	ssyncset.done $0x0  }
0xf2: {  	[sflag:s26] =	ssyncadd.s32 $0xFFFFEC00  }
0xf3: {  	_ =	swait.ge [sflag:s29], $0x500  }
0xf4: {  	[sflag:s29] =	ssyncset.done $0x0  }
0xf5: {  	[sflag:s29] =	ssyncadd.s32 $0xFFFFFB00  }
0xf6: {  	_ =	swait.ge [sflag:s26], $0x1400  }
0xf7: {  	[sflag:s26] =	ssyncset.done $0x0  }
0xf8: {  	[sflag:s26] =	ssyncadd.s32 $0xFFFFEC00  }
0xf9: {  	_ =	swait.ge [sflag:s29], $0x500  }
0xfa: {  	[sflag:s29] =	ssyncset.done $0x0  }
0xfb: {  	[sflag:s29] =	ssyncadd.s32 $0xFFFFFB00  }
0xfc: {  	_ =	swait.ge [sflag:s26], $0x1400  }
0xfd: {  	[sflag:s26] =	ssyncset.done $0x0  }
0xfe: {  	[sflag:s26] =	ssyncadd.s32 $0xFFFFEC00  }
0xff: {  	_ =	swait.ge [sflag:s29], $0x500  }
0x100: {  	[sflag:s29] =	ssyncset.done $0x0  }
0x101: {  	s14 =	simm.s32 @!p0 $0x1;
	[sflag:s29] =	ssyncadd.s32 $0xFFFFFB00  }
0x102: {  	_ =	swait.ge @!p0 [sflag:s14], $0x1400  }
0x103: {  	[sflag:s14] =	ssyncset.done @!p0 $0x0  }
0x104: {  	[sflag:s14] =	ssyncadd.s32 @!p0 $0xFFFFEC00;
	s14 =	simm.s32 @!p0 $0x2  }
0x105: {  	_ =	swait.ge @!p0 [sflag:s14], $0x500  }
0x106: {  	[sflag:s14] =	ssyncset.done @!p0 $0x0  }
0x107: {  	s15 =	simm.s32 $0x0;
	[sflag:s14] =	ssyncadd.s32 @!p0 $0xFFFFFB00;
	s14 =	simm.s32 $0x40  }
.LBB2_4:
0x108: {  	p5 =	sne.s32 s14, $0x1FC0;
	[tilespmem:s15+$0xFD00] =	vst v2;
	s15 =	smov.u32 s14;
	s14 =	sadd.s32 $0x40, s14  }
.Ltmp3:
0x109: {  	(pc) =	sbr.rel @p5 .LBB2_4-.Ltmp3, $2  }
0x10a: {  	_ =	sdelay $0x2  }
0x10b: {  	s15 =	sshra.s32 s15, $0x2  }
0x10c: {  	[tilespmem:s15+$0xFD00] =	vst v2;
	s14 =	rddreg [dreg:$0x7]  }
0x10d: {  	[tilespmem:s17], [sflag:$0x8] =	stream.linear.gather [hbm4b:s14+s1], $0x9C00, $0x38;
	[tilespmem:$0x1C850] =	vst v63  }
0x10e: {  	_ =	swait.ge [sflag:s0], $0x9C00  }
0x10f: {  	s16 =	sld [smem:$0x7FD]  }
0x110: {  	[sflag:s0] =	ssyncset.done $0x0  }
0x111: {  	s15 =	simm.s32 @!p1 $0xFC00;
	s14 =	simm.s32 @!p1 $0x0;
	[sflag:s0] =	ssyncadd.s32 $0xFFFF6400  }
0x112: {  	[tilespmem:s15], [sflag:$0x8] =	stream.linear.gather @!p1 [hbm4b:s16+s14], $0x100, $0x38;
	[tilespmem:$0x1C850] =	vst v63  }
0x113: {  	s14 =	simm.s32 @!p1 $0x8  }
0x114: {  	_ =	swait.ge @!p1 [sflag:s14], $0x100  }
0x115: {  	[sflag:s14] =	ssyncset.done @!p1 $0x0  }
0x116: {  	[sflag:s14] =	ssyncadd.s32 @!p1 $0xFFFFFF00;
	s14 =	simm.s32 $0x0  }
0x117: {  	v4 =	vld [tilespmem:s14+$0x6000]  }
0x118: {  	v5 =	vld [tilespmem:s14+$0x6010]  }
0x119: {  	v7 =	vld [tilespmem:s14+$0x6020]  }
0x11a: {  	v6 =	vld [tilespmem:s14+$0x6030]  }
0x11b: {  	v3 =	vld [tilespmem:s14+$0x6040]  }
0x11c: {  	v8 =	vshll.u32 v4, $0x1;
	v4 =	vld [tilespmem:s14+$0x6050]  }
0x11d: {  	s15 =	simm.s32 $0x400;
	v9 =	vshll.u32 v5, $0x1;
	v5 =	vld [tilespmem:s14+$0x6060];
	v8 =	vor.u32 v0, v8  }
.LBB2_6:
0x11e: {  	s16 =	sshra.s32 s15, $0x2;
	p5 =	sne.s32 s15, $0x27000;
	[tilespmem:s14+$0x6000] =	vst v8;
	v8 =	vor.u32 v0, v9;
	v7 =	vshll.u32 v7, $0x1;
	v9 =	vld [tilespmem:s14+$0x6070]  }
0x11f: {  	v10 =	vld [tilespmem:s16+$0x6000];
	[tilespmem:s14+$0x6010] =	vst v8;
	v7 =	vor.u32 v0, v7;
	v6 =	vshll.u32 v6, $0x1  }
0x120: {  	v11 =	vld [tilespmem:s16+$0x6010];
	[tilespmem:s14+$0x6020] =	vst v7;
	v6 =	vor.u32 v0, v6;
	v3 =	vshll.u32 v3, $0x1  }
.Ltmp4:
0x121: {  	v7 =	vld [tilespmem:s16+$0x6020];
	[tilespmem:s14+$0x6030] =	vst v6;
	v3 =	vor.u32 v0, v3;
	v4 =	vshll.u32 v4, $0x1;
	(pc) =	sbr.rel @p5 .LBB2_6-.Ltmp4, $4  }
0x122: {  	v6 =	vld [tilespmem:s16+$0x6030];
	[tilespmem:s14+$0x6040] =	vst v3;
	v4 =	vor.u32 v0, v4;
	v5 =	vshll.u32 v5, $0x1  }
0x123: {  	v3 =	vld [tilespmem:s16+$0x6040];
	[tilespmem:s14+$0x6050] =	vst v4;
	v5 =	vor.u32 v0, v5;
	v8 =	vshll.u32 v9, $0x1  }
0x124: {  	v9 =	vshll.u32 v10, $0x1;
	v4 =	vld [tilespmem:s16+$0x6050];
	[tilespmem:s14+$0x6060] =	vst v5;
	v10 =	vor.u32 v0, v8  }
0x125: {  	s15 =	sadd.s32 $0x400, s15;
	v8 =	vor.u32 v0, v9;
	v9 =	vshll.u32 v11, $0x1;
	v5 =	vld [tilespmem:s16+$0x6060];
	[tilespmem:s14+$0x6070] =	vst v10;
	s14 =	smov.u32 s16  }
0x126: {  	[tilespmem:s14+$0x6000] =	vst v8;
	v60 =	vor.u32 v0, v9;
	v7 =	vshll.u32 v7, $0x1;
	v61 =	vld [tilespmem:s14+$0x6070]  }
0x127: {  	[tilespmem:s14+$0x6010] =	vst v60;
	v7 =	vor.u32 v0, v7;
	v6 =	vshll.u32 v6, $0x1  }
0x128: {  	[tilespmem:s14+$0x6020] =	vst v7;
	v6 =	vor.u32 v0, v6;
	v3 =	vshll.u32 v3, $0x1  }
0x129: {  	[tilespmem:s14+$0x6030] =	vst v6;
	v3 =	vor.u32 v0, v3;
	v4 =	vshll.u32 v4, $0x1  }
0x12a: {  	[tilespmem:s14+$0x6040] =	vst v3;
	v3 =	vor.u32 v0, v4;
	v62 =	vshll.u32 v5, $0x1  }
0x12b: {  	[tilespmem:s14+$0x6050] =	vst v3;
	v3 =	vor.u32 v0, v62;
	v63 =	vshll.u32 v61, $0x1  }
0x12c: {  	[tilespmem:s14+$0x6060] =	vst v3;
	v3 =	vor.u32 v0, v63  }
0x12d: {  	[tilespmem:s14+$0x6070] =	vst v3  }
0x12e: {  	[bflag:$0x0] =	sbarrier.arrive $0xFFFF  }
0x12f: {  	[tilespmem:s1], [sflag:$0x1] =	stream.indirect.gather [hbm4b:s18+s4], $0x40, s17, s4, $0xb8;
	[tilespmem:$0x1C850] =	vst v63  }
0x130: {  	s22 =	simm.s32 $0x6100  }
0x131: {  	[tilespmem:s5], [sflag:$0x2] =	stream.indirect.gather [hbm4b:s18+s4], $0x40, s22, s4, $0xb8;
	[tilespmem:$0x1C850] =	vst v63  }
0x132: {  	_ =	swait.ge [sflag:s26], $0x2000  }
0x133: {  	[sflag:s26] =	ssyncset.done $0x0  }
0x134: {  	s23 =	simm.s32 $0x6080;
	[sflag:s26] =	ssyncadd.s32 $0xFFFFE000  }
0x135: {  	[spmem:s20] =	stream.indirect.scatter.add.f32 [tilespmem:s1], [sflag:$0x4], $0x40, s23, s4, $0xb8;
	[tilespmem:$0x1C850] =	vst v63  }
0x136: {  	s15 =	simm.s32 @!p2 $0x6080;
	s16 =	simm.s32 @!p2 $0xFD00;
	s14 =	simm.s32 @!p2 $0x80  }
0x137: {  	[spmem:s21] =	stream.indirect.scatter.add.f32 @!p2 [tilespmem:s16], [sflag:$0x7], $0x10, s15, s14, $0xb8;
	[tilespmem:$0x1C850] =	vst v63  }
0x138: {  	s25 =	simm.s32 $0x6200  }
0x139: {  	[tilespmem:s7], [sflag:$0x3] =	stream.indirect.gather [hbm4b:s18+s4], $0x40, s25, s4, $0xb8;
	[tilespmem:$0x1C850] =	vst v63  }
0x13a: {  	_ =	swait.ge [sflag:s29], $0x2000  }
0x13b: {  	[sflag:s29] =	ssyncset.done $0x0  }
0x13c: {  	s17 =	simm.s32 $0x6180;
	[sflag:s29] =	ssyncadd.s32 $0xFFFFE000  }
0x13d: {  	[spmem:s20] =	stream.indirect.scatter.add.f32 [tilespmem:s5], [sflag:$0x5], $0x40, s17, s4, $0xb8;
	[tilespmem:$0x1C850] =	vst v63  }
0x13e: {  	s22 =	simm.s32 @!p3 $0xFD00;
	s15 =	simm.s32 @!p3 $0x80;
	s17 =	simm.s32 @!p3 $0x6180  }
0x13f: {  	[spmem:s21] =	stream.indirect.scatter.add.f32 @!p3 [tilespmem:s22], [sflag:$0x7], $0x10, s17, s15, $0xb8;
	[tilespmem:$0x1C850] =	vst v63  }
0x140: {  	_ =	swait.ge [sflag:s8], $0x2000  }
0x141: {  	[sflag:s8] =	ssyncset.done $0x0  }
0x142: {  	s22 =	simm.s32 $0x6300;
	[sflag:s8] =	ssyncadd.s32 $0xFFFFE000  }
0x143: {  	[tilespmem:s1], [sflag:$0x1] =	stream.indirect.gather [hbm4b:s18+s4], $0x40, s22, s4, $0xb8;
	[tilespmem:$0x1C850] =	vst v63  }
0x144: {  	_ =	swait.ge [sflag:s9], $0x2000  }
0x145: {  	[sflag:s9] =	ssyncset.done $0x0  }
0x146: {  	s23 =	simm.s32 $0x6280;
	[sflag:s9] =	ssyncadd.s32 $0xFFFFE000  }
0x147: {  	[spmem:s20] =	stream.indirect.scatter.add.f32 [tilespmem:s7], [sflag:$0x6], $0x40, s23, s4, $0xb8;
	[tilespmem:$0x1C850] =	vst v63  }
0x148: {  	s15 =	simm.s32 @!p2 $0x6280  }
0x149: {  	[spmem:s21] =	stream.indirect.scatter.add.f32 @!p2 [tilespmem:s16], [sflag:$0x7], $0x10, s15, s14, $0xb8;
	[tilespmem:$0x1C850] =	vst v63  }
0x14a: {  	_ =	swait.ge [sflag:s10], $0x2000  }
0x14b: {  	[sflag:s10] =	ssyncset.done $0x0;
	s15 =	sld [smem:$0x7F4]  }
0x14c: {  	s25 =	simm.s32 $0x6400;
	s14 =	simm.s32 $0x0;
	[sflag:s10] =	ssyncadd.s32 $0xFFFFE000  }
0x14d: {  	[tilespmem:s5], [sflag:$0x2] =	stream.indirect.gather [hbm4b:s18+s4], $0x40, s25, s4, $0xb8;
	[tilespmem:$0x1C850] =	vst v63  }
.LBB2_8:
0x14e: {  	_ =	swait.ge [sflag:s26], $0x2000;
	s17 =	sadd.s32 $0xFFFFFFFF, s15  }
0x14f: {  	s16 =	sshra.s32 s14, $0x2;
	[sflag:s26] =	ssyncset.done $0x0;
	s17 =	sand.u32 $0x1, s17  }
0x150: {  	s22 =	sadd.s32 $0x6380, s16;
	[sflag:s26] =	ssyncadd.s32 $0xFFFFE000;
	p5 =	seq.s32 s17, $0x1  }
0x151: {  	[spmem:s20] =	stream.indirect.scatter.add.f32 [tilespmem:s1], [sflag:$0x4], $0x40, s22, s4, $0xb8;
	[tilespmem:$0x1C850] =	vst v63  }
0x152: {  	s23 =	simm.s32 @!p5 $0x80;
	s25 =	simm.s32 @!p5 $0xFD00  }
0x153: {  	[spmem:s21] =	stream.indirect.scatter.add.f32 @!p5 [tilespmem:s25], [sflag:$0x7], $0x10, s22, s23, $0xb8;
	[tilespmem:$0x1C850] =	vst v63  }
0x154: {  	_ =	swait.ge [sflag:s11], $0x2000  }
0x155: {  	[sflag:s11] =	ssyncset.done $0x0  }
0x156: {  	s23 =	sadd.s32 $0x6500, s16;
	[sflag:s11] =	ssyncadd.s32 $0xFFFFE000  }
0x157: {  	[tilespmem:s7], [sflag:$0x3] =	stream.indirect.gather [hbm4b:s18+s4], $0x40, s23, s4, $0xb8;
	[tilespmem:$0x1C850] =	vst v63  }
0x158: {  	_ =	swait.ge [sflag:s29], $0x2000  }
0x159: {  	s25 =	sand.u32 $0x1, s15;
	[sflag:s29] =	ssyncset.done $0x0  }
0x15a: {  	s22 =	sadd.s32 $0x6480, s16;
	p5 =	seq.s32 s25, $0x1;
	[sflag:s29] =	ssyncadd.s32 $0xFFFFE000  }
0x15b: {  	[spmem:s20] =	stream.indirect.scatter.add.f32 [tilespmem:s5], [sflag:$0x5], $0x40, s22, s4, $0xb8;
	[tilespmem:$0x1C850] =	vst v63  }
0x15c: {  	s25 =	simm.s32 @!p5 $0xFD00;
	s23 =	simm.s32 @!p5 $0x80  }
0x15d: {  	[spmem:s21] =	stream.indirect.scatter.add.f32 @!p5 [tilespmem:s25], [sflag:$0x7], $0x10, s22, s23, $0xb8;
	[tilespmem:$0x1C850] =	vst v63  }
0x15e: {  	p5 =	seq.s32 @!p4 s14, $0x25800  }
0x15f: {  	p5 =	por p4, !p5  }
0x160: {  	_ =	swait.ge @p5 [sflag:s8], $0x2000  }
0x161: {  	[sflag:s8] =	ssyncset.done @p5 $0x0  }
0x162: {  	s22 =	sadd.s32 @p5 $0x6600, s16;
	[sflag:s8] =	ssyncadd.s32 @p5 $0xFFFFE000  }
0x163: {  	[tilespmem:s1], [sflag:$0x1] =	stream.indirect.gather @p5 [hbm4b:s18+s4], $0x40, s22, s4, $0xb8;
	[tilespmem:$0x1C850] =	vst v63  }
0x164: {  	_ =	swait.ge [sflag:s9], $0x2000  }
0x165: {  	[sflag:s9] =	ssyncset.done $0x0  }
0x166: {  	s16 =	sadd.s32 $0x6580, s16;
	p5 =	sne.s32 s17, $0x0;
	[sflag:s9] =	ssyncadd.s32 $0xFFFFE000  }
0x167: {  	[spmem:s20] =	stream.indirect.scatter.add.f32 [tilespmem:s7], [sflag:$0x6], $0x40, s16, s4, $0xb8;
	[tilespmem:$0x1C850] =	vst v63  }
0x168: {  	s17 =	simm.s32 @!p5 $0x80;
	s22 =	simm.s32 @!p5 $0xFD00  }
0x169: {  	[spmem:s21] =	stream.indirect.scatter.add.f32 @!p5 [tilespmem:s22], [sflag:$0x7], $0x10, s16, s17, $0xb8;
	[tilespmem:$0x1C850] =	vst v63  }
0x16a: {  	p5 =	seq.s32 s14, $0x25800  }
0x16b: {  	s16 =	simm.s32 @!p5 $0x5  }
0x16c: {  	_ =	swait.ge @!p5 [sflag:s16], $0x2000  }
0x16d: {  	[sflag:s16] =	ssyncset.done @!p5 $0x0  }
0x16e: {  	[sflag:s16] =	ssyncadd.s32 @!p5 $0xFFFFE000;
	s16 =	sshra.s32 @!p5 s14, $0x2;
	s14 =	sadd.s32 @!p5 $0xC00, s14  }
0x16f: {  	p6 =	sne.s32 @!p5 s14, $0x26400  }
0x170: {  	p6 =	por p5, !p6  }
.Ltmp5:
0x171: {  	_ = 	snop;
	(pc) =	sbr.rel @!p6 .LBB2_8-.Ltmp5, $4  }
0x172: {  	_ = 	snop  }
0x173: {  	s17 =	simm.s32 @!p5 $0x80  }
0x174: {  	s22 =	simm.s32 @!p5 $0x2000;
	s15 =	sadd.s32 @!p5 $0x3, s15;
	s16 =	sadd.s32 @!p5 $0x6700, s16  }
0x175: {  	[tilespmem:s22], [sflag:$0x2] =	stream.indirect.gather @!p5 [hbm4b:s18+s17], $0x40, s16, s17, $0xb8;
	[tilespmem:$0x1C850] =	vst v63  }
.Ltmp6:
0x176: {  	(pc) =	sbr.rel @p1 .LBB2_12-.Ltmp6, $1  }
0x177: {  	_ =	sdelay $0x3  }
.Ltmp7:
0x178: {  	(pc) =	sbr.rel @p2 .LBB2_16-.Ltmp7, $4  }
0x179: {  	_ =	swait.ge [sflag:s26], $0x2000  }
0x17a: {  	[sflag:s26] =	ssyncset.done $0x0  }
0x17b: {  	s14 =	simm.s32 $0xFC80;
	[sflag:s26] =	ssyncadd.s32 $0xFFFFE000  }
0x17c: {  	[spmem:s20] =	stream.indirect.scatter.add.f32 [tilespmem:s1], [sflag:$0x4], $0x40, s14, s4, $0xb8;
	[tilespmem:$0x1C850] =	vst v63  }
0x17d: {  	[spmem:s21] =	stream.indirect.scatter.add.f32 [tilespmem:s24], [sflag:$0x7], $0x10, s14, s4, $0xb8;
	[tilespmem:$0x1C850] =	vst v63  }
.LBB2_12:
0x17e: {  	_ =	swait.ge [sflag:s8], $0x2000  }
0x17f: {  	[sflag:s8] =	ssyncset.done $0x0  }
0x180: {  	[sflag:s8] =	ssyncadd.s32 $0xFFFFE000  }
0x181: {  	_ =	swait.ge [sflag:s10], $0x2000  }
.Ltmp8:
0x182: {  	[sflag:s10] =	ssyncset.done $0x0;
	(pc) =	sbr.rel @!p3 .LBB2_17-.Ltmp8, $4  }
0x183: {  	[sflag:s10] =	ssyncadd.s32 $0xFFFFE000  }
0x184: {  	_ =	swait.ge [sflag:s11], $0x2000  }
0x185: {  	[sflag:s11] =	ssyncset.done $0x0  }
0x186: {  	s14 =	simm.s32 $0x4E;
	[sflag:s11] =	ssyncadd.s32 $0xFFFFE000  }
0x187: {  	_ =	swait.ge [sflag:s12], $0x800  }
0x188: {  	s14 =	sadd.s32 $0xFFFFFFFF, s14;
	[sflag:s12] =	ssyncset.done $0x0  }
.LBB2_14:
0x189: {  	p5 =	sne.s32 s14, $0x1;
	s14 =	sadd.s32 $0xFFFFFFFF, s14;
	[sflag:s12] =	ssyncadd.s32 $0xFFFFF800  }
.Ltmp9:
0x18a: {  	(pc) =	sbr.rel @p5 .LBB2_14-.Ltmp9, $3  }
0x18b: {  	_ =	sdelay $0x1  }
0x18c: {  	_ =	swait.ge [sflag:s12], $0x800  }
0x18d: {  	[sflag:s12] =	ssyncset.done $0x0  }
.Ltmp10:
0x18e: {  	(pc) =	sbr.rel .LBB2_20-.Ltmp10, $4  }
0x18f: {  	[sflag:s12] =	ssyncadd.s32 $0xFFFFF800;
	s14 =	simm.s32 @!p1 $0x7  }
0x190: {  	_ =	swait.ge @!p1 [sflag:s14], $0x800  }
0x191: {  	[sflag:s14] =	ssyncset.done @!p1 $0x0  }
0x192: {  	[sflag:s14] =	ssyncadd.s32 @!p1 $0xFFFFF800  }
.LBB2_16:
0x193: {  	_ =	swait.ge [sflag:s8], $0x2000  }
0x194: {  	[sflag:s8] =	ssyncset.done $0x0  }
0x195: {  	[sflag:s8] =	ssyncadd.s32 $0xFFFFE000  }
0x196: {  	_ =	swait.ge [sflag:s10], $0x2000  }
0x197: {  	[sflag:s10] =	ssyncset.done $0x0  }
0x198: {  	[sflag:s10] =	ssyncadd.s32 $0xFFFFE000  }
0x199: {  	_ =	swait.ge [sflag:s11], $0x2000  }
0x19a: {  	[sflag:s11] =	ssyncset.done $0x0  }
0x19b: {  	[sflag:s11] =	ssyncadd.s32 $0xFFFFE000  }
.LBB2_17:
0x19c: {  	_ =	swait.ge [sflag:s12], $0x800  }
0x19d: {  	s14 =	simm.s32 $0x4D;
	[sflag:s12] =	ssyncset.done $0x0  }
.LBB2_18:
0x19e: {  	p5 =	sne.s32 s14, $0x1;
	s14 =	sadd.s32 $0xFFFFFFFF, s14;
	[sflag:s12] =	ssyncadd.s32 $0xFFFFF800  }
.Ltmp11:
0x19f: {  	(pc) =	sbr.rel @p5 .LBB2_18-.Ltmp11, $3  }
0x1a0: {  	_ =	sdelay $0x1  }
0x1a1: {  	_ =	swait.ge [sflag:s12], $0x800  }
0x1a2: {  	[sflag:s12] =	ssyncset.done $0x0  }
.Ltmp12:
0x1a3: {  	_ = 	snop;
	(pc) =	sbr.rel .LBB2_19-.Ltmp12, $1  }
0x1a4: {  	_ =	sdelay $0x3  }
.LBB2_21:
0x1a5: {  	_ =	sfence.sel $0x180000  }
0x1a6: {  	[bflag:$0x0] =	sbarrier.arrive $0xFFFF  }
0x1a7: {  	_ =	strace $0x90000047  }
0x1a8: {  	s0 =	stileid.u32;
	[bflag:$0x2] =	sbarrier.arrive $0xFFFF  }
0x1a9: {  	p0 =	sne.s32 s0, $0x0;
	s0 =	rddreg [dreg:$0x6]  }
0x1aa: {  	s0 =	sadd.s32 @!p0 $0x100000, s0  }
0x1ab: {  	[sflag:s0] =	ssyncadd.tile.s32 @!p0 $0x1;
	_ =	shalt  }
.Lfunc_end2:
_tile_overlayer_lowered:
.L_overlay_start_2:
0x1ac: {  	(tag) =	ssettag $0x2  }
0x1ad: {  	s0 =	rddreg [dreg:$0x0];
	s2 =	stileid.u32  }
0x1ae: {  	s1 =	rddreg [dreg:$0x1];
	p0 =	sne.s32 s2, $0x0  }
0x1af: {  	s3 =	rddreg [dreg:$0x2];
	[bflag:$0x3] =	sbarrier.arrive $0xFFFF;
	s2 =	simm.s32 @!p0 $0x1C08  }
0x1b0: {  	[timem:s3], [sflag:s2] =	dma.local @!p0 [hbm:s0], s1  }
0x1b1: {  	s0 =	simm.s32 @!p0 $0x8  }
0x1b2: {  	_ =	swait.ge @!p0 [sflag:s0], s1  }
0x1b3: {  	s1 =	ssub.s32 @!p0 $0x0, s1;
	[sflag:s0] =	ssyncset.done @!p0 $0x0  }
0x1b4: {  	[sflag:s0] =	ssyncadd.s32 @!p0 s1  }
0x1b5: {  	[bflag:$0x3] =	sbarrier.arrive $0xFFFF  }
0x1b6: {  	_ =	shalt  }

</sc_bundles>
